<compile_context>
chip_gen: v7x
topology: tpu7x:2x2x1
jax: 0.10.2.dev20260603
libtpu: 0.0.44.dev20260713+nightly
codegen_flags: <defaults>
</compile_context>

<pallas_src>
import functools

import jax
import jax.numpy as jnp
from jax import lax
from jax.experimental import pallas as pl
from jax.experimental.pallas import tpu as pltpu
from jax.experimental.pallas import tpu_sc as plsc

NC = 2
NS = 16
NW = NC * NS
CHUNK = 128


def _sc_aggregate(h, send3, rec3, agg_rows, rows_per_tile):
    n, d = h.shape
    ch = send3.shape[1]
    blocks_per_tile = rows_per_tile // CHUNK

    mesh = plsc.VectorSubcoreMesh(core_axis_name="c", subcore_axis_name="s")

    @functools.partial(
        pl.kernel,
        out_type=jax.ShapeDtypeStruct((NC, agg_rows, d), jnp.float32),
        mesh=mesh,
        scratch_types=[
            pltpu.VMEM((ch, CHUNK), jnp.int32),
            pltpu.VMEM((ch, CHUNK), jnp.int32),
            pltpu.VMEM((CHUNK, d), jnp.float32),
            pltpu.VMEM_SHARED((agg_rows, d), jnp.float32),
            pltpu.SemaphoreType.DMA,
            pltpu.SemaphoreType.DMA,
        ],
    )
    def agg_kernel(h_hbm, send_hbm, rec_hbm, out_hbm,
                   send_v, rec_v, rows_v, agg_sh, sem0, sem1):
        c = lax.axis_index("c")
        s = lax.axis_index("s")
        wid = c * NS + s
        base = s * rows_per_tile

        zv = jnp.zeros((16,), jnp.float32)

        def zrow(i, carry):
            for k in range(d // 16):
                rows_v[i, pl.ds(k * 16, 16)] = zv
            return carry

        lax.fori_loop(0, CHUNK, zrow, 0)
        for k in range(blocks_per_tile):
            pltpu.sync_copy(rows_v,
                            agg_sh.at[pl.ds(base + k * CHUNK, CHUNK)])
        plsc.subcore_barrier()

        pltpu.sync_copy(send_hbm.at[wid], send_v)
        pltpu.sync_copy(rec_hbm.at[wid], rec_v)

        def step(j, carry):
            pltpu.async_copy(
                h_hbm.at[send_v.at[j]], rows_v, sem0).wait()
            pltpu.sync_copy(rows_v, agg_sh.at[rec_v.at[j]], add=True)
            return carry

        lax.fori_loop(0, ch, step, 0)
        plsc.subcore_barrier()

        for k in range(blocks_per_tile):
            sl = pl.ds(base + k * CHUNK, CHUNK)
            pltpu.sync_copy(agg_sh.at[sl], rows_v)
            pltpu.sync_copy(rows_v, out_hbm.at[c, sl])

    return agg_kernel(h, send3, rec3)


def _tc_linear(x, parts, w, b, block_rows):
    n, d = x.shape
    grid = (n // block_rows,)

    if parts is None:
        def body(x_ref, w_ref, b_ref, o_ref):
            o_ref[...] = (
                jnp.dot(x_ref[...], w_ref[...],
                        preferred_element_type=jnp.float32) + b_ref[...]
            )

        in_specs = [
            pl.BlockSpec((block_rows, d), lambda i: (i, 0)),
            pl.BlockSpec((d, d), lambda i: (0, 0)),
            pl.BlockSpec((1, d), lambda i: (0, 0)),
        ]
        operands = (x, w, b.reshape(1, d))
    else:
        def body(x_ref, p_ref, w_ref, b_ref, o_ref):
            acc = x_ref[...] + p_ref[0] + p_ref[1]
            o_ref[...] = (
                jnp.dot(acc, w_ref[...],
                        preferred_element_type=jnp.float32) + b_ref[...]
            )

        in_specs = [
            pl.BlockSpec((block_rows, d), lambda i: (i, 0)),
            pl.BlockSpec((NC, block_rows, d), lambda i: (0, i, 0)),
            pl.BlockSpec((d, d), lambda i: (0, 0)),
            pl.BlockSpec((1, d), lambda i: (0, 0)),
        ]
        operands = (x, parts, w, b.reshape(1, d))

    return pl.pallas_call(
        body,
        grid=grid,
        in_specs=in_specs,
        out_specs=pl.BlockSpec((block_rows, d), lambda i: (i, 0)),
        out_shape=jax.ShapeDtypeStruct((n, d), jnp.float32),
    )(*operands)


def kernel(h, edge_index, W_embed, b_embed, Wl, bl):
    n, d = h.shape
    e = edge_index.shape[1]
    n_layers = Wl.shape[0]

    agg_rows = -(-(n + 1) // (NS * CHUNK)) * (NS * CHUNK)
    rows_per_tile = agg_rows // NS

    send = edge_index[0].astype(jnp.int32)
    rec = edge_index[1].astype(jnp.int32)

    per_tile = -(-e // NW)
    ch = -(-per_tile // CHUNK)
    e_pad = NW * ch * CHUNK
    pad = e_pad - e
    pad_rec = n + jnp.arange(pad, dtype=jnp.int32) % (agg_rows - n)
    send3 = jnp.concatenate(
        [send, jnp.zeros((pad,), jnp.int32)]).reshape(NW, ch, CHUNK)
    rec3 = jnp.concatenate([rec, pad_rec]).reshape(NW, ch, CHUNK)

    block_rows = 1000

    h = _tc_linear(h, None, W_embed, b_embed, block_rows)
    for i in range(n_layers):
        parts = _sc_aggregate(h, send3, rec3, agg_rows, rows_per_tile)
        h = _tc_linear(h, parts, Wl[i], bl[i], block_rows)
    return h

# --- scband reference (transcript-rebuilt; emitter-appended) ---
"""Pipeline reference for scband-gin-51170240364736 (READ-ONLY COPY).

The authoritative reference and input builder live on the scoring server;
editing this copy changes nothing except your own understanding.
"""

import jax, jax.numpy as jnp
import numpy as np

N = 10000
E = 320000
D_IN = 128
D_H = 128
N_LAYERS = 3

def setup_inputs(seed: int = 0) -> dict:
    key = jax.random.key(seed)
    ks = jax.random.split(key, 8)
    h = jax.random.normal(ks[0], (N, D_IN), dtype=jnp.float32)
    edge_index = jax.random.randint(ks[1], (2, E), 0, N, dtype=jnp.int64)
    # h_embed linear: feat_in -> num_hidden
    W_embed = jax.random.normal(ks[2], (D_IN, D_H), dtype=jnp.float32) * (1.0 / np.sqrt(D_IN))
    b_embed = jnp.zeros((D_H,), dtype=jnp.float32)
    # per-layer GIN update linears: num_hidden -> num_hidden, stacked over layers
    Wl = jax.random.normal(ks[3], (N_LAYERS, D_H, D_H), dtype=jnp.float32) * (1.0 / np.sqrt(D_H))
    bl = jnp.zeros((N_LAYERS, D_H), dtype=jnp.float32)
    return {"h": h, "edge_index": edge_index, "W_embed": W_embed, "b_embed": b_embed, "Wl": Wl, "bl": bl}

def reference(h, edge_index, W_embed, b_embed, Wl, bl):
    send = edge_index[0]
    rec = edge_index[1]
    # h_embed
    h = h @ W_embed + b_embed
    # GIN-0 layers: aggregate messages from senders into receivers, then update
    for i in range(N_LAYERS):
        messages = jnp.take(h, send, axis=0)  # gather sender features [E, D_H]
        agg = jax.ops.segment_sum(messages, rec, num_segments=N)  # scatter-add by receiver
        h = (h + agg) @ Wl[i] + bl[i]
    return h

if __name__ == "__main__":
    import jax
    _d = setup_inputs()
    print(jax.jit(kernel)(*tuple(_d.values())))

</pallas_src>

<mosaic_0001>
#map = affine_map<(d0, d1) -> (0, 0)>
#map1 = affine_map<(d0, d1) -> (0, 0, 0)>
module attributes {stable_mosaic.version = 14 : i64} {
  func.func @agg_kernel(%arg0: i32, %arg1: i32, %arg2: memref<10000x128xf32, #tpu.memory_space<hbm>>, %arg3: memref<32x79x128xi32, #tpu.memory_space<hbm>>, %arg4: memref<32x79x128xi32, #tpu.memory_space<hbm>>, %arg5: memref<2x10240x128xf32, #tpu.memory_space<hbm>>, %arg6: memref<79x128xi32, #tpu.memory_space<vmem>>, %arg7: memref<79x128xi32, #tpu.memory_space<vmem>>, %arg8: memref<128x128xf32, #tpu.memory_space<vmem>>, %arg9: memref<10240x128xf32, #tpu.memory_space<vmem_shared>>, %arg10: memref<!tpu.dma_semaphore, #tpu.memory_space<semaphore_mem>>, %arg11: memref<!tpu.dma_semaphore, #tpu.memory_space<semaphore_mem>>) attributes {dimension_semantics = [#tpu.dimension_semantics<core_parallel>, #tpu.dimension_semantics<subcore_parallel>], iteration_bounds = array<i64: 2, 16>, scalar_prefetch = 0 : i64, scratch_operands = 6 : i64, tpu.core_type = #tpu.core_type<sc_vector_subcore>, window_params = [{transform_indices = #map}, {transform_indices = #map1}, {transform_indices = #map1}, {transform_indices = #map1}]} {
    %mul3A = arith.constant 16 : i32
    %mul3A_0 = arith.muli %arg0, %mul3A : i32
    %add3A = arith.addi %mul3A_0, %arg1 : i32
    %mul3A_1 = arith.constant 640 : i32
    %mul3A_2 = arith.muli %arg1, %mul3A_1 : i32
    %broadcast_in_dim3A = arith.constant 0.000000e+00 : f32
    %broadcast_in_dim3A_3 = vector.broadcast %broadcast_in_dim3A : f32 to vector<16xf32>
    %scan3A = arith.constant 0 : i32
    %scan3A_4 = arith.constant 0 : i32
    %scan3A_5 = arith.constant 128 : i32
    %scan3A_6 = arith.addi %scan3A_4, %scan3A_5 : i32
    %scan3A_7 = arith.constant 1 : i32
    scf.for %scan3A_36 = %scan3A_4 to %scan3A_6 step %scan3A_7  : i32 {
      %swap3A = arith.index_cast %scan3A_36 : i32 to index
      %swap3A_37 = arith.constant 0 : index
      %swap3A_38 = tpu.vector_load %arg8[%swap3A, %swap3A_37] {strides = array<i32>} : memref<128x128xf32, #tpu.memory_space<vmem>>, vector<1x16xf32>,
      %swap3A_39 = vector.shape_cast %swap3A_38 : vector<1x16xf32> to vector<16xf32>
      %swap3A_40 = vector.shape_cast %broadcast_in_dim3A_3 : vector<16xf32> to vector<1x16xf32>
      tpu.vector_store %arg8[%swap3A, %swap3A_37], %swap3A_40 {strides = array<i32>} : memref<128x128xf32, #tpu.memory_space<vmem>>, vector<1x16xf32>,
      %swap3A_41 = arith.index_cast %scan3A_36 : i32 to index
      %swap3A_42 = arith.constant 16 : index
      %swap3A_43 = tpu.vector_load %arg8[%swap3A_41, %swap3A_42] {strides = array<i32>} : memref<128x128xf32, #tpu.memory_space<vmem>>, vector<1x16xf32>,
      %swap3A_44 = vector.shape_cast %swap3A_43 : vector<1x16xf32> to vector<16xf32>
      %swap3A_45 = vector.shape_cast %broadcast_in_dim3A_3 : vector<16xf32> to vector<1x16xf32>
      tpu.vector_store %arg8[%swap3A_41, %swap3A_42], %swap3A_45 {strides = array<i32>} : memref<128x128xf32, #tpu.memory_space<vmem>>, vector<1x16xf32>,
      %swap3A_46 = arith.index_cast %scan3A_36 : i32 to index
      %swap3A_47 = arith.constant 32 : index
      %swap3A_48 = tpu.vector_load %arg8[%swap3A_46, %swap3A_47] {strides = array<i32>} : memref<128x128xf32, #tpu.memory_space<vmem>>, vector<1x16xf32>,
      %swap3A_49 = vector.shape_cast %swap3A_48 : vector<1x16xf32> to vector<16xf32>
      %swap3A_50 = vector.shape_cast %broadcast_in_dim3A_3 : vector<16xf32> to vector<1x16xf32>
      tpu.vector_store %arg8[%swap3A_46, %swap3A_47], %swap3A_50 {strides = array<i32>} : memref<128x128xf32, #tpu.memory_space<vmem>>, vector<1x16xf32>,
      %swap3A_51 = arith.index_cast %scan3A_36 : i32 to index
      %swap3A_52 = arith.constant 48 : index
      %swap3A_53 = tpu.vector_load %arg8[%swap3A_51, %swap3A_52] {strides = array<i32>} : memref<128x128xf32, #tpu.memory_space<vmem>>, vector<1x16xf32>,
      %swap3A_54 = vector.shape_cast %swap3A_53 : vector<1x16xf32> to vector<16xf32>
      %swap3A_55 = vector.shape_cast %broadcast_in_dim3A_3 : vector<16xf32> to vector<1x16xf32>
      tpu.vector_store %arg8[%swap3A_51, %swap3A_52], %swap3A_55 {strides = array<i32>} : memref<128x128xf32, #tpu.memory_space<vmem>>, vector<1x16xf32>,
      %swap3A_56 = arith.index_cast %scan3A_36 : i32 to index
      %swap3A_57 = arith.constant 64 : index
      %swap3A_58 = tpu.vector_load %arg8[%swap3A_56, %swap3A_57] {strides = array<i32>} : memref<128x128xf32, #tpu.memory_space<vmem>>, vector<1x16xf32>,
      %swap3A_59 = vector.shape_cast %swap3A_58 : vector<1x16xf32> to vector<16xf32>
      %swap3A_60 = vector.shape_cast %broadcast_in_dim3A_3 : vector<16xf32> to vector<1x16xf32>
      tpu.vector_store %arg8[%swap3A_56, %swap3A_57], %swap3A_60 {strides = array<i32>} : memref<128x128xf32, #tpu.memory_space<vmem>>, vector<1x16xf32>,
      %swap3A_61 = arith.index_cast %scan3A_36 : i32 to index
      %swap3A_62 = arith.constant 80 : index
      %swap3A_63 = tpu.vector_load %arg8[%swap3A_61, %swap3A_62] {strides = array<i32>} : memref<128x128xf32, #tpu.memory_space<vmem>>, vector<1x16xf32>,
      %swap3A_64 = vector.shape_cast %swap3A_63 : vector<1x16xf32> to vector<16xf32>
      %swap3A_65 = vector.shape_cast %broadcast_in_dim3A_3 : vector<16xf32> to vector<1x16xf32>
      tpu.vector_store %arg8[%swap3A_61, %swap3A_62], %swap3A_65 {strides = array<i32>} : memref<128x128xf32, #tpu.memory_space<vmem>>, vector<1x16xf32>,
      %swap3A_66 = arith.index_cast %scan3A_36 : i32 to index
      %swap3A_67 = arith.constant 96 : index
      %swap3A_68 = tpu.vector_load %arg8[%swap3A_66, %swap3A_67] {strides = array<i32>} : memref<128x128xf32, #tpu.memory_space<vmem>>, vector<1x16xf32>,
      %swap3A_69 = vector.shape_cast %swap3A_68 : vector<1x16xf32> to vector<16xf32>
      %swap3A_70 = vector.shape_cast %broadcast_in_dim3A_3 : vector<16xf32> to vector<1x16xf32>
      tpu.vector_store %arg8[%swap3A_66, %swap3A_67], %swap3A_70 {strides = array<i32>} : memref<128x128xf32, #tpu.memory_space<vmem>>, vector<1x16xf32>,
      %swap3A_71 = arith.index_cast %scan3A_36 : i32 to index
      %swap3A_72 = arith.constant 112 : index
      %swap3A_73 = tpu.vector_load %arg8[%swap3A_71, %swap3A_72] {strides = array<i32>} : memref<128x128xf32, #tpu.memory_space<vmem>>, vector<1x16xf32>,
      %swap3A_74 = vector.shape_cast %swap3A_73 : vector<1x16xf32> to vector<16xf32>
      %swap3A_75 = vector.shape_cast %broadcast_in_dim3A_3 : vector<16xf32> to vector<1x16xf32>
      tpu.vector_store %arg8[%swap3A_71, %swap3A_72], %swap3A_75 {strides = array<i32>} : memref<128x128xf32, #tpu.memory_space<vmem>>, vector<1x16xf32>,
    }
    %scan3A_8 = arith.constant 128 : i32
    %add3A_9 = arith.constant 0 : i32
    %add3A_10 = arith.addi %mul3A_2, %add3A_9 : i32
    "tpu.region"() ({
      %run_scoped3A = tpu.sem_alloc : memref<!tpu.dma_semaphore, #tpu.memory_space<semaphore_mem>>
      %dma_start3A = arith.constant 0 : i32
      %dma_start3A_36 = tpu.memref_slice %arg9[%add3A_10, %dma_start3A] : memref<10240x128xf32, #tpu.memory_space<vmem_shared>> -> memref<128x128xf32, #tpu.memory_space<vmem_shared>>
      %dma_start3A_37 = arith.constant 0 : i32
      %dma_start3A_38 = tpu.memref_slice %arg9[%add3A_10, %dma_start3A_37] : memref<10240x128xf32, #tpu.memory_space<vmem_shared>> -> memref<128x128xf32, #tpu.memory_space<vmem_shared>>
      tpu.enqueue_dma source(%arg8 : memref<128x128xf32, #tpu.memory_space<vmem>>) target(%dma_start3A_38 : memref<128x128xf32, #tpu.memory_space<vmem_shared>>) target_semaphore(%run_scoped3A : memref<!tpu.dma_semaphore, #tpu.memory_space<semaphore_mem>>)
      %dma_wait3A = arith.constant 0 : i32
      %dma_wait3A_39 = tpu.memref_slice %arg9[%add3A_10, %dma_wait3A] : memref<10240x128xf32, #tpu.memory_space<vmem_shared>> -> memref<128x128xf32, #tpu.memory_space<vmem_shared>>
      %dma_wait3A_40 = arith.constant 0 : i32
      %dma_wait3A_41 = tpu.memref_slice %arg9[%add3A_10, %dma_wait3A_40] : memref<10240x128xf32, #tpu.memory_space<vmem_shared>> -> memref<128x128xf32, #tpu.memory_space<vmem_shared>>
      tpu.wait_dma2 semaphore(%run_scoped3A : memref<!tpu.dma_semaphore, #tpu.memory_space<semaphore_mem>>) src(%arg8 : memref<128x128xf32, #tpu.memory_space<vmem>>) dst(%dma_wait3A_41 : memref<128x128xf32, #tpu.memory_space<vmem_shared>>)
      tpu.yield
    }) : () -> ()
    %add3A_11 = arith.constant 128 : i32
    %add3A_12 = arith.addi %mul3A_2, %add3A_11 : i32
    "tpu.region"() ({
      %run_scoped3A = tpu.sem_alloc : memref<!tpu.dma_semaphore, #tpu.memory_space<semaphore_mem>>
      %dma_start3A = arith.constant 0 : i32
      %dma_start3A_36 = tpu.memref_slice %arg9[%add3A_12, %dma_start3A] : memref<10240x128xf32, #tpu.memory_space<vmem_shared>> -> memref<128x128xf32, #tpu.memory_space<vmem_shared>>
      %dma_start3A_37 = arith.constant 0 : i32
      %dma_start3A_38 = tpu.memref_slice %arg9[%add3A_12, %dma_start3A_37] : memref<10240x128xf32, #tpu.memory_space<vmem_shared>> -> memref<128x128xf32, #tpu.memory_space<vmem_shared>>
      tpu.enqueue_dma source(%arg8 : memref<128x128xf32, #tpu.memory_space<vmem>>) target(%dma_start3A_38 : memref<128x128xf32, #tpu.memory_space<vmem_shared>>) target_semaphore(%run_scoped3A : memref<!tpu.dma_semaphore, #tpu.memory_space<semaphore_mem>>)
      %dma_wait3A = arith.constant 0 : i32
      %dma_wait3A_39 = tpu.memref_slice %arg9[%add3A_12, %dma_wait3A] : memref<10240x128xf32, #tpu.memory_space<vmem_shared>> -> memref<128x128xf32, #tpu.memory_space<vmem_shared>>
      %dma_wait3A_40 = arith.constant 0 : i32
      %dma_wait3A_41 = tpu.memref_slice %arg9[%add3A_12, %dma_wait3A_40] : memref<10240x128xf32, #tpu.memory_space<vmem_shared>> -> memref<128x128xf32, #tpu.memory_space<vmem_shared>>
      tpu.wait_dma2 semaphore(%run_scoped3A : memref<!tpu.dma_semaphore, #tpu.memory_space<semaphore_mem>>) src(%arg8 : memref<128x128xf32, #tpu.memory_space<vmem>>) dst(%dma_wait3A_41 : memref<128x128xf32, #tpu.memory_space<vmem_shared>>)
      tpu.yield
    }) : () -> ()
    %add3A_13 = arith.constant 256 : i32
    %add3A_14 = arith.addi %mul3A_2, %add3A_13 : i32
    "tpu.region"() ({
      %run_scoped3A = tpu.sem_alloc : memref<!tpu.dma_semaphore, #tpu.memory_space<semaphore_mem>>
      %dma_start3A = arith.constant 0 : i32
      %dma_start3A_36 = tpu.memref_slice %arg9[%add3A_14, %dma_start3A] : memref<10240x128xf32, #tpu.memory_space<vmem_shared>> -> memref<128x128xf32, #tpu.memory_space<vmem_shared>>
      %dma_start3A_37 = arith.constant 0 : i32
      %dma_start3A_38 = tpu.memref_slice %arg9[%add3A_14, %dma_start3A_37] : memref<10240x128xf32, #tpu.memory_space<vmem_shared>> -> memref<128x128xf32, #tpu.memory_space<vmem_shared>>
      tpu.enqueue_dma source(%arg8 : memref<128x128xf32, #tpu.memory_space<vmem>>) target(%dma_start3A_38 : memref<128x128xf32, #tpu.memory_space<vmem_shared>>) target_semaphore(%run_scoped3A : memref<!tpu.dma_semaphore, #tpu.memory_space<semaphore_mem>>)
      %dma_wait3A = arith.constant 0 : i32
      %dma_wait3A_39 = tpu.memref_slice %arg9[%add3A_14, %dma_wait3A] : memref<10240x128xf32, #tpu.memory_space<vmem_shared>> -> memref<128x128xf32, #tpu.memory_space<vmem_shared>>
      %dma_wait3A_40 = arith.constant 0 : i32
      %dma_wait3A_41 = tpu.memref_slice %arg9[%add3A_14, %dma_wait3A_40] : memref<10240x128xf32, #tpu.memory_space<vmem_shared>> -> memref<128x128xf32, #tpu.memory_space<vmem_shared>>
      tpu.wait_dma2 semaphore(%run_scoped3A : memref<!tpu.dma_semaphore, #tpu.memory_space<semaphore_mem>>) src(%arg8 : memref<128x128xf32, #tpu.memory_space<vmem>>) dst(%dma_wait3A_41 : memref<128x128xf32, #tpu.memory_space<vmem_shared>>)
      tpu.yield
    }) : () -> ()
    %add3A_15 = arith.constant 384 : i32
    %add3A_16 = arith.addi %mul3A_2, %add3A_15 : i32
    "tpu.region"() ({
      %run_scoped3A = tpu.sem_alloc : memref<!tpu.dma_semaphore, #tpu.memory_space<semaphore_mem>>
      %dma_start3A = arith.constant 0 : i32
      %dma_start3A_36 = tpu.memref_slice %arg9[%add3A_16, %dma_start3A] : memref<10240x128xf32, #tpu.memory_space<vmem_shared>> -> memref<128x128xf32, #tpu.memory_space<vmem_shared>>
      %dma_start3A_37 = arith.constant 0 : i32
      %dma_start3A_38 = tpu.memref_slice %arg9[%add3A_16, %dma_start3A_37] : memref<10240x128xf32, #tpu.memory_space<vmem_shared>> -> memref<128x128xf32, #tpu.memory_space<vmem_shared>>
      tpu.enqueue_dma source(%arg8 : memref<128x128xf32, #tpu.memory_space<vmem>>) target(%dma_start3A_38 : memref<128x128xf32, #tpu.memory_space<vmem_shared>>) target_semaphore(%run_scoped3A : memref<!tpu.dma_semaphore, #tpu.memory_space<semaphore_mem>>)
      %dma_wait3A = arith.constant 0 : i32
      %dma_wait3A_39 = tpu.memref_slice %arg9[%add3A_16, %dma_wait3A] : memref<10240x128xf32, #tpu.memory_space<vmem_shared>> -> memref<128x128xf32, #tpu.memory_space<vmem_shared>>
      %dma_wait3A_40 = arith.constant 0 : i32
      %dma_wait3A_41 = tpu.memref_slice %arg9[%add3A_16, %dma_wait3A_40] : memref<10240x128xf32, #tpu.memory_space<vmem_shared>> -> memref<128x128xf32, #tpu.memory_space<vmem_shared>>
      tpu.wait_dma2 semaphore(%run_scoped3A : memref<!tpu.dma_semaphore, #tpu.memory_space<semaphore_mem>>) src(%arg8 : memref<128x128xf32, #tpu.memory_space<vmem>>) dst(%dma_wait3A_41 : memref<128x128xf32, #tpu.memory_space<vmem_shared>>)
      tpu.yield
    }) : () -> ()
    %add3A_17 = arith.constant 512 : i32
    %add3A_18 = arith.addi %mul3A_2, %add3A_17 : i32
    "tpu.region"() ({
      %run_scoped3A = tpu.sem_alloc : memref<!tpu.dma_semaphore, #tpu.memory_space<semaphore_mem>>
      %dma_start3A = arith.constant 0 : i32
      %dma_start3A_36 = tpu.memref_slice %arg9[%add3A_18, %dma_start3A] : memref<10240x128xf32, #tpu.memory_space<vmem_shared>> -> memref<128x128xf32, #tpu.memory_space<vmem_shared>>
      %dma_start3A_37 = arith.constant 0 : i32
      %dma_start3A_38 = tpu.memref_slice %arg9[%add3A_18, %dma_start3A_37] : memref<10240x128xf32, #tpu.memory_space<vmem_shared>> -> memref<128x128xf32, #tpu.memory_space<vmem_shared>>
      tpu.enqueue_dma source(%arg8 : memref<128x128xf32, #tpu.memory_space<vmem>>) target(%dma_start3A_38 : memref<128x128xf32, #tpu.memory_space<vmem_shared>>) target_semaphore(%run_scoped3A : memref<!tpu.dma_semaphore, #tpu.memory_space<semaphore_mem>>)
      %dma_wait3A = arith.constant 0 : i32
      %dma_wait3A_39 = tpu.memref_slice %arg9[%add3A_18, %dma_wait3A] : memref<10240x128xf32, #tpu.memory_space<vmem_shared>> -> memref<128x128xf32, #tpu.memory_space<vmem_shared>>
      %dma_wait3A_40 = arith.constant 0 : i32
      %dma_wait3A_41 = tpu.memref_slice %arg9[%add3A_18, %dma_wait3A_40] : memref<10240x128xf32, #tpu.memory_space<vmem_shared>> -> memref<128x128xf32, #tpu.memory_space<vmem_shared>>
      tpu.wait_dma2 semaphore(%run_scoped3A : memref<!tpu.dma_semaphore, #tpu.memory_space<semaphore_mem>>) src(%arg8 : memref<128x128xf32, #tpu.memory_space<vmem>>) dst(%dma_wait3A_41 : memref<128x128xf32, #tpu.memory_space<vmem_shared>>)
      tpu.yield
    }) : () -> ()
    %barrier3A = arith.constant 0 : index
    tpu.barrier barrier_id(%barrier3A)
    "tpu.region"() ({
      %run_scoped3A = tpu.sem_alloc : memref<!tpu.dma_semaphore, #tpu.memory_space<semaphore_mem>>
      %dma_start3A = arith.constant 0 : i32
      %dma_start3A_36 = arith.constant 0 : i32
      %dma_start3A_37 = tpu.memref_slice %arg3[%add3A, %dma_start3A, %dma_start3A_36] : memref<32x79x128xi32, #tpu.memory_space<hbm>> -> memref<1x79x128xi32, #tpu.memory_space<hbm>>
      %dma_start3A_38 = tpu.memref_squeeze %dma_start3A_37 : memref<1x79x128xi32, #tpu.memory_space<hbm>> -> memref<79x128xi32, #tpu.memory_space<hbm>>
      %dma_start3A_39 = arith.constant 0 : i32
      %dma_start3A_40 = arith.constant 0 : i32
      %dma_start3A_41 = tpu.memref_slice %arg3[%add3A, %dma_start3A_39, %dma_start3A_40] : memref<32x79x128xi32, #tpu.memory_space<hbm>> -> memref<1x79x128xi32, #tpu.memory_space<hbm>>
      %dma_start3A_42 = tpu.memref_squeeze %dma_start3A_41 : memref<1x79x128xi32, #tpu.memory_space<hbm>> -> memref<79x128xi32, #tpu.memory_space<hbm>>
      tpu.enqueue_dma source(%dma_start3A_42 : memref<79x128xi32, #tpu.memory_space<hbm>>) target(%arg6 : memref<79x128xi32, #tpu.memory_space<vmem>>) target_semaphore(%run_scoped3A : memref<!tpu.dma_semaphore, #tpu.memory_space<semaphore_mem>>)
      %dma_wait3A = arith.constant 0 : i32
      %dma_wait3A_43 = arith.constant 0 : i32
      %dma_wait3A_44 = tpu.memref_slice %arg3[%add3A, %dma_wait3A, %dma_wait3A_43] : memref<32x79x128xi32, #tpu.memory_space<hbm>> -> memref<1x79x128xi32, #tpu.memory_space<hbm>>
      %dma_wait3A_45 = tpu.memref_squeeze %dma_wait3A_44 : memref<1x79x128xi32, #tpu.memory_space<hbm>> -> memref<79x128xi32, #tpu.memory_space<hbm>>
      %dma_wait3A_46 = arith.constant 0 : i32
      %dma_wait3A_47 = arith.constant 0 : i32
      %dma_wait3A_48 = tpu.memref_slice %arg3[%add3A, %dma_wait3A_46, %dma_wait3A_47] : memref<32x79x128xi32, #tpu.memory_space<hbm>> -> memref<1x79x128xi32, #tpu.memory_space<hbm>>
      %dma_wait3A_49 = tpu.memref_squeeze %dma_wait3A_48 : memref<1x79x128xi32, #tpu.memory_space<hbm>> -> memref<79x128xi32, #tpu.memory_space<hbm>>
      tpu.wait_dma2 semaphore(%run_scoped3A : memref<!tpu.dma_semaphore, #tpu.memory_space<semaphore_mem>>) src(%dma_wait3A_49 : memref<79x128xi32, #tpu.memory_space<hbm>>) dst(%arg6 : memref<79x128xi32, #tpu.memory_space<vmem>>)
      tpu.yield
    }) : () -> ()
    "tpu.region"() ({
      %run_scoped3A = tpu.sem_alloc : memref<!tpu.dma_semaphore, #tpu.memory_space<semaphore_mem>>
      %dma_start3A = arith.constant 0 : i32
      %dma_start3A_36 = arith.constant 0 : i32
      %dma_start3A_37 = tpu.memref_slice %arg4[%add3A, %dma_start3A, %dma_start3A_36] : memref<32x79x128xi32, #tpu.memory_space<hbm>> -> memref<1x79x128xi32, #tpu.memory_space<hbm>>
      %dma_start3A_38 = tpu.memref_squeeze %dma_start3A_37 : memref<1x79x128xi32, #tpu.memory_space<hbm>> -> memref<79x128xi32, #tpu.memory_space<hbm>>
      %dma_start3A_39 = arith.constant 0 : i32
      %dma_start3A_40 = arith.constant 0 : i32
      %dma_start3A_41 = tpu.memref_slice %arg4[%add3A, %dma_start3A_39, %dma_start3A_40] : memref<32x79x128xi32, #tpu.memory_space<hbm>> -> memref<1x79x128xi32, #tpu.memory_space<hbm>>
      %dma_start3A_42 = tpu.memref_squeeze %dma_start3A_41 : memref<1x79x128xi32, #tpu.memory_space<hbm>> -> memref<79x128xi32, #tpu.memory_space<hbm>>
      tpu.enqueue_dma source(%dma_start3A_42 : memref<79x128xi32, #tpu.memory_space<hbm>>) target(%arg7 : memref<79x128xi32, #tpu.memory_space<vmem>>) target_semaphore(%run_scoped3A : memref<!tpu.dma_semaphore, #tpu.memory_space<semaphore_mem>>)
      %dma_wait3A = arith.constant 0 : i32
      %dma_wait3A_43 = arith.constant 0 : i32
      %dma_wait3A_44 = tpu.memref_slice %arg4[%add3A, %dma_wait3A, %dma_wait3A_43] : memref<32x79x128xi32, #tpu.memory_space<hbm>> -> memref<1x79x128xi32, #tpu.memory_space<hbm>>
      %dma_wait3A_45 = tpu.memref_squeeze %dma_wait3A_44 : memref<1x79x128xi32, #tpu.memory_space<hbm>> -> memref<79x128xi32, #tpu.memory_space<hbm>>
      %dma_wait3A_46 = arith.constant 0 : i32
      %dma_wait3A_47 = arith.constant 0 : i32
      %dma_wait3A_48 = tpu.memref_slice %arg4[%add3A, %dma_wait3A_46, %dma_wait3A_47] : memref<32x79x128xi32, #tpu.memory_space<hbm>> -> memref<1x79x128xi32, #tpu.memory_space<hbm>>
      %dma_wait3A_49 = tpu.memref_squeeze %dma_wait3A_48 : memref<1x79x128xi32, #tpu.memory_space<hbm>> -> memref<79x128xi32, #tpu.memory_space<hbm>>
      tpu.wait_dma2 semaphore(%run_scoped3A : memref<!tpu.dma_semaphore, #tpu.memory_space<semaphore_mem>>) src(%dma_wait3A_49 : memref<79x128xi32, #tpu.memory_space<hbm>>) dst(%arg7 : memref<79x128xi32, #tpu.memory_space<vmem>>)
      tpu.yield
    }) : () -> ()
    %scan3A_19 = arith.constant 0 : i32
    %scan3A_20 = arith.constant 0 : i32
    %scan3A_21 = arith.constant 79 : i32
    %scan3A_22 = arith.addi %scan3A_20, %scan3A_21 : i32
    %scan3A_23 = arith.constant 1 : i32
    scf.for %scan3A_36 = %scan3A_20 to %scan3A_22 step %scan3A_23  : i32 {
      %dma_start3A = arith.constant 0 : i32
      %dma_start3A_37 = tpu.memref_slice %arg6[%scan3A_36, %dma_start3A] : memref<79x128xi32, #tpu.memory_space<vmem>> -> memref<1x128xi32, #tpu.memory_space<vmem>>
      %dma_start3A_38 = tpu.memref_squeeze %dma_start3A_37 : memref<1x128xi32, #tpu.memory_space<vmem>> -> memref<128xi32, #tpu.memory_space<vmem>>
      %dma_start3A_39 = arith.constant 0 : i32
      %dma_start3A_40 = arith.constant 0 : i32
      %dma_start3A_41 = tpu.memref_slice %arg2[%dma_start3A_39, %dma_start3A_40] : memref<10000x128xf32, #tpu.memory_space<hbm>> -> memref<10000x128xf32, #tpu.memory_space<hbm>>
      tpu.enqueue_indirect_dma source(%dma_start3A_41 : memref<10000x128xf32, #tpu.memory_space<hbm>>) target(%arg8 : memref<128x128xf32, #tpu.memory_space<vmem>>) offsets(%dma_start3A_38 : memref<128xi32, #tpu.memory_space<vmem>>) semaphore(%arg10 : memref<!tpu.dma_semaphore, #tpu.memory_space<semaphore_mem>>)
      %dma_wait3A = arith.constant 0 : i32
      %dma_wait3A_42 = tpu.memref_slice %arg6[%scan3A_36, %dma_wait3A] : memref<79x128xi32, #tpu.memory_space<vmem>> -> memref<1x128xi32, #tpu.memory_space<vmem>>
      %dma_wait3A_43 = tpu.memref_squeeze %dma_wait3A_42 : memref<1x128xi32, #tpu.memory_space<vmem>> -> memref<128xi32, #tpu.memory_space<vmem>>
      %dma_wait3A_44 = arith.constant 0 : i32
      %dma_wait3A_45 = arith.constant 0 : i32
      %dma_wait3A_46 = tpu.memref_slice %arg2[%dma_wait3A_44, %dma_wait3A_45] : memref<10000x128xf32, #tpu.memory_space<hbm>> -> memref<10000x128xf32, #tpu.memory_space<hbm>>
      tpu.wait_indirect_dma semaphore(%arg10 : memref<!tpu.dma_semaphore, #tpu.memory_space<semaphore_mem>>) src(%dma_wait3A_46 : memref<10000x128xf32, #tpu.memory_space<hbm>>) dst(%arg8 : memref<128x128xf32, #tpu.memory_space<vmem>>)
      "tpu.region"() ({
        %run_scoped3A = tpu.sem_alloc : memref<!tpu.dma_semaphore, #tpu.memory_space<semaphore_mem>>
        %dma_start3A_47 = arith.constant 0 : i32
        %dma_start3A_48 = tpu.memref_slice %arg7[%scan3A_36, %dma_start3A_47] : memref<79x128xi32, #tpu.memory_space<vmem>> -> memref<1x128xi32, #tpu.memory_space<vmem>>
        %dma_start3A_49 = tpu.memref_squeeze %dma_start3A_48 : memref<1x128xi32, #tpu.memory_space<vmem>> -> memref<128xi32, #tpu.memory_space<vmem>>
        %dma_start3A_50 = arith.constant 0 : i32
        %dma_start3A_51 = arith.constant 0 : i32
        %dma_start3A_52 = tpu.memref_slice %arg9[%dma_start3A_50, %dma_start3A_51] : memref<10240x128xf32, #tpu.memory_space<vmem_shared>> -> memref<10240x128xf32, #tpu.memory_space<vmem_shared>>
        tpu.enqueue_indirect_dma source(%arg8 : memref<128x128xf32, #tpu.memory_space<vmem>>) target(%dma_start3A_52 : memref<10240x128xf32, #tpu.memory_space<vmem_shared>>) offsets(%dma_start3A_49 : memref<128xi32, #tpu.memory_space<vmem>>) semaphore(%run_scoped3A : memref<!tpu.dma_semaphore, #tpu.memory_space<semaphore_mem>>) {add = true}
        %dma_wait3A_53 = arith.constant 0 : i32
        %dma_wait3A_54 = tpu.memref_slice %arg7[%scan3A_36, %dma_wait3A_53] : memref<79x128xi32, #tpu.memory_space<vmem>> -> memref<1x128xi32, #tpu.memory_space<vmem>>
        %dma_wait3A_55 = tpu.memref_squeeze %dma_wait3A_54 : memref<1x128xi32, #tpu.memory_space<vmem>> -> memref<128xi32, #tpu.memory_space<vmem>>
        %dma_wait3A_56 = arith.constant 0 : i32
        %dma_wait3A_57 = arith.constant 0 : i32
        %dma_wait3A_58 = tpu.memref_slice %arg9[%dma_wait3A_56, %dma_wait3A_57] : memref<10240x128xf32, #tpu.memory_space<vmem_shared>> -> memref<10240x128xf32, #tpu.memory_space<vmem_shared>>
        tpu.wait_indirect_dma semaphore(%run_scoped3A : memref<!tpu.dma_semaphore, #tpu.memory_space<semaphore_mem>>) src(%arg8 : memref<128x128xf32, #tpu.memory_space<vmem>>) dst(%dma_wait3A_58 : memref<10240x128xf32, #tpu.memory_space<vmem_shared>>)
        tpu.yield
      }) : () -> ()
    }
    %scan3A_24 = arith.constant 79 : i32
    %barrier3A_25 = arith.constant 0 : index
    tpu.barrier barrier_id(%barrier3A_25)
    %add3A_26 = arith.constant 0 : i32
    %add3A_27 = arith.addi %mul3A_2, %add3A_26 : i32
    "tpu.region"() ({
      %run_scoped3A = tpu.sem_alloc : memref<!tpu.dma_semaphore, #tpu.memory_space<semaphore_mem>>
      %dma_start3A = arith.constant 0 : i32
      %dma_start3A_36 = tpu.memref_slice %arg9[%add3A_27, %dma_start3A] : memref<10240x128xf32, #tpu.memory_space<vmem_shared>> -> memref<128x128xf32, #tpu.memory_space<vmem_shared>>
      %dma_start3A_37 = arith.constant 0 : i32
      %dma_start3A_38 = tpu.memref_slice %arg9[%add3A_27, %dma_start3A_37] : memref<10240x128xf32, #tpu.memory_space<vmem_shared>> -> memref<128x128xf32, #tpu.memory_space<vmem_shared>>
      tpu.enqueue_dma source(%dma_start3A_38 : memref<128x128xf32, #tpu.memory_space<vmem_shared>>) target(%arg8 : memref<128x128xf32, #tpu.memory_space<vmem>>) target_semaphore(%run_scoped3A : memref<!tpu.dma_semaphore, #tpu.memory_space<semaphore_mem>>)
      %dma_wait3A = arith.constant 0 : i32
      %dma_wait3A_39 = tpu.memref_slice %arg9[%add3A_27, %dma_wait3A] : memref<10240x128xf32, #tpu.memory_space<vmem_shared>> -> memref<128x128xf32, #tpu.memory_space<vmem_shared>>
      %dma_wait3A_40 = arith.constant 0 : i32
      %dma_wait3A_41 = tpu.memref_slice %arg9[%add3A_27, %dma_wait3A_40] : memref<10240x128xf32, #tpu.memory_space<vmem_shared>> -> memref<128x128xf32, #tpu.memory_space<vmem_shared>>
      tpu.wait_dma2 semaphore(%run_scoped3A : memref<!tpu.dma_semaphore, #tpu.memory_space<semaphore_mem>>) src(%dma_wait3A_41 : memref<128x128xf32, #tpu.memory_space<vmem_shared>>) dst(%arg8 : memref<128x128xf32, #tpu.memory_space<vmem>>)
      tpu.yield
    }) : () -> ()
    "tpu.region"() ({
      %run_scoped3A = tpu.sem_alloc : memref<!tpu.dma_semaphore, #tpu.memory_space<semaphore_mem>>
      %dma_start3A = arith.constant 0 : i32
      %dma_start3A_36 = tpu.memref_slice %arg5[%arg0, %add3A_27, %dma_start3A] : memref<2x10240x128xf32, #tpu.memory_space<hbm>> -> memref<1x128x128xf32, #tpu.memory_space<hbm>>
      %dma_start3A_37 = tpu.memref_squeeze %dma_start3A_36 : memref<1x128x128xf32, #tpu.memory_space<hbm>> -> memref<128x128xf32, #tpu.memory_space<hbm>>
      %dma_start3A_38 = arith.constant 0 : i32
      %dma_start3A_39 = tpu.memref_slice %arg5[%arg0, %add3A_27, %dma_start3A_38] : memref<2x10240x128xf32, #tpu.memory_space<hbm>> -> memref<1x128x128xf32, #tpu.memory_space<hbm>>
      %dma_start3A_40 = tpu.memref_squeeze %dma_start3A_39 : memref<1x128x128xf32, #tpu.memory_space<hbm>> -> memref<128x128xf32, #tpu.memory_space<hbm>>
      tpu.enqueue_dma source(%arg8 : memref<128x128xf32, #tpu.memory_space<vmem>>) target(%dma_start3A_40 : memref<128x128xf32, #tpu.memory_space<hbm>>) target_semaphore(%run_scoped3A : memref<!tpu.dma_semaphore, #tpu.memory_space<semaphore_mem>>)
      %dma_wait3A = arith.constant 0 : i32
      %dma_wait3A_41 = tpu.memref_slice %arg5[%arg0, %add3A_27, %dma_wait3A] : memref<2x10240x128xf32, #tpu.memory_space<hbm>> -> memref<1x128x128xf32, #tpu.memory_space<hbm>>
      %dma_wait3A_42 = tpu.memref_squeeze %dma_wait3A_41 : memref<1x128x128xf32, #tpu.memory_space<hbm>> -> memref<128x128xf32, #tpu.memory_space<hbm>>
      %dma_wait3A_43 = arith.constant 0 : i32
      %dma_wait3A_44 = tpu.memref_slice %arg5[%arg0, %add3A_27, %dma_wait3A_43] : memref<2x10240x128xf32, #tpu.memory_space<hbm>> -> memref<1x128x128xf32, #tpu.memory_space<hbm>>
      %dma_wait3A_45 = tpu.memref_squeeze %dma_wait3A_44 : memref<1x128x128xf32, #tpu.memory_space<hbm>> -> memref<128x128xf32, #tpu.memory_space<hbm>>
      tpu.wait_dma2 semaphore(%run_scoped3A : memref<!tpu.dma_semaphore, #tpu.memory_space<semaphore_mem>>) src(%arg8 : memref<128x128xf32, #tpu.memory_space<vmem>>) dst(%dma_wait3A_45 : memref<128x128xf32, #tpu.memory_space<hbm>>)
      tpu.yield
    }) : () -> ()
    %add3A_28 = arith.constant 128 : i32
    %add3A_29 = arith.addi %mul3A_2, %add3A_28 : i32
    "tpu.region"() ({
      %run_scoped3A = tpu.sem_alloc : memref<!tpu.dma_semaphore, #tpu.memory_space<semaphore_mem>>
      %dma_start3A = arith.constant 0 : i32
      %dma_start3A_36 = tpu.memref_slice %arg9[%add3A_29, %dma_start3A] : memref<10240x128xf32, #tpu.memory_space<vmem_shared>> -> memref<128x128xf32, #tpu.memory_space<vmem_shared>>
      %dma_start3A_37 = arith.constant 0 : i32
      %dma_start3A_38 = tpu.memref_slice %arg9[%add3A_29, %dma_start3A_37] : memref<10240x128xf32, #tpu.memory_space<vmem_shared>> -> memref<128x128xf32, #tpu.memory_space<vmem_shared>>
      tpu.enqueue_dma source(%dma_start3A_38 : memref<128x128xf32, #tpu.memory_space<vmem_shared>>) target(%arg8 : memref<128x128xf32, #tpu.memory_space<vmem>>) target_semaphore(%run_scoped3A : memref<!tpu.dma_semaphore, #tpu.memory_space<semaphore_mem>>)
      %dma_wait3A = arith.constant 0 : i32
      %dma_wait3A_39 = tpu.memref_slice %arg9[%add3A_29, %dma_wait3A] : memref<10240x128xf32, #tpu.memory_space<vmem_shared>> -> memref<128x128xf32, #tpu.memory_space<vmem_shared>>
      %dma_wait3A_40 = arith.constant 0 : i32
      %dma_wait3A_41 = tpu.memref_slice %arg9[%add3A_29, %dma_wait3A_40] : memref<10240x128xf32, #tpu.memory_space<vmem_shared>> -> memref<128x128xf32, #tpu.memory_space<vmem_shared>>
      tpu.wait_dma2 semaphore(%run_scoped3A : memref<!tpu.dma_semaphore, #tpu.memory_space<semaphore_mem>>) src(%dma_wait3A_41 : memref<128x128xf32, #tpu.memory_space<vmem_shared>>) dst(%arg8 : memref<128x128xf32, #tpu.memory_space<vmem>>)
      tpu.yield
    }) : () -> ()
    "tpu.region"() ({
      %run_scoped3A = tpu.sem_alloc : memref<!tpu.dma_semaphore, #tpu.memory_space<semaphore_mem>>
      %dma_start3A = arith.constant 0 : i32
      %dma_start3A_36 = tpu.memref_slice %arg5[%arg0, %add3A_29, %dma_start3A] : memref<2x10240x128xf32, #tpu.memory_space<hbm>> -> memref<1x128x128xf32, #tpu.memory_space<hbm>>
      %dma_start3A_37 = tpu.memref_squeeze %dma_start3A_36 : memref<1x128x128xf32, #tpu.memory_space<hbm>> -> memref<128x128xf32, #tpu.memory_space<hbm>>
      %dma_start3A_38 = arith.constant 0 : i32
      %dma_start3A_39 = tpu.memref_slice %arg5[%arg0, %add3A_29, %dma_start3A_38] : memref<2x10240x128xf32, #tpu.memory_space<hbm>> -> memref<1x128x128xf32, #tpu.memory_space<hbm>>
      %dma_start3A_40 = tpu.memref_squeeze %dma_start3A_39 : memref<1x128x128xf32, #tpu.memory_space<hbm>> -> memref<128x128xf32, #tpu.memory_space<hbm>>
      tpu.enqueue_dma source(%arg8 : memref<128x128xf32, #tpu.memory_space<vmem>>) target(%dma_start3A_40 : memref<128x128xf32, #tpu.memory_space<hbm>>) target_semaphore(%run_scoped3A : memref<!tpu.dma_semaphore, #tpu.memory_space<semaphore_mem>>)
      %dma_wait3A = arith.constant 0 : i32
      %dma_wait3A_41 = tpu.memref_slice %arg5[%arg0, %add3A_29, %dma_wait3A] : memref<2x10240x128xf32, #tpu.memory_space<hbm>> -> memref<1x128x128xf32, #tpu.memory_space<hbm>>
      %dma_wait3A_42 = tpu.memref_squeeze %dma_wait3A_41 : memref<1x128x128xf32, #tpu.memory_space<hbm>> -> memref<128x128xf32, #tpu.memory_space<hbm>>
      %dma_wait3A_43 = arith.constant 0 : i32
      %dma_wait3A_44 = tpu.memref_slice %arg5[%arg0, %add3A_29, %dma_wait3A_43] : memref<2x10240x128xf32, #tpu.memory_space<hbm>> -> memref<1x128x128xf32, #tpu.memory_space<hbm>>
      %dma_wait3A_45 = tpu.memref_squeeze %dma_wait3A_44 : memref<1x128x128xf32, #tpu.memory_space<hbm>> -> memref<128x128xf32, #tpu.memory_space<hbm>>
      tpu.wait_dma2 semaphore(%run_scoped3A : memref<!tpu.dma_semaphore, #tpu.memory_space<semaphore_mem>>) src(%arg8 : memref<128x128xf32, #tpu.memory_space<vmem>>) dst(%dma_wait3A_45 : memref<128x128xf32, #tpu.memory_space<hbm>>)
      tpu.yield
    }) : () -> ()
    %add3A_30 = arith.constant 256 : i32
    %add3A_31 = arith.addi %mul3A_2, %add3A_30 : i32
    "tpu.region"() ({
      %run_scoped3A = tpu.sem_alloc : memref<!tpu.dma_semaphore, #tpu.memory_space<semaphore_mem>>
      %dma_start3A = arith.constant 0 : i32
      %dma_start3A_36 = tpu.memref_slice %arg9[%add3A_31, %dma_start3A] : memref<10240x128xf32, #tpu.memory_space<vmem_shared>> -> memref<128x128xf32, #tpu.memory_space<vmem_shared>>
      %dma_start3A_37 = arith.constant 0 : i32
      %dma_start3A_38 = tpu.memref_slice %arg9[%add3A_31, %dma_start3A_37] : memref<10240x128xf32, #tpu.memory_space<vmem_shared>> -> memref<128x128xf32, #tpu.memory_space<vmem_shared>>
      tpu.enqueue_dma source(%dma_start3A_38 : memref<128x128xf32, #tpu.memory_space<vmem_shared>>) target(%arg8 : memref<128x128xf32, #tpu.memory_space<vmem>>) target_semaphore(%run_scoped3A : memref<!tpu.dma_semaphore, #tpu.memory_space<semaphore_mem>>)
      %dma_wait3A = arith.constant 0 : i32
      %dma_wait3A_39 = tpu.memref_slice %arg9[%add3A_31, %dma_wait3A] : memref<10240x128xf32, #tpu.memory_space<vmem_shared>> -> memref<128x128xf32, #tpu.memory_space<vmem_shared>>
      %dma_wait3A_40 = arith.constant 0 : i32
      %dma_wait3A_41 = tpu.memref_slice %arg9[%add3A_31, %dma_wait3A_40] : memref<10240x128xf32, #tpu.memory_space<vmem_shared>> -> memref<128x128xf32, #tpu.memory_space<vmem_shared>>
      tpu.wait_dma2 semaphore(%run_scoped3A : memref<!tpu.dma_semaphore, #tpu.memory_space<semaphore_mem>>) src(%dma_wait3A_41 : memref<128x128xf32, #tpu.memory_space<vmem_shared>>) dst(%arg8 : memref<128x128xf32, #tpu.memory_space<vmem>>)
      tpu.yield
    }) : () -> ()
    "tpu.region"() ({
      %run_scoped3A = tpu.sem_alloc : memref<!tpu.dma_semaphore, #tpu.memory_space<semaphore_mem>>
      %dma_start3A = arith.constant 0 : i32
      %dma_start3A_36 = tpu.memref_slice %arg5[%arg0, %add3A_31, %dma_start3A] : memref<2x10240x128xf32, #tpu.memory_space<hbm>> -> memref<1x128x128xf32, #tpu.memory_space<hbm>>
      %dma_start3A_37 = tpu.memref_squeeze %dma_start3A_36 : memref<1x128x128xf32, #tpu.memory_space<hbm>> -> memref<128x128xf32, #tpu.memory_space<hbm>>
      %dma_start3A_38 = arith.constant 0 : i32
      %dma_start3A_39 = tpu.memref_slice %arg5[%arg0, %add3A_31, %dma_start3A_38] : memref<2x10240x128xf32, #tpu.memory_space<hbm>> -> memref<1x128x128xf32, #tpu.memory_space<hbm>>
      %dma_start3A_40 = tpu.memref_squeeze %dma_start3A_39 : memref<1x128x128xf32, #tpu.memory_space<hbm>> -> memref<128x128xf32, #tpu.memory_space<hbm>>
      tpu.enqueue_dma source(%arg8 : memref<128x128xf32, #tpu.memory_space<vmem>>) target(%dma_start3A_40 : memref<128x128xf32, #tpu.memory_space<hbm>>) target_semaphore(%run_scoped3A : memref<!tpu.dma_semaphore, #tpu.memory_space<semaphore_mem>>)
      %dma_wait3A = arith.constant 0 : i32
      %dma_wait3A_41 = tpu.memref_slice %arg5[%arg0, %add3A_31, %dma_wait3A] : memref<2x10240x128xf32, #tpu.memory_space<hbm>> -> memref<1x128x128xf32, #tpu.memory_space<hbm>>
      %dma_wait3A_42 = tpu.memref_squeeze %dma_wait3A_41 : memref<1x128x128xf32, #tpu.memory_space<hbm>> -> memref<128x128xf32, #tpu.memory_space<hbm>>
      %dma_wait3A_43 = arith.constant 0 : i32
      %dma_wait3A_44 = tpu.memref_slice %arg5[%arg0, %add3A_31, %dma_wait3A_43] : memref<2x10240x128xf32, #tpu.memory_space<hbm>> -> memref<1x128x128xf32, #tpu.memory_space<hbm>>
      %dma_wait3A_45 = tpu.memref_squeeze %dma_wait3A_44 : memref<1x128x128xf32, #tpu.memory_space<hbm>> -> memref<128x128xf32, #tpu.memory_space<hbm>>
      tpu.wait_dma2 semaphore(%run_scoped3A : memref<!tpu.dma_semaphore, #tpu.memory_space<semaphore_mem>>) src(%arg8 : memref<128x128xf32, #tpu.memory_space<vmem>>) dst(%dma_wait3A_45 : memref<128x128xf32, #tpu.memory_space<hbm>>)
      tpu.yield
    }) : () -> ()
    %add3A_32 = arith.constant 384 : i32
    %add3A_33 = arith.addi %mul3A_2, %add3A_32 : i32
    "tpu.region"() ({
      %run_scoped3A = tpu.sem_alloc : memref<!tpu.dma_semaphore, #tpu.memory_space<semaphore_mem>>
      %dma_start3A = arith.constant 0 : i32
      %dma_start3A_36 = tpu.memref_slice %arg9[%add3A_33, %dma_start3A] : memref<10240x128xf32, #tpu.memory_space<vmem_shared>> -> memref<128x128xf32, #tpu.memory_space<vmem_shared>>
      %dma_start3A_37 = arith.constant 0 : i32
      %dma_start3A_38 = tpu.memref_slice %arg9[%add3A_33, %dma_start3A_37] : memref<10240x128xf32, #tpu.memory_space<vmem_shared>> -> memref<128x128xf32, #tpu.memory_space<vmem_shared>>
      tpu.enqueue_dma source(%dma_start3A_38 : memref<128x128xf32, #tpu.memory_space<vmem_shared>>) target(%arg8 : memref<128x128xf32, #tpu.memory_space<vmem>>) target_semaphore(%run_scoped3A : memref<!tpu.dma_semaphore, #tpu.memory_space<semaphore_mem>>)
      %dma_wait3A = arith.constant 0 : i32
      %dma_wait3A_39 = tpu.memref_slice %arg9[%add3A_33, %dma_wait3A] : memref<10240x128xf32, #tpu.memory_space<vmem_shared>> -> memref<128x128xf32, #tpu.memory_space<vmem_shared>>
      %dma_wait3A_40 = arith.constant 0 : i32
      %dma_wait3A_41 = tpu.memref_slice %arg9[%add3A_33, %dma_wait3A_40] : memref<10240x128xf32, #tpu.memory_space<vmem_shared>> -> memref<128x128xf32, #tpu.memory_space<vmem_shared>>
      tpu.wait_dma2 semaphore(%run_scoped3A : memref<!tpu.dma_semaphore, #tpu.memory_space<semaphore_mem>>) src(%dma_wait3A_41 : memref<128x128xf32, #tpu.memory_space<vmem_shared>>) dst(%arg8 : memref<128x128xf32, #tpu.memory_space<vmem>>)
      tpu.yield
    }) : () -> ()
    "tpu.region"() ({
      %run_scoped3A = tpu.sem_alloc : memref<!tpu.dma_semaphore, #tpu.memory_space<semaphore_mem>>
      %dma_start3A = arith.constant 0 : i32
      %dma_start3A_36 = tpu.memref_slice %arg5[%arg0, %add3A_33, %dma_start3A] : memref<2x10240x128xf32, #tpu.memory_space<hbm>> -> memref<1x128x128xf32, #tpu.memory_space<hbm>>
      %dma_start3A_37 = tpu.memref_squeeze %dma_start3A_36 : memref<1x128x128xf32, #tpu.memory_space<hbm>> -> memref<128x128xf32, #tpu.memory_space<hbm>>
      %dma_start3A_38 = arith.constant 0 : i32
      %dma_start3A_39 = tpu.memref_slice %arg5[%arg0, %add3A_33, %dma_start3A_38] : memref<2x10240x128xf32, #tpu.memory_space<hbm>> -> memref<1x128x128xf32, #tpu.memory_space<hbm>>
      %dma_start3A_40 = tpu.memref_squeeze %dma_start3A_39 : memref<1x128x128xf32, #tpu.memory_space<hbm>> -> memref<128x128xf32, #tpu.memory_space<hbm>>
      tpu.enqueue_dma source(%arg8 : memref<128x128xf32, #tpu.memory_space<vmem>>) target(%dma_start3A_40 : memref<128x128xf32, #tpu.memory_space<hbm>>) target_semaphore(%run_scoped3A : memref<!tpu.dma_semaphore, #tpu.memory_space<semaphore_mem>>)
      %dma_wait3A = arith.constant 0 : i32
      %dma_wait3A_41 = tpu.memref_slice %arg5[%arg0, %add3A_33, %dma_wait3A] : memref<2x10240x128xf32, #tpu.memory_space<hbm>> -> memref<1x128x128xf32, #tpu.memory_space<hbm>>
      %dma_wait3A_42 = tpu.memref_squeeze %dma_wait3A_41 : memref<1x128x128xf32, #tpu.memory_space<hbm>> -> memref<128x128xf32, #tpu.memory_space<hbm>>
      %dma_wait3A_43 = arith.constant 0 : i32
      %dma_wait3A_44 = tpu.memref_slice %arg5[%arg0, %add3A_33, %dma_wait3A_43] : memref<2x10240x128xf32, #tpu.memory_space<hbm>> -> memref<1x128x128xf32, #tpu.memory_space<hbm>>
      %dma_wait3A_45 = tpu.memref_squeeze %dma_wait3A_44 : memref<1x128x128xf32, #tpu.memory_space<hbm>> -> memref<128x128xf32, #tpu.memory_space<hbm>>
      tpu.wait_dma2 semaphore(%run_scoped3A : memref<!tpu.dma_semaphore, #tpu.memory_space<semaphore_mem>>) src(%arg8 : memref<128x128xf32, #tpu.memory_space<vmem>>) dst(%dma_wait3A_45 : memref<128x128xf32, #tpu.memory_space<hbm>>)
      tpu.yield
    }) : () -> ()
    %add3A_34 = arith.constant 512 : i32
    %add3A_35 = arith.addi %mul3A_2, %add3A_34 : i32
    "tpu.region"() ({
      %run_scoped3A = tpu.sem_alloc : memref<!tpu.dma_semaphore, #tpu.memory_space<semaphore_mem>>
      %dma_start3A = arith.constant 0 : i32
      %dma_start3A_36 = tpu.memref_slice %arg9[%add3A_35, %dma_start3A] : memref<10240x128xf32, #tpu.memory_space<vmem_shared>> -> memref<128x128xf32, #tpu.memory_space<vmem_shared>>
      %dma_start3A_37 = arith.constant 0 : i32
      %dma_start3A_38 = tpu.memref_slice %arg9[%add3A_35, %dma_start3A_37] : memref<10240x128xf32, #tpu.memory_space<vmem_shared>> -> memref<128x128xf32, #tpu.memory_space<vmem_shared>>
      tpu.enqueue_dma source(%dma_start3A_38 : memref<128x128xf32, #tpu.memory_space<vmem_shared>>) target(%arg8 : memref<128x128xf32, #tpu.memory_space<vmem>>) target_semaphore(%run_scoped3A : memref<!tpu.dma_semaphore, #tpu.memory_space<semaphore_mem>>)
      %dma_wait3A = arith.constant 0 : i32
      %dma_wait3A_39 = tpu.memref_slice %arg9[%add3A_35, %dma_wait3A] : memref<10240x128xf32, #tpu.memory_space<vmem_shared>> -> memref<128x128xf32, #tpu.memory_space<vmem_shared>>
      %dma_wait3A_40 = arith.constant 0 : i32
      %dma_wait3A_41 = tpu.memref_slice %arg9[%add3A_35, %dma_wait3A_40] : memref<10240x128xf32, #tpu.memory_space<vmem_shared>> -> memref<128x128xf32, #tpu.memory_space<vmem_shared>>
      tpu.wait_dma2 semaphore(%run_scoped3A : memref<!tpu.dma_semaphore, #tpu.memory_space<semaphore_mem>>) src(%dma_wait3A_41 : memref<128x128xf32, #tpu.memory_space<vmem_shared>>) dst(%arg8 : memref<128x128xf32, #tpu.memory_space<vmem>>)
      tpu.yield
    }) : () -> ()
    "tpu.region"() ({
      %run_scoped3A = tpu.sem_alloc : memref<!tpu.dma_semaphore, #tpu.memory_space<semaphore_mem>>
      %dma_start3A = arith.constant 0 : i32
      %dma_start3A_36 = tpu.memref_slice %arg5[%arg0, %add3A_35, %dma_start3A] : memref<2x10240x128xf32, #tpu.memory_space<hbm>> -> memref<1x128x128xf32, #tpu.memory_space<hbm>>
      %dma_start3A_37 = tpu.memref_squeeze %dma_start3A_36 : memref<1x128x128xf32, #tpu.memory_space<hbm>> -> memref<128x128xf32, #tpu.memory_space<hbm>>
      %dma_start3A_38 = arith.constant 0 : i32
      %dma_start3A_39 = tpu.memref_slice %arg5[%arg0, %add3A_35, %dma_start3A_38] : memref<2x10240x128xf32, #tpu.memory_space<hbm>> -> memref<1x128x128xf32, #tpu.memory_space<hbm>>
      %dma_start3A_40 = tpu.memref_squeeze %dma_start3A_39 : memref<1x128x128xf32, #tpu.memory_space<hbm>> -> memref<128x128xf32, #tpu.memory_space<hbm>>
      tpu.enqueue_dma source(%arg8 : memref<128x128xf32, #tpu.memory_space<vmem>>) target(%dma_start3A_40 : memref<128x128xf32, #tpu.memory_space<hbm>>) target_semaphore(%run_scoped3A : memref<!tpu.dma_semaphore, #tpu.memory_space<semaphore_mem>>)
      %dma_wait3A = arith.constant 0 : i32
      %dma_wait3A_41 = tpu.memref_slice %arg5[%arg0, %add3A_35, %dma_wait3A] : memref<2x10240x128xf32, #tpu.memory_space<hbm>> -> memref<1x128x128xf32, #tpu.memory_space<hbm>>
      %dma_wait3A_42 = tpu.memref_squeeze %dma_wait3A_41 : memref<1x128x128xf32, #tpu.memory_space<hbm>> -> memref<128x128xf32, #tpu.memory_space<hbm>>
      %dma_wait3A_43 = arith.constant 0 : i32
      %dma_wait3A_44 = tpu.memref_slice %arg5[%arg0, %add3A_35, %dma_wait3A_43] : memref<2x10240x128xf32, #tpu.memory_space<hbm>> -> memref<1x128x128xf32, #tpu.memory_space<hbm>>
      %dma_wait3A_45 = tpu.memref_squeeze %dma_wait3A_44 : memref<1x128x128xf32, #tpu.memory_space<hbm>> -> memref<128x128xf32, #tpu.memory_space<hbm>>
      tpu.wait_dma2 semaphore(%run_scoped3A : memref<!tpu.dma_semaphore, #tpu.memory_space<semaphore_mem>>) src(%arg8 : memref<128x128xf32, #tpu.memory_space<vmem>>) dst(%dma_wait3A_45 : memref<128x128xf32, #tpu.memory_space<hbm>>)
      tpu.yield
    }) : () -> ()
    return
  }
}

#map = affine_map<(d0, d1) -> (0, 0)>
#map1 = affine_map<(d0, d1) -> (0, 0, 0)>
module attributes {stable_mosaic.version = 14 : i64} {
  func.func @agg_kernel(%arg0: i32, %arg1: i32, %arg2: memref<10000x128xf32, #tpu.memory_space<hbm>>, %arg3: memref<32x79x128xi32, #tpu.memory_space<hbm>>, %arg4: memref<32x79x128xi32, #tpu.memory_space<hbm>>, %arg5: memref<2x10240x128xf32, #tpu.memory_space<hbm>>, %arg6: memref<79x128xi32, #tpu.memory_space<vmem>>, %arg7: memref<79x128xi32, #tpu.memory_space<vmem>>, %arg8: memref<128x128xf32, #tpu.memory_space<vmem>>, %arg9: memref<10240x128xf32, #tpu.memory_space<vmem_shared>>, %arg10: memref<!tpu.dma_semaphore, #tpu.memory_space<semaphore_mem>>, %arg11: memref<!tpu.dma_semaphore, #tpu.memory_space<semaphore_mem>>) attributes {dimension_semantics = [#tpu.dimension_semantics<core_parallel>, #tpu.dimension_semantics<subcore_parallel>], iteration_bounds = array<i64: 2, 16>, scalar_prefetch = 0 : i64, scratch_operands = 6 : i64, tpu.core_type = #tpu.core_type<sc_vector_subcore>, window_params = [{transform_indices = #map}, {transform_indices = #map1}, {transform_indices = #map1}, {transform_indices = #map1}]} {
    %mul3A = arith.constant 16 : i32
    %mul3A_0 = arith.muli %arg0, %mul3A : i32
    %add3A = arith.addi %mul3A_0, %arg1 : i32
    %mul3A_1 = arith.constant 640 : i32
    %mul3A_2 = arith.muli %arg1, %mul3A_1 : i32
    %broadcast_in_dim3A = arith.constant 0.000000e+00 : f32
    %broadcast_in_dim3A_3 = vector.broadcast %broadcast_in_dim3A : f32 to vector<16xf32>
    %scan3A = arith.constant 0 : i32
    %scan3A_4 = arith.constant 0 : i32
    %scan3A_5 = arith.constant 128 : i32
    %scan3A_6 = arith.addi %scan3A_4, %scan3A_5 : i32
    %scan3A_7 = arith.constant 1 : i32
    scf.for %scan3A_36 = %scan3A_4 to %scan3A_6 step %scan3A_7  : i32 {
      %swap3A = arith.index_cast %scan3A_36 : i32 to index
      %swap3A_37 = arith.constant 0 : index
      %swap3A_38 = tpu.vector_load %arg8[%swap3A, %swap3A_37] {strides = array<i32>} : memref<128x128xf32, #tpu.memory_space<vmem>>, vector<1x16xf32>,
      %swap3A_39 = vector.shape_cast %swap3A_38 : vector<1x16xf32> to vector<16xf32>
      %swap3A_40 = vector.shape_cast %broadcast_in_dim3A_3 : vector<16xf32> to vector<1x16xf32>
      tpu.vector_store %arg8[%swap3A, %swap3A_37], %swap3A_40 {strides = array<i32>} : memref<128x128xf32, #tpu.memory_space<vmem>>, vector<1x16xf32>,
      %swap3A_41 = arith.index_cast %scan3A_36 : i32 to index
      %swap3A_42 = arith.constant 16 : index
      %swap3A_43 = tpu.vector_load %arg8[%swap3A_41, %swap3A_42] {strides = array<i32>} : memref<128x128xf32, #tpu.memory_space<vmem>>, vector<1x16xf32>,
      %swap3A_44 = vector.shape_cast %swap3A_43 : vector<1x16xf32> to vector<16xf32>
      %swap3A_45 = vector.shape_cast %broadcast_in_dim3A_3 : vector<16xf32> to vector<1x16xf32>
      tpu.vector_store %arg8[%swap3A_41, %swap3A_42], %swap3A_45 {strides = array<i32>} : memref<128x128xf32, #tpu.memory_space<vmem>>, vector<1x16xf32>,
      %swap3A_46 = arith.index_cast %scan3A_36 : i32 to index
      %swap3A_47 = arith.constant 32 : index
      %swap3A_48 = tpu.vector_load %arg8[%swap3A_46, %swap3A_47] {strides = array<i32>} : memref<128x128xf32, #tpu.memory_space<vmem>>, vector<1x16xf32>,
      %swap3A_49 = vector.shape_cast %swap3A_48 : vector<1x16xf32> to vector<16xf32>
      %swap3A_50 = vector.shape_cast %broadcast_in_dim3A_3 : vector<16xf32> to vector<1x16xf32>
      tpu.vector_store %arg8[%swap3A_46, %swap3A_47], %swap3A_50 {strides = array<i32>} : memref<128x128xf32, #tpu.memory_space<vmem>>, vector<1x16xf32>,
      %swap3A_51 = arith.index_cast %scan3A_36 : i32 to index
      %swap3A_52 = arith.constant 48 : index
      %swap3A_53 = tpu.vector_load %arg8[%swap3A_51, %swap3A_52] {strides = array<i32>} : memref<128x128xf32, #tpu.memory_space<vmem>>, vector<1x16xf32>,
      %swap3A_54 = vector.shape_cast %swap3A_53 : vector<1x16xf32> to vector<16xf32>
      %swap3A_55 = vector.shape_cast %broadcast_in_dim3A_3 : vector<16xf32> to vector<1x16xf32>
      tpu.vector_store %arg8[%swap3A_51, %swap3A_52], %swap3A_55 {strides = array<i32>} : memref<128x128xf32, #tpu.memory_space<vmem>>, vector<1x16xf32>,
      %swap3A_56 = arith.index_cast %scan3A_36 : i32 to index
      %swap3A_57 = arith.constant 64 : index
      %swap3A_58 = tpu.vector_load %arg8[%swap3A_56, %swap3A_57] {strides = array<i32>} : memref<128x128xf32, #tpu.memory_space<vmem>>, vector<1x16xf32>,
      %swap3A_59 = vector.shape_cast %swap3A_58 : vector<1x16xf32> to vector<16xf32>
      %swap3A_60 = vector.shape_cast %broadcast_in_dim3A_3 : vector<16xf32> to vector<1x16xf32>
      tpu.vector_store %arg8[%swap3A_56, %swap3A_57], %swap3A_60 {strides = array<i32>} : memref<128x128xf32, #tpu.memory_space<vmem>>, vector<1x16xf32>,
      %swap3A_61 = arith.index_cast %scan3A_36 : i32 to index
      %swap3A_62 = arith.constant 80 : index
      %swap3A_63 = tpu.vector_load %arg8[%swap3A_61, %swap3A_62] {strides = array<i32>} : memref<128x128xf32, #tpu.memory_space<vmem>>, vector<1x16xf32>,
      %swap3A_64 = vector.shape_cast %swap3A_63 : vector<1x16xf32> to vector<16xf32>
      %swap3A_65 = vector.shape_cast %broadcast_in_dim3A_3 : vector<16xf32> to vector<1x16xf32>
      tpu.vector_store %arg8[%swap3A_61, %swap3A_62], %swap3A_65 {strides = array<i32>} : memref<128x128xf32, #tpu.memory_space<vmem>>, vector<1x16xf32>,
      %swap3A_66 = arith.index_cast %scan3A_36 : i32 to index
      %swap3A_67 = arith.constant 96 : index
      %swap3A_68 = tpu.vector_load %arg8[%swap3A_66, %swap3A_67] {strides = array<i32>} : memref<128x128xf32, #tpu.memory_space<vmem>>, vector<1x16xf32>,
      %swap3A_69 = vector.shape_cast %swap3A_68 : vector<1x16xf32> to vector<16xf32>
      %swap3A_70 = vector.shape_cast %broadcast_in_dim3A_3 : vector<16xf32> to vector<1x16xf32>
      tpu.vector_store %arg8[%swap3A_66, %swap3A_67], %swap3A_70 {strides = array<i32>} : memref<128x128xf32, #tpu.memory_space<vmem>>, vector<1x16xf32>,
      %swap3A_71 = arith.index_cast %scan3A_36 : i32 to index
      %swap3A_72 = arith.constant 112 : index
      %swap3A_73 = tpu.vector_load %arg8[%swap3A_71, %swap3A_72] {strides = array<i32>} : memref<128x128xf32, #tpu.memory_space<vmem>>, vector<1x16xf32>,
      %swap3A_74 = vector.shape_cast %swap3A_73 : vector<1x16xf32> to vector<16xf32>
      %swap3A_75 = vector.shape_cast %broadcast_in_dim3A_3 : vector<16xf32> to vector<1x16xf32>
      tpu.vector_store %arg8[%swap3A_71, %swap3A_72], %swap3A_75 {strides = array<i32>} : memref<128x128xf32, #tpu.memory_space<vmem>>, vector<1x16xf32>,
    }
    %scan3A_8 = arith.constant 128 : i32
    %add3A_9 = arith.constant 0 : i32
    %add3A_10 = arith.addi %mul3A_2, %add3A_9 : i32
    "tpu.region"() ({
      %run_scoped3A = tpu.sem_alloc : memref<!tpu.dma_semaphore, #tpu.memory_space<semaphore_mem>>
      %dma_start3A = arith.constant 0 : i32
      %dma_start3A_36 = tpu.memref_slice %arg9[%add3A_10, %dma_start3A] : memref<10240x128xf32, #tpu.memory_space<vmem_shared>> -> memref<128x128xf32, #tpu.memory_space<vmem_shared>>
      %dma_start3A_37 = arith.constant 0 : i32
      %dma_start3A_38 = tpu.memref_slice %arg9[%add3A_10, %dma_start3A_37] : memref<10240x128xf32, #tpu.memory_space<vmem_shared>> -> memref<128x128xf32, #tpu.memory_space<vmem_shared>>
      tpu.enqueue_dma source(%arg8 : memref<128x128xf32, #tpu.memory_space<vmem>>) target(%dma_start3A_38 : memref<128x128xf32, #tpu.memory_space<vmem_shared>>) target_semaphore(%run_scoped3A : memref<!tpu.dma_semaphore, #tpu.memory_space<semaphore_mem>>)
      %dma_wait3A = arith.constant 0 : i32
      %dma_wait3A_39 = tpu.memref_slice %arg9[%add3A_10, %dma_wait3A] : memref<10240x128xf32, #tpu.memory_space<vmem_shared>> -> memref<128x128xf32, #tpu.memory_space<vmem_shared>>
      %dma_wait3A_40 = arith.constant 0 : i32
      %dma_wait3A_41 = tpu.memref_slice %arg9[%add3A_10, %dma_wait3A_40] : memref<10240x128xf32, #tpu.memory_space<vmem_shared>> -> memref<128x128xf32, #tpu.memory_space<vmem_shared>>
      tpu.wait_dma2 semaphore(%run_scoped3A : memref<!tpu.dma_semaphore, #tpu.memory_space<semaphore_mem>>) src(%arg8 : memref<128x128xf32, #tpu.memory_space<vmem>>) dst(%dma_wait3A_41 : memref<128x128xf32, #tpu.memory_space<vmem_shared>>)
      tpu.yield
    }) : () -> ()
    %add3A_11 = arith.constant 128 : i32
    %add3A_12 = arith.addi %mul3A_2, %add3A_11 : i32
    "tpu.region"() ({
      %run_scoped3A = tpu.sem_alloc : memref<!tpu.dma_semaphore, #tpu.memory_space<semaphore_mem>>
      %dma_start3A = arith.constant 0 : i32
      %dma_start3A_36 = tpu.memref_slice %arg9[%add3A_12, %dma_start3A] : memref<10240x128xf32, #tpu.memory_space<vmem_shared>> -> memref<128x128xf32, #tpu.memory_space<vmem_shared>>
      %dma_start3A_37 = arith.constant 0 : i32
      %dma_start3A_38 = tpu.memref_slice %arg9[%add3A_12, %dma_start3A_37] : memref<10240x128xf32, #tpu.memory_space<vmem_shared>> -> memref<128x128xf32, #tpu.memory_space<vmem_shared>>
      tpu.enqueue_dma source(%arg8 : memref<128x128xf32, #tpu.memory_space<vmem>>) target(%dma_start3A_38 : memref<128x128xf32, #tpu.memory_space<vmem_shared>>) target_semaphore(%run_scoped3A : memref<!tpu.dma_semaphore, #tpu.memory_space<semaphore_mem>>)
      %dma_wait3A = arith.constant 0 : i32
      %dma_wait3A_39 = tpu.memref_slice %arg9[%add3A_12, %dma_wait3A] : memref<10240x128xf32, #tpu.memory_space<vmem_shared>> -> memref<128x128xf32, #tpu.memory_space<vmem_shared>>
      %dma_wait3A_40 = arith.constant 0 : i32
      %dma_wait3A_41 = tpu.memref_slice %arg9[%add3A_12, %dma_wait3A_40] : memref<10240x128xf32, #tpu.memory_space<vmem_shared>> -> memref<128x128xf32, #tpu.memory_space<vmem_shared>>
      tpu.wait_dma2 semaphore(%run_scoped3A : memref<!tpu.dma_semaphore, #tpu.memory_space<semaphore_mem>>) src(%arg8 : memref<128x128xf32, #tpu.memory_space<vmem>>) dst(%dma_wait3A_41 : memref<128x128xf32, #tpu.memory_space<vmem_shared>>)
      tpu.yield
    }) : () -> ()
    %add3A_13 = arith.constant 256 : i32
    %add3A_14 = arith.addi %mul3A_2, %add3A_13 : i32
    "tpu.region"() ({
      %run_scoped3A = tpu.sem_alloc : memref<!tpu.dma_semaphore, #tpu.memory_space<semaphore_mem>>
      %dma_start3A = arith.constant 0 : i32
      %dma_start3A_36 = tpu.memref_slice %arg9[%add3A_14, %dma_start3A] : memref<10240x128xf32, #tpu.memory_space<vmem_shared>> -> memref<128x128xf32, #tpu.memory_space<vmem_shared>>
      %dma_start3A_37 = arith.constant 0 : i32
      %dma_start3A_38 = tpu.memref_slice %arg9[%add3A_14, %dma_start3A_37] : memref<10240x128xf32, #tpu.memory_space<vmem_shared>> -> memref<128x128xf32, #tpu.memory_space<vmem_shared>>
      tpu.enqueue_dma source(%arg8 : memref<128x128xf32, #tpu.memory_space<vmem>>) target(%dma_start3A_38 : memref<128x128xf32, #tpu.memory_space<vmem_shared>>) target_semaphore(%run_scoped3A : memref<!tpu.dma_semaphore, #tpu.memory_space<semaphore_mem>>)
      %dma_wait3A = arith.constant 0 : i32
      %dma_wait3A_39 = tpu.memref_slice %arg9[%add3A_14, %dma_wait3A] : memref<10240x128xf32, #tpu.memory_space<vmem_shared>> -> memref<128x128xf32, #tpu.memory_space<vmem_shared>>
      %dma_wait3A_40 = arith.constant 0 : i32
      %dma_wait3A_41 = tpu.memref_slice %arg9[%add3A_14, %dma_wait3A_40] : memref<10240x128xf32, #tpu.memory_space<vmem_shared>> -> memref<128x128xf32, #tpu.memory_space<vmem_shared>>
      tpu.wait_dma2 semaphore(%run_scoped3A : memref<!tpu.dma_semaphore, #tpu.memory_space<semaphore_mem>>) src(%arg8 : memref<128x128xf32, #tpu.memory_space<vmem>>) dst(%dma_wait3A_41 : memref<128x128xf32, #tpu.memory_space<vmem_shared>>)
      tpu.yield
    }) : () -> ()
    %add3A_15 = arith.constant 384 : i32
    %add3A_16 = arith.addi %mul3A_2, %add3A_15 : i32
    "tpu.region"() ({
      %run_scoped3A = tpu.sem_alloc : memref<!tpu.dma_semaphore, #tpu.memory_space<semaphore_mem>>
      %dma_start3A = arith.constant 0 : i32
      %dma_start3A_36 = tpu.memref_slice %arg9[%add3A_16, %dma_start3A] : memref<10240x128xf32, #tpu.memory_space<vmem_shared>> -> memref<128x128xf32, #tpu.memory_space<vmem_shared>>
      %dma_start3A_37 = arith.constant 0 : i32
      %dma_start3A_38 = tpu.memref_slice %arg9[%add3A_16, %dma_start3A_37] : memref<10240x128xf32, #tpu.memory_space<vmem_shared>> -> memref<128x128xf32, #tpu.memory_space<vmem_shared>>
      tpu.enqueue_dma source(%arg8 : memref<128x128xf32, #tpu.memory_space<vmem>>) target(%dma_start3A_38 : memref<128x128xf32, #tpu.memory_space<vmem_shared>>) target_semaphore(%run_scoped3A : memref<!tpu.dma_semaphore, #tpu.memory_space<semaphore_mem>>)
      %dma_wait3A = arith.constant 0 : i32
      %dma_wait3A_39 = tpu.memref_slice %arg9[%add3A_16, %dma_wait3A] : memref<10240x128xf32, #tpu.memory_space<vmem_shared>> -> memref<128x128xf32, #tpu.memory_space<vmem_shared>>
      %dma_wait3A_40 = arith.constant 0 : i32
      %dma_wait3A_41 = tpu.memref_slice %arg9[%add3A_16, %dma_wait3A_40] : memref<10240x128xf32, #tpu.memory_space<vmem_shared>> -> memref<128x128xf32, #tpu.memory_space<vmem_shared>>
      tpu.wait_dma2 semaphore(%run_scoped3A : memref<!tpu.dma_semaphore, #tpu.memory_space<semaphore_mem>>) src(%arg8 : memref<128x128xf32, #tpu.memory_space<vmem>>) dst(%dma_wait3A_41 : memref<128x128xf32, #tpu.memory_space<vmem_shared>>)
      tpu.yield
    }) : () -> ()
    %add3A_17 = arith.constant 512 : i32
    %add3A_18 = arith.addi %mul3A_2, %add3A_17 : i32
    "tpu.region"() ({
      %run_scoped3A = tpu.sem_alloc : memref<!tpu.dma_semaphore, #tpu.memory_space<semaphore_mem>>
      %dma_start3A = arith.constant 0 : i32
      %dma_start3A_36 = tpu.memref_slice %arg9[%add3A_18, %dma_start3A] : memref<10240x128xf32, #tpu.memory_space<vmem_shared>> -> memref<128x128xf32, #tpu.memory_space<vmem_shared>>
      %dma_start3A_37 = arith.constant 0 : i32
      %dma_start3A_38 = tpu.memref_slice %arg9[%add3A_18, %dma_start3A_37] : memref<10240x128xf32, #tpu.memory_space<vmem_shared>> -> memref<128x128xf32, #tpu.memory_space<vmem_shared>>
      tpu.enqueue_dma source(%arg8 : memref<128x128xf32, #tpu.memory_space<vmem>>) target(%dma_start3A_38 : memref<128x128xf32, #tpu.memory_space<vmem_shared>>) target_semaphore(%run_scoped3A : memref<!tpu.dma_semaphore, #tpu.memory_space<semaphore_mem>>)
      %dma_wait3A = arith.constant 0 : i32
      %dma_wait3A_39 = tpu.memref_slice %arg9[%add3A_18, %dma_wait3A] : memref<10240x128xf32, #tpu.memory_space<vmem_shared>> -> memref<128x128xf32, #tpu.memory_space<vmem_shared>>
      %dma_wait3A_40 = arith.constant 0 : i32
      %dma_wait3A_41 = tpu.memref_slice %arg9[%add3A_18, %dma_wait3A_40] : memref<10240x128xf32, #tpu.memory_space<vmem_shared>> -> memref<128x128xf32, #tpu.memory_space<vmem_shared>>
      tpu.wait_dma2 semaphore(%run_scoped3A : memref<!tpu.dma_semaphore, #tpu.memory_space<semaphore_mem>>) src(%arg8 : memref<128x128xf32, #tpu.memory_space<vmem>>) dst(%dma_wait3A_41 : memref<128x128xf32, #tpu.memory_space<vmem_shared>>)
      tpu.yield
    }) : () -> ()
    %barrier3A = arith.constant 0 : index
    tpu.barrier barrier_id(%barrier3A)
    "tpu.region"() ({
      %run_scoped3A = tpu.sem_alloc : memref<!tpu.dma_semaphore, #tpu.memory_space<semaphore_mem>>
      %dma_start3A = arith.constant 0 : i32
      %dma_start3A_36 = arith.constant 0 : i32
      %dma_start3A_37 = tpu.memref_slice %arg3[%add3A, %dma_start3A, %dma_start3A_36] : memref<32x79x128xi32, #tpu.memory_space<hbm>> -> memref<1x79x128xi32, #tpu.memory_space<hbm>>
      %dma_start3A_38 = tpu.memref_squeeze %dma_start3A_37 : memref<1x79x128xi32, #tpu.memory_space<hbm>> -> memref<79x128xi32, #tpu.memory_space<hbm>>
      %dma_start3A_39 = arith.constant 0 : i32
      %dma_start3A_40 = arith.constant 0 : i32
      %dma_start3A_41 = tpu.memref_slice %arg3[%add3A, %dma_start3A_39, %dma_start3A_40] : memref<32x79x128xi32, #tpu.memory_space<hbm>> -> memref<1x79x128xi32, #tpu.memory_space<hbm>>
      %dma_start3A_42 = tpu.memref_squeeze %dma_start3A_41 : memref<1x79x128xi32, #tpu.memory_space<hbm>> -> memref<79x128xi32, #tpu.memory_space<hbm>>
      tpu.enqueue_dma source(%dma_start3A_42 : memref<79x128xi32, #tpu.memory_space<hbm>>) target(%arg6 : memref<79x128xi32, #tpu.memory_space<vmem>>) target_semaphore(%run_scoped3A : memref<!tpu.dma_semaphore, #tpu.memory_space<semaphore_mem>>)
      %dma_wait3A = arith.constant 0 : i32
      %dma_wait3A_43 = arith.constant 0 : i32
      %dma_wait3A_44 = tpu.memref_slice %arg3[%add3A, %dma_wait3A, %dma_wait3A_43] : memref<32x79x128xi32, #tpu.memory_space<hbm>> -> memref<1x79x128xi32, #tpu.memory_space<hbm>>
      %dma_wait3A_45 = tpu.memref_squeeze %dma_wait3A_44 : memref<1x79x128xi32, #tpu.memory_space<hbm>> -> memref<79x128xi32, #tpu.memory_space<hbm>>
      %dma_wait3A_46 = arith.constant 0 : i32
      %dma_wait3A_47 = arith.constant 0 : i32
      %dma_wait3A_48 = tpu.memref_slice %arg3[%add3A, %dma_wait3A_46, %dma_wait3A_47] : memref<32x79x128xi32, #tpu.memory_space<hbm>> -> memref<1x79x128xi32, #tpu.memory_space<hbm>>
      %dma_wait3A_49 = tpu.memref_squeeze %dma_wait3A_48 : memref<1x79x128xi32, #tpu.memory_space<hbm>> -> memref<79x128xi32, #tpu.memory_space<hbm>>
      tpu.wait_dma2 semaphore(%run_scoped3A : memref<!tpu.dma_semaphore, #tpu.memory_space<semaphore_mem>>) src(%dma_wait3A_49 : memref<79x128xi32, #tpu.memory_space<hbm>>) dst(%arg6 : memref<79x128xi32, #tpu.memory_space<vmem>>)
      tpu.yield
    }) : () -> ()
    "tpu.region"() ({
      %run_scoped3A = tpu.sem_alloc : memref<!tpu.dma_semaphore, #tpu.memory_space<semaphore_mem>>
      %dma_start3A = arith.constant 0 : i32
      %dma_start3A_36 = arith.constant 0 : i32
      %dma_start3A_37 = tpu.memref_slice %arg4[%add3A, %dma_start3A, %dma_start3A_36] : memref<32x79x128xi32, #tpu.memory_space<hbm>> -> memref<1x79x128xi32, #tpu.memory_space<hbm>>
      %dma_start3A_38 = tpu.memref_squeeze %dma_start3A_37 : memref<1x79x128xi32, #tpu.memory_space<hbm>> -> memref<79x128xi32, #tpu.memory_space<hbm>>
      %dma_start3A_39 = arith.constant 0 : i32
      %dma_start3A_40 = arith.constant 0 : i32
      %dma_start3A_41 = tpu.memref_slice %arg4[%add3A, %dma_start3A_39, %dma_start3A_40] : memref<32x79x128xi32, #tpu.memory_space<hbm>> -> memref<1x79x128xi32, #tpu.memory_space<hbm>>
      %dma_start3A_42 = tpu.memref_squeeze %dma_start3A_41 : memref<1x79x128xi32, #tpu.memory_space<hbm>> -> memref<79x128xi32, #tpu.memory_space<hbm>>
      tpu.enqueue_dma source(%dma_start3A_42 : memref<79x128xi32, #tpu.memory_space<hbm>>) target(%arg7 : memref<79x128xi32, #tpu.memory_space<vmem>>) target_semaphore(%run_scoped3A : memref<!tpu.dma_semaphore, #tpu.memory_space<semaphore_mem>>)
      %dma_wait3A = arith.constant 0 : i32
      %dma_wait3A_43 = arith.constant 0 : i32
      %dma_wait3A_44 = tpu.memref_slice %arg4[%add3A, %dma_wait3A, %dma_wait3A_43] : memref<32x79x128xi32, #tpu.memory_space<hbm>> -> memref<1x79x128xi32, #tpu.memory_space<hbm>>
      %dma_wait3A_45 = tpu.memref_squeeze %dma_wait3A_44 : memref<1x79x128xi32, #tpu.memory_space<hbm>> -> memref<79x128xi32, #tpu.memory_space<hbm>>
      %dma_wait3A_46 = arith.constant 0 : i32
      %dma_wait3A_47 = arith.constant 0 : i32
      %dma_wait3A_48 = tpu.memref_slice %arg4[%add3A, %dma_wait3A_46, %dma_wait3A_47] : memref<32x79x128xi32, #tpu.memory_space<hbm>> -> memref<1x79x128xi32, #tpu.memory_space<hbm>>
      %dma_wait3A_49 = tpu.memref_squeeze %dma_wait3A_48 : memref<1x79x128xi32, #tpu.memory_space<hbm>> -> memref<79x128xi32, #tpu.memory_space<hbm>>
      tpu.wait_dma2 semaphore(%run_scoped3A : memref<!tpu.dma_semaphore, #tpu.memory_space<semaphore_mem>>) src(%dma_wait3A_49 : memref<79x128xi32, #tpu.memory_space<hbm>>) dst(%arg7 : memref<79x128xi32, #tpu.memory_space<vmem>>)
      tpu.yield
    }) : () -> ()
    %scan3A_19 = arith.constant 0 : i32
    %scan3A_20 = arith.constant 0 : i32
    %scan3A_21 = arith.constant 79 : i32
    %scan3A_22 = arith.addi %scan3A_20, %scan3A_21 : i32
    %scan3A_23 = arith.constant 1 : i32
    scf.for %scan3A_36 = %scan3A_20 to %scan3A_22 step %scan3A_23  : i32 {
      %dma_start3A = arith.constant 0 : i32
      %dma_start3A_37 = tpu.memref_slice %arg6[%scan3A_36, %dma_start3A] : memref<79x128xi32, #tpu.memory_space<vmem>> -> memref<1x128xi32, #tpu.memory_space<vmem>>
      %dma_start3A_38 = tpu.memref_squeeze %dma_start3A_37 : memref<1x128xi32, #tpu.memory_space<vmem>> -> memref<128xi32, #tpu.memory_space<vmem>>
      %dma_start3A_39 = arith.constant 0 : i32
      %dma_start3A_40 = arith.constant 0 : i32
      %dma_start3A_41 = tpu.memref_slice %arg2[%dma_start3A_39, %dma_start3A_40] : memref<10000x128xf32, #tpu.memory_space<hbm>> -> memref<10000x128xf32, #tpu.memory_space<hbm>>
      tpu.enqueue_indirect_dma source(%dma_start3A_41 : memref<10000x128xf32, #tpu.memory_space<hbm>>) target(%arg8 : memref<128x128xf32, #tpu.memory_space<vmem>>) offsets(%dma_start3A_38 : memref<128xi32, #tpu.memory_space<vmem>>) semaphore(%arg10 : memref<!tpu.dma_semaphore, #tpu.memory_space<semaphore_mem>>)
      %dma_wait3A = arith.constant 0 : i32
      %dma_wait3A_42 = tpu.memref_slice %arg6[%scan3A_36, %dma_wait3A] : memref<79x128xi32, #tpu.memory_space<vmem>> -> memref<1x128xi32, #tpu.memory_space<vmem>>
      %dma_wait3A_43 = tpu.memref_squeeze %dma_wait3A_42 : memref<1x128xi32, #tpu.memory_space<vmem>> -> memref<128xi32, #tpu.memory_space<vmem>>
      %dma_wait3A_44 = arith.constant 0 : i32
      %dma_wait3A_45 = arith.constant 0 : i32
      %dma_wait3A_46 = tpu.memref_slice %arg2[%dma_wait3A_44, %dma_wait3A_45] : memref<10000x128xf32, #tpu.memory_space<hbm>> -> memref<10000x128xf32, #tpu.memory_space<hbm>>
      tpu.wait_indirect_dma semaphore(%arg10 : memref<!tpu.dma_semaphore, #tpu.memory_space<semaphore_mem>>) src(%dma_wait3A_46 : memref<10000x128xf32, #tpu.memory_space<hbm>>) dst(%arg8 : memref<128x128xf32, #tpu.memory_space<vmem>>)
      "tpu.region"() ({
        %run_scoped3A = tpu.sem_alloc : memref<!tpu.dma_semaphore, #tpu.memory_space<semaphore_mem>>
        %dma_start3A_47 = arith.constant 0 : i32
        %dma_start3A_48 = tpu.memref_slice %arg7[%scan3A_36, %dma_start3A_47] : memref<79x128xi32, #tpu.memory_space<vmem>> -> memref<1x128xi32, #tpu.memory_space<vmem>>
        %dma_start3A_49 = tpu.memref_squeeze %dma_start3A_48 : memref<1x128xi32, #tpu.memory_space<vmem>> -> memref<128xi32, #tpu.memory_space<vmem>>
        %dma_start3A_50 = arith.constant 0 : i32
        %dma_start3A_51 = arith.constant 0 : i32
        %dma_start3A_52 = tpu.memref_slice %arg9[%dma_start3A_50, %dma_start3A_51] : memref<10240x128xf32, #tpu.memory_space<vmem_shared>> -> memref<10240x128xf32, #tpu.memory_space<vmem_shared>>
        tpu.enqueue_indirect_dma source(%arg8 : memref<128x128xf32, #tpu.memory_space<vmem>>) target(%dma_start3A_52 : memref<10240x128xf32, #tpu.memory_space<vmem_shared>>) offsets(%dma_start3A_49 : memref<128xi32, #tpu.memory_space<vmem>>) semaphore(%run_scoped3A : memref<!tpu.dma_semaphore, #tpu.memory_space<semaphore_mem>>) {add = true}
        %dma_wait3A_53 = arith.constant 0 : i32
        %dma_wait3A_54 = tpu.memref_slice %arg7[%scan3A_36, %dma_wait3A_53] : memref<79x128xi32, #tpu.memory_space<vmem>> -> memref<1x128xi32, #tpu.memory_space<vmem>>
        %dma_wait3A_55 = tpu.memref_squeeze %dma_wait3A_54 : memref<1x128xi32, #tpu.memory_space<vmem>> -> memref<128xi32, #tpu.memory_space<vmem>>
        %dma_wait3A_56 = arith.constant 0 : i32
        %dma_wait3A_57 = arith.constant 0 : i32
        %dma_wait3A_58 = tpu.memref_slice %arg9[%dma_wait3A_56, %dma_wait3A_57] : memref<10240x128xf32, #tpu.memory_space<vmem_shared>> -> memref<10240x128xf32, #tpu.memory_space<vmem_shared>>
        tpu.wait_indirect_dma semaphore(%run_scoped3A : memref<!tpu.dma_semaphore, #tpu.memory_space<semaphore_mem>>) src(%arg8 : memref<128x128xf32, #tpu.memory_space<vmem>>) dst(%dma_wait3A_58 : memref<10240x128xf32, #tpu.memory_space<vmem_shared>>)
        tpu.yield
      }) : () -> ()
    }
    %scan3A_24 = arith.constant 79 : i32
    %barrier3A_25 = arith.constant 0 : index
    tpu.barrier barrier_id(%barrier3A_25)
    %add3A_26 = arith.constant 0 : i32
    %add3A_27 = arith.addi %mul3A_2, %add3A_26 : i32
    "tpu.region"() ({
      %run_scoped3A = tpu.sem_alloc : memref<!tpu.dma_semaphore, #tpu.memory_space<semaphore_mem>>
      %dma_start3A = arith.constant 0 : i32
      %dma_start3A_36 = tpu.memref_slice %arg9[%add3A_27, %dma_start3A] : memref<10240x128xf32, #tpu.memory_space<vmem_shared>> -> memref<128x128xf32, #tpu.memory_space<vmem_shared>>
      %dma_start3A_37 = arith.constant 0 : i32
      %dma_start3A_38 = tpu.memref_slice %arg9[%add3A_27, %dma_start3A_37] : memref<10240x128xf32, #tpu.memory_space<vmem_shared>> -> memref<128x128xf32, #tpu.memory_space<vmem_shared>>
      tpu.enqueue_dma source(%dma_start3A_38 : memref<128x128xf32, #tpu.memory_space<vmem_shared>>) target(%arg8 : memref<128x128xf32, #tpu.memory_space<vmem>>) target_semaphore(%run_scoped3A : memref<!tpu.dma_semaphore, #tpu.memory_space<semaphore_mem>>)
      %dma_wait3A = arith.constant 0 : i32
      %dma_wait3A_39 = tpu.memref_slice %arg9[%add3A_27, %dma_wait3A] : memref<10240x128xf32, #tpu.memory_space<vmem_shared>> -> memref<128x128xf32, #tpu.memory_space<vmem_shared>>
      %dma_wait3A_40 = arith.constant 0 : i32
      %dma_wait3A_41 = tpu.memref_slice %arg9[%add3A_27, %dma_wait3A_40] : memref<10240x128xf32, #tpu.memory_space<vmem_shared>> -> memref<128x128xf32, #tpu.memory_space<vmem_shared>>
      tpu.wait_dma2 semaphore(%run_scoped3A : memref<!tpu.dma_semaphore, #tpu.memory_space<semaphore_mem>>) src(%dma_wait3A_41 : memref<128x128xf32, #tpu.memory_space<vmem_shared>>) dst(%arg8 : memref<128x128xf32, #tpu.memory_space<vmem>>)
      tpu.yield
    }) : () -> ()
    "tpu.region"() ({
      %run_scoped3A = tpu.sem_alloc : memref<!tpu.dma_semaphore, #tpu.memory_space<semaphore_mem>>
      %dma_start3A = arith.constant 0 : i32
      %dma_start3A_36 = tpu.memref_slice %arg5[%arg0, %add3A_27, %dma_start3A] : memref<2x10240x128xf32, #tpu.memory_space<hbm>> -> memref<1x128x128xf32, #tpu.memory_space<hbm>>
      %dma_start3A_37 = tpu.memref_squeeze %dma_start3A_36 : memref<1x128x128xf32, #tpu.memory_space<hbm>> -> memref<128x128xf32, #tpu.memory_space<hbm>>
      %dma_start3A_38 = arith.constant 0 : i32
      %dma_start3A_39 = tpu.memref_slice %arg5[%arg0, %add3A_27, %dma_start3A_38] : memref<2x10240x128xf32, #tpu.memory_space<hbm>> -> memref<1x128x128xf32, #tpu.memory_space<hbm>>
      %dma_start3A_40 = tpu.memref_squeeze %dma_start3A_39 : memref<1x128x128xf32, #tpu.memory_space<hbm>> -> memref<128x128xf32, #tpu.memory_space<hbm>>
      tpu.enqueue_dma source(%arg8 : memref<128x128xf32, #tpu.memory_space<vmem>>) target(%dma_start3A_40 : memref<128x128xf32, #tpu.memory_space<hbm>>) target_semaphore(%run_scoped3A : memref<!tpu.dma_semaphore, #tpu.memory_space<semaphore_mem>>)
      %dma_wait3A = arith.constant 0 : i32
      %dma_wait3A_41 = tpu.memref_slice %arg5[%arg0, %add3A_27, %dma_wait3A] : memref<2x10240x128xf32, #tpu.memory_space<hbm>> -> memref<1x128x128xf32, #tpu.memory_space<hbm>>
      %dma_wait3A_42 = tpu.memref_squeeze %dma_wait3A_41 : memref<1x128x128xf32, #tpu.memory_space<hbm>> -> memref<128x128xf32, #tpu.memory_space<hbm>>
      %dma_wait3A_43 = arith.constant 0 : i32
      %dma_wait3A_44 = tpu.memref_slice %arg5[%arg0, %add3A_27, %dma_wait3A_43] : memref<2x10240x128xf32, #tpu.memory_space<hbm>> -> memref<1x128x128xf32, #tpu.memory_space<hbm>>
      %dma_wait3A_45 = tpu.memref_squeeze %dma_wait3A_44 : memref<1x128x128xf32, #tpu.memory_space<hbm>> -> memref<128x128xf32, #tpu.memory_space<hbm>>
      tpu.wait_dma2 semaphore(%run_scoped3A : memref<!tpu.dma_semaphore, #tpu.memory_space<semaphore_mem>>) src(%arg8 : memref<128x128xf32, #tpu.memory_space<vmem>>) dst(%dma_wait3A_45 : memref<128x128xf32, #tpu.memory_space<hbm>>)
      tpu.yield
    }) : () -> ()
    %add3A_28 = arith.constant 128 : i32
    %add3A_29 = arith.addi %mul3A_2, %add3A_28 : i32
    "tpu.region"() ({
      %run_scoped3A = tpu.sem_alloc : memref<!tpu.dma_semaphore, #tpu.memory_space<semaphore_mem>>
      %dma_start3A = arith.constant 0 : i32
      %dma_start3A_36 = tpu.memref_slice %arg9[%add3A_29, %dma_start3A] : memref<10240x128xf32, #tpu.memory_space<vmem_shared>> -> memref<128x128xf32, #tpu.memory_space<vmem_shared>>
      %dma_start3A_37 = arith.constant 0 : i32
      %dma_start3A_38 = tpu.memref_slice %arg9[%add3A_29, %dma_start3A_37] : memref<10240x128xf32, #tpu.memory_space<vmem_shared>> -> memref<128x128xf32, #tpu.memory_space<vmem_shared>>
      tpu.enqueue_dma source(%dma_start3A_38 : memref<128x128xf32, #tpu.memory_space<vmem_shared>>) target(%arg8 : memref<128x128xf32, #tpu.memory_space<vmem>>) target_semaphore(%run_scoped3A : memref<!tpu.dma_semaphore, #tpu.memory_space<semaphore_mem>>)
      %dma_wait3A = arith.constant 0 : i32
      %dma_wait3A_39 = tpu.memref_slice %arg9[%add3A_29, %dma_wait3A] : memref<10240x128xf32, #tpu.memory_space<vmem_shared>> -> memref<128x128xf32, #tpu.memory_space<vmem_shared>>
      %dma_wait3A_40 = arith.constant 0 : i32
      %dma_wait3A_41 = tpu.memref_slice %arg9[%add3A_29, %dma_wait3A_40] : memref<10240x128xf32, #tpu.memory_space<vmem_shared>> -> memref<128x128xf32, #tpu.memory_space<vmem_shared>>
      tpu.wait_dma2 semaphore(%run_scoped3A : memref<!tpu.dma_semaphore, #tpu.memory_space<semaphore_mem>>) src(%dma_wait3A_41 : memref<128x128xf32, #tpu.memory_space<vmem_shared>>) dst(%arg8 : memref<128x128xf32, #tpu.memory_space<vmem>>)
      tpu.yield
    }) : () -> ()
    "tpu.region"() ({
      %run_scoped3A = tpu.sem_alloc : memref<!tpu.dma_semaphore, #tpu.memory_space<semaphore_mem>>
      %dma_start3A = arith.constant 0 : i32
      %dma_start3A_36 = tpu.memref_slice %arg5[%arg0, %add3A_29, %dma_start3A] : memref<2x10240x128xf32, #tpu.memory_space<hbm>> -> memref<1x128x128xf32, #tpu.memory_space<hbm>>
      %dma_start3A_37 = tpu.memref_squeeze %dma_start3A_36 : memref<1x128x128xf32, #tpu.memory_space<hbm>> -> memref<128x128xf32, #tpu.memory_space<hbm>>
      %dma_start3A_38 = arith.constant 0 : i32
      %dma_start3A_39 = tpu.memref_slice %arg5[%arg0, %add3A_29, %dma_start3A_38] : memref<2x10240x128xf32, #tpu.memory_space<hbm>> -> memref<1x128x128xf32, #tpu.memory_space<hbm>>
      %dma_start3A_40 = tpu.memref_squeeze %dma_start3A_39 : memref<1x128x128xf32, #tpu.memory_space<hbm>> -> memref<128x128xf32, #tpu.memory_space<hbm>>
      tpu.enqueue_dma source(%arg8 : memref<128x128xf32, #tpu.memory_space<vmem>>) target(%dma_start3A_40 : memref<128x128xf32, #tpu.memory_space<hbm>>) target_semaphore(%run_scoped3A : memref<!tpu.dma_semaphore, #tpu.memory_space<semaphore_mem>>)
      %dma_wait3A = arith.constant 0 : i32
      %dma_wait3A_41 = tpu.memref_slice %arg5[%arg0, %add3A_29, %dma_wait3A] : memref<2x10240x128xf32, #tpu.memory_space<hbm>> -> memref<1x128x128xf32, #tpu.memory_space<hbm>>
      %dma_wait3A_42 = tpu.memref_squeeze %dma_wait3A_41 : memref<1x128x128xf32, #tpu.memory_space<hbm>> -> memref<128x128xf32, #tpu.memory_space<hbm>>
      %dma_wait3A_43 = arith.constant 0 : i32
      %dma_wait3A_44 = tpu.memref_slice %arg5[%arg0, %add3A_29, %dma_wait3A_43] : memref<2x10240x128xf32, #tpu.memory_space<hbm>> -> memref<1x128x128xf32, #tpu.memory_space<hbm>>
      %dma_wait3A_45 = tpu.memref_squeeze %dma_wait3A_44 : memref<1x128x128xf32, #tpu.memory_space<hbm>> -> memref<128x128xf32, #tpu.memory_space<hbm>>
      tpu.wait_dma2 semaphore(%run_scoped3A : memref<!tpu.dma_semaphore, #tpu.memory_space<semaphore_mem>>) src(%arg8 : memref<128x128xf32, #tpu.memory_space<vmem>>) dst(%dma_wait3A_45 : memref<128x128xf32, #tpu.memory_space<hbm>>)
      tpu.yield
    }) : () -> ()
    %add3A_30 = arith.constant 256 : i32
    %add3A_31 = arith.addi %mul3A_2, %add3A_30 : i32
    "tpu.region"() ({
      %run_scoped3A = tpu.sem_alloc : memref<!tpu.dma_semaphore, #tpu.memory_space<semaphore_mem>>
      %dma_start3A = arith.constant 0 : i32
      %dma_start3A_36 = tpu.memref_slice %arg9[%add3A_31, %dma_start3A] : memref<10240x128xf32, #tpu.memory_space<vmem_shared>> -> memref<128x128xf32, #tpu.memory_space<vmem_shared>>
      %dma_start3A_37 = arith.constant 0 : i32
      %dma_start3A_38 = tpu.memref_slice %arg9[%add3A_31, %dma_start3A_37] : memref<10240x128xf32, #tpu.memory_space<vmem_shared>> -> memref<128x128xf32, #tpu.memory_space<vmem_shared>>
      tpu.enqueue_dma source(%dma_start3A_38 : memref<128x128xf32, #tpu.memory_space<vmem_shared>>) target(%arg8 : memref<128x128xf32, #tpu.memory_space<vmem>>) target_semaphore(%run_scoped3A : memref<!tpu.dma_semaphore, #tpu.memory_space<semaphore_mem>>)
      %dma_wait3A = arith.constant 0 : i32
      %dma_wait3A_39 = tpu.memref_slice %arg9[%add3A_31, %dma_wait3A] : memref<10240x128xf32, #tpu.memory_space<vmem_shared>> -> memref<128x128xf32, #tpu.memory_space<vmem_shared>>
      %dma_wait3A_40 = arith.constant 0 : i32
      %dma_wait3A_41 = tpu.memref_slice %arg9[%add3A_31, %dma_wait3A_40] : memref<10240x128xf32, #tpu.memory_space<vmem_shared>> -> memref<128x128xf32, #tpu.memory_space<vmem_shared>>
      tpu.wait_dma2 semaphore(%run_scoped3A : memref<!tpu.dma_semaphore, #tpu.memory_space<semaphore_mem>>) src(%dma_wait3A_41 : memref<128x128xf32, #tpu.memory_space<vmem_shared>>) dst(%arg8 : memref<128x128xf32, #tpu.memory_space<vmem>>)
      tpu.yield
    }) : () -> ()
    "tpu.region"() ({
      %run_scoped3A = tpu.sem_alloc : memref<!tpu.dma_semaphore, #tpu.memory_space<semaphore_mem>>
      %dma_start3A = arith.constant 0 : i32
      %dma_start3A_36 = tpu.memref_slice %arg5[%arg0, %add3A_31, %dma_start3A] : memref<2x10240x128xf32, #tpu.memory_space<hbm>> -> memref<1x128x128xf32, #tpu.memory_space<hbm>>
      %dma_start3A_37 = tpu.memref_squeeze %dma_start3A_36 : memref<1x128x128xf32, #tpu.memory_space<hbm>> -> memref<128x128xf32, #tpu.memory_space<hbm>>
      %dma_start3A_38 = arith.constant 0 : i32
      %dma_start3A_39 = tpu.memref_slice %arg5[%arg0, %add3A_31, %dma_start3A_38] : memref<2x10240x128xf32, #tpu.memory_space<hbm>> -> memref<1x128x128xf32, #tpu.memory_space<hbm>>
      %dma_start3A_40 = tpu.memref_squeeze %dma_start3A_39 : memref<1x128x128xf32, #tpu.memory_space<hbm>> -> memref<128x128xf32, #tpu.memory_space<hbm>>
      tpu.enqueue_dma source(%arg8 : memref<128x128xf32, #tpu.memory_space<vmem>>) target(%dma_start3A_40 : memref<128x128xf32, #tpu.memory_space<hbm>>) target_semaphore(%run_scoped3A : memref<!tpu.dma_semaphore, #tpu.memory_space<semaphore_mem>>)
      %dma_wait3A = arith.constant 0 : i32
      %dma_wait3A_41 = tpu.memref_slice %arg5[%arg0, %add3A_31, %dma_wait3A] : memref<2x10240x128xf32, #tpu.memory_space<hbm>> -> memref<1x128x128xf32, #tpu.memory_space<hbm>>
      %dma_wait3A_42 = tpu.memref_squeeze %dma_wait3A_41 : memref<1x128x128xf32, #tpu.memory_space<hbm>> -> memref<128x128xf32, #tpu.memory_space<hbm>>
      %dma_wait3A_43 = arith.constant 0 : i32
      %dma_wait3A_44 = tpu.memref_slice %arg5[%arg0, %add3A_31, %dma_wait3A_43] : memref<2x10240x128xf32, #tpu.memory_space<hbm>> -> memref<1x128x128xf32, #tpu.memory_space<hbm>>
      %dma_wait3A_45 = tpu.memref_squeeze %dma_wait3A_44 : memref<1x128x128xf32, #tpu.memory_space<hbm>> -> memref<128x128xf32, #tpu.memory_space<hbm>>
      tpu.wait_dma2 semaphore(%run_scoped3A : memref<!tpu.dma_semaphore, #tpu.memory_space<semaphore_mem>>) src(%arg8 : memref<128x128xf32, #tpu.memory_space<vmem>>) dst(%dma_wait3A_45 : memref<128x128xf32, #tpu.memory_space<hbm>>)
      tpu.yield
    }) : () -> ()
    %add3A_32 = arith.constant 384 : i32
    %add3A_33 = arith.addi %mul3A_2, %add3A_32 : i32
    "tpu.region"() ({
      %run_scoped3A = tpu.sem_alloc : memref<!tpu.dma_semaphore, #tpu.memory_space<semaphore_mem>>
      %dma_start3A = arith.constant 0 : i32
      %dma_start3A_36 = tpu.memref_slice %arg9[%add3A_33, %dma_start3A] : memref<10240x128xf32, #tpu.memory_space<vmem_shared>> -> memref<128x128xf32, #tpu.memory_space<vmem_shared>>
      %dma_start3A_37 = arith.constant 0 : i32
      %dma_start3A_38 = tpu.memref_slice %arg9[%add3A_33, %dma_start3A_37] : memref<10240x128xf32, #tpu.memory_space<vmem_shared>> -> memref<128x128xf32, #tpu.memory_space<vmem_shared>>
      tpu.enqueue_dma source(%dma_start3A_38 : memref<128x128xf32, #tpu.memory_space<vmem_shared>>) target(%arg8 : memref<128x128xf32, #tpu.memory_space<vmem>>) target_semaphore(%run_scoped3A : memref<!tpu.dma_semaphore, #tpu.memory_space<semaphore_mem>>)
      %dma_wait3A = arith.constant 0 : i32
      %dma_wait3A_39 = tpu.memref_slice %arg9[%add3A_33, %dma_wait3A] : memref<10240x128xf32, #tpu.memory_space<vmem_shared>> -> memref<128x128xf32, #tpu.memory_space<vmem_shared>>
      %dma_wait3A_40 = arith.constant 0 : i32
      %dma_wait3A_41 = tpu.memref_slice %arg9[%add3A_33, %dma_wait3A_40] : memref<10240x128xf32, #tpu.memory_space<vmem_shared>> -> memref<128x128xf32, #tpu.memory_space<vmem_shared>>
      tpu.wait_dma2 semaphore(%run_scoped3A : memref<!tpu.dma_semaphore, #tpu.memory_space<semaphore_mem>>) src(%dma_wait3A_41 : memref<128x128xf32, #tpu.memory_space<vmem_shared>>) dst(%arg8 : memref<128x128xf32, #tpu.memory_space<vmem>>)
      tpu.yield
    }) : () -> ()
    "tpu.region"() ({
      %run_scoped3A = tpu.sem_alloc : memref<!tpu.dma_semaphore, #tpu.memory_space<semaphore_mem>>
      %dma_start3A = arith.constant 0 : i32
      %dma_start3A_36 = tpu.memref_slice %arg5[%arg0, %add3A_33, %dma_start3A] : memref<2x10240x128xf32, #tpu.memory_space<hbm>> -> memref<1x128x128xf32, #tpu.memory_space<hbm>>
      %dma_start3A_37 = tpu.memref_squeeze %dma_start3A_36 : memref<1x128x128xf32, #tpu.memory_space<hbm>> -> memref<128x128xf32, #tpu.memory_space<hbm>>
      %dma_start3A_38 = arith.constant 0 : i32
      %dma_start3A_39 = tpu.memref_slice %arg5[%arg0, %add3A_33, %dma_start3A_38] : memref<2x10240x128xf32, #tpu.memory_space<hbm>> -> memref<1x128x128xf32, #tpu.memory_space<hbm>>
      %dma_start3A_40 = tpu.memref_squeeze %dma_start3A_39 : memref<1x128x128xf32, #tpu.memory_space<hbm>> -> memref<128x128xf32, #tpu.memory_space<hbm>>
      tpu.enqueue_dma source(%arg8 : memref<128x128xf32, #tpu.memory_space<vmem>>) target(%dma_start3A_40 : memref<128x128xf32, #tpu.memory_space<hbm>>) target_semaphore(%run_scoped3A : memref<!tpu.dma_semaphore, #tpu.memory_space<semaphore_mem>>)
      %dma_wait3A = arith.constant 0 : i32
      %dma_wait3A_41 = tpu.memref_slice %arg5[%arg0, %add3A_33, %dma_wait3A] : memref<2x10240x128xf32, #tpu.memory_space<hbm>> -> memref<1x128x128xf32, #tpu.memory_space<hbm>>
      %dma_wait3A_42 = tpu.memref_squeeze %dma_wait3A_41 : memref<1x128x128xf32, #tpu.memory_space<hbm>> -> memref<128x128xf32, #tpu.memory_space<hbm>>
      %dma_wait3A_43 = arith.constant 0 : i32
      %dma_wait3A_44 = tpu.memref_slice %arg5[%arg0, %add3A_33, %dma_wait3A_43] : memref<2x10240x128xf32, #tpu.memory_space<hbm>> -> memref<1x128x128xf32, #tpu.memory_space<hbm>>
      %dma_wait3A_45 = tpu.memref_squeeze %dma_wait3A_44 : memref<1x128x128xf32, #tpu.memory_space<hbm>> -> memref<128x128xf32, #tpu.memory_space<hbm>>
      tpu.wait_dma2 semaphore(%run_scoped3A : memref<!tpu.dma_semaphore, #tpu.memory_space<semaphore_mem>>) src(%arg8 : memref<128x128xf32, #tpu.memory_space<vmem>>) dst(%dma_wait3A_45 : memref<128x128xf32, #tpu.memory_space<hbm>>)
      tpu.yield
    }) : () -> ()
    %add3A_34 = arith.constant 512 : i32
    %add3A_35 = arith.addi %mul3A_2, %add3A_34 : i32
    "tpu.region"() ({
      %run_scoped3A = tpu.sem_alloc : memref<!tpu.dma_semaphore, #tpu.memory_space<semaphore_mem>>
      %dma_start3A = arith.constant 0 : i32
      %dma_start3A_36 = tpu.memref_slice %arg9[%add3A_35, %dma_start3A] : memref<10240x128xf32, #tpu.memory_space<vmem_shared>> -> memref<128x128xf32, #tpu.memory_space<vmem_shared>>
      %dma_start3A_37 = arith.constant 0 : i32
      %dma_start3A_38 = tpu.memref_slice %arg9[%add3A_35, %dma_start3A_37] : memref<10240x128xf32, #tpu.memory_space<vmem_shared>> -> memref<128x128xf32, #tpu.memory_space<vmem_shared>>
      tpu.enqueue_dma source(%dma_start3A_38 : memref<128x128xf32, #tpu.memory_space<vmem_shared>>) target(%arg8 : memref<128x128xf32, #tpu.memory_space<vmem>>) target_semaphore(%run_scoped3A : memref<!tpu.dma_semaphore, #tpu.memory_space<semaphore_mem>>)
      %dma_wait3A = arith.constant 0 : i32
      %dma_wait3A_39 = tpu.memref_slice %arg9[%add3A_35, %dma_wait3A] : memref<10240x128xf32, #tpu.memory_space<vmem_shared>> -> memref<128x128xf32, #tpu.memory_space<vmem_shared>>
      %dma_wait3A_40 = arith.constant 0 : i32
      %dma_wait3A_41 = tpu.memref_slice %arg9[%add3A_35, %dma_wait3A_40] : memref<10240x128xf32, #tpu.memory_space<vmem_shared>> -> memref<128x128xf32, #tpu.memory_space<vmem_shared>>
      tpu.wait_dma2 semaphore(%run_scoped3A : memref<!tpu.dma_semaphore, #tpu.memory_space<semaphore_mem>>) src(%dma_wait3A_41 : memref<128x128xf32, #tpu.memory_space<vmem_shared>>) dst(%arg8 : memref<128x128xf32, #tpu.memory_space<vmem>>)
      tpu.yield
    }) : () -> ()
    "tpu.region"() ({
      %run_scoped3A = tpu.sem_alloc : memref<!tpu.dma_semaphore, #tpu.memory_space<semaphore_mem>>
      %dma_start3A = arith.constant 0 : i32
      %dma_start3A_36 = tpu.memref_slice %arg5[%arg0, %add3A_35, %dma_start3A] : memref<2x10240x128xf32, #tpu.memory_space<hbm>> -> memref<1x128x128xf32, #tpu.memory_space<hbm>>
      %dma_start3A_37 = tpu.memref_squeeze %dma_start3A_36 : memref<1x128x128xf32, #tpu.memory_space<hbm>> -> memref<128x128xf32, #tpu.memory_space<hbm>>
      %dma_start3A_38 = arith.constant 0 : i32
      %dma_start3A_39 = tpu.memref_slice %arg5[%arg0, %add3A_35, %dma_start3A_38] : memref<2x10240x128xf32, #tpu.memory_space<hbm>> -> memref<1x128x128xf32, #tpu.memory_space<hbm>>
      %dma_start3A_40 = tpu.memref_squeeze %dma_start3A_39 : memref<1x128x128xf32, #tpu.memory_space<hbm>> -> memref<128x128xf32, #tpu.memory_space<hbm>>
      tpu.enqueue_dma source(%arg8 : memref<128x128xf32, #tpu.memory_space<vmem>>) target(%dma_start3A_40 : memref<128x128xf32, #tpu.memory_space<hbm>>) target_semaphore(%run_scoped3A : memref<!tpu.dma_semaphore, #tpu.memory_space<semaphore_mem>>)
      %dma_wait3A = arith.constant 0 : i32
      %dma_wait3A_41 = tpu.memref_slice %arg5[%arg0, %add3A_35, %dma_wait3A] : memref<2x10240x128xf32, #tpu.memory_space<hbm>> -> memref<1x128x128xf32, #tpu.memory_space<hbm>>
      %dma_wait3A_42 = tpu.memref_squeeze %dma_wait3A_41 : memref<1x128x128xf32, #tpu.memory_space<hbm>> -> memref<128x128xf32, #tpu.memory_space<hbm>>
      %dma_wait3A_43 = arith.constant 0 : i32
      %dma_wait3A_44 = tpu.memref_slice %arg5[%arg0, %add3A_35, %dma_wait3A_43] : memref<2x10240x128xf32, #tpu.memory_space<hbm>> -> memref<1x128x128xf32, #tpu.memory_space<hbm>>
      %dma_wait3A_45 = tpu.memref_squeeze %dma_wait3A_44 : memref<1x128x128xf32, #tpu.memory_space<hbm>> -> memref<128x128xf32, #tpu.memory_space<hbm>>
      tpu.wait_dma2 semaphore(%run_scoped3A : memref<!tpu.dma_semaphore, #tpu.memory_space<semaphore_mem>>) src(%arg8 : memref<128x128xf32, #tpu.memory_space<vmem>>) dst(%dma_wait3A_45 : memref<128x128xf32, #tpu.memory_space<hbm>>)
      tpu.yield
    }) : () -> ()
    return
  }
}

#map = affine_map<(d0, d1) -> (0, 0)>
#map1 = affine_map<(d0, d1) -> (0, 0, 0)>
module attributes {stable_mosaic.version = 14 : i64} {
  func.func @agg_kernel(%arg0: i32, %arg1: i32, %arg2: memref<10000x128xf32, #tpu.memory_space<hbm>>, %arg3: memref<32x79x128xi32, #tpu.memory_space<hbm>>, %arg4: memref<32x79x128xi32, #tpu.memory_space<hbm>>, %arg5: memref<2x10240x128xf32, #tpu.memory_space<hbm>>, %arg6: memref<79x128xi32, #tpu.memory_space<vmem>>, %arg7: memref<79x128xi32, #tpu.memory_space<vmem>>, %arg8: memref<128x128xf32, #tpu.memory_space<vmem>>, %arg9: memref<10240x128xf32, #tpu.memory_space<vmem_shared>>, %arg10: memref<!tpu.dma_semaphore, #tpu.memory_space<semaphore_mem>>, %arg11: memref<!tpu.dma_semaphore, #tpu.memory_space<semaphore_mem>>) attributes {dimension_semantics = [#tpu.dimension_semantics<core_parallel>, #tpu.dimension_semantics<subcore_parallel>], iteration_bounds = array<i64: 2, 16>, scalar_prefetch = 0 : i64, scratch_operands = 6 : i64, tpu.core_type = #tpu.core_type<sc_vector_subcore>, window_params = [{transform_indices = #map}, {transform_indices = #map1}, {transform_indices = #map1}, {transform_indices = #map1}]} {
    %mul3A = arith.constant 16 : i32
    %mul3A_0 = arith.muli %arg0, %mul3A : i32
    %add3A = arith.addi %mul3A_0, %arg1 : i32
    %mul3A_1 = arith.constant 640 : i32
    %mul3A_2 = arith.muli %arg1, %mul3A_1 : i32
    %broadcast_in_dim3A = arith.constant 0.000000e+00 : f32
    %broadcast_in_dim3A_3 = vector.broadcast %broadcast_in_dim3A : f32 to vector<16xf32>
    %scan3A = arith.constant 0 : i32
    %scan3A_4 = arith.constant 0 : i32
    %scan3A_5 = arith.constant 128 : i32
    %scan3A_6 = arith.addi %scan3A_4, %scan3A_5 : i32
    %scan3A_7 = arith.constant 1 : i32
    scf.for %scan3A_36 = %scan3A_4 to %scan3A_6 step %scan3A_7  : i32 {
      %swap3A = arith.index_cast %scan3A_36 : i32 to index
      %swap3A_37 = arith.constant 0 : index
      %swap3A_38 = tpu.vector_load %arg8[%swap3A, %swap3A_37] {strides = array<i32>} : memref<128x128xf32, #tpu.memory_space<vmem>>, vector<1x16xf32>,
      %swap3A_39 = vector.shape_cast %swap3A_38 : vector<1x16xf32> to vector<16xf32>
      %swap3A_40 = vector.shape_cast %broadcast_in_dim3A_3 : vector<16xf32> to vector<1x16xf32>
      tpu.vector_store %arg8[%swap3A, %swap3A_37], %swap3A_40 {strides = array<i32>} : memref<128x128xf32, #tpu.memory_space<vmem>>, vector<1x16xf32>,
      %swap3A_41 = arith.index_cast %scan3A_36 : i32 to index
      %swap3A_42 = arith.constant 16 : index
      %swap3A_43 = tpu.vector_load %arg8[%swap3A_41, %swap3A_42] {strides = array<i32>} : memref<128x128xf32, #tpu.memory_space<vmem>>, vector<1x16xf32>,
      %swap3A_44 = vector.shape_cast %swap3A_43 : vector<1x16xf32> to vector<16xf32>
      %swap3A_45 = vector.shape_cast %broadcast_in_dim3A_3 : vector<16xf32> to vector<1x16xf32>
      tpu.vector_store %arg8[%swap3A_41, %swap3A_42], %swap3A_45 {strides = array<i32>} : memref<128x128xf32, #tpu.memory_space<vmem>>, vector<1x16xf32>,
      %swap3A_46 = arith.index_cast %scan3A_36 : i32 to index
      %swap3A_47 = arith.constant 32 : index
      %swap3A_48 = tpu.vector_load %arg8[%swap3A_46, %swap3A_47] {strides = array<i32>} : memref<128x128xf32, #tpu.memory_space<vmem>>, vector<1x16xf32>,
      %swap3A_49 = vector.shape_cast %swap3A_48 : vector<1x16xf32> to vector<16xf32>
      %swap3A_50 = vector.shape_cast %broadcast_in_dim3A_3 : vector<16xf32> to vector<1x16xf32>
      tpu.vector_store %arg8[%swap3A_46, %swap3A_47], %swap3A_50 {strides = array<i32>} : memref<128x128xf32, #tpu.memory_space<vmem>>, vector<1x16xf32>,
      %swap3A_51 = arith.index_cast %scan3A_36 : i32 to index
      %swap3A_52 = arith.constant 48 : index
      %swap3A_53 = tpu.vector_load %arg8[%swap3A_51, %swap3A_52] {strides = array<i32>} : memref<128x128xf32, #tpu.memory_space<vmem>>, vector<1x16xf32>,
      %swap3A_54 = vector.shape_cast %swap3A_53 : vector<1x16xf32> to vector<16xf32>
      %swap3A_55 = vector.shape_cast %broadcast_in_dim3A_3 : vector<16xf32> to vector<1x16xf32>
      tpu.vector_store %arg8[%swap3A_51, %swap3A_52], %swap3A_55 {strides = array<i32>} : memref<128x128xf32, #tpu.memory_space<vmem>>, vector<1x16xf32>,
      %swap3A_56 = arith.index_cast %scan3A_36 : i32 to index
      %swap3A_57 = arith.constant 64 : index
      %swap3A_58 = tpu.vector_load %arg8[%swap3A_56, %swap3A_57] {strides = array<i32>} : memref<128x128xf32, #tpu.memory_space<vmem>>, vector<1x16xf32>,
      %swap3A_59 = vector.shape_cast %swap3A_58 : vector<1x16xf32> to vector<16xf32>
      %swap3A_60 = vector.shape_cast %broadcast_in_dim3A_3 : vector<16xf32> to vector<1x16xf32>
      tpu.vector_store %arg8[%swap3A_56, %swap3A_57], %swap3A_60 {strides = array<i32>} : memref<128x128xf32, #tpu.memory_space<vmem>>, vector<1x16xf32>,
      %swap3A_61 = arith.index_cast %scan3A_36 : i32 to index
      %swap3A_62 = arith.constant 80 : index
      %swap3A_63 = tpu.vector_load %arg8[%swap3A_61, %swap3A_62] {strides = array<i32>} : memref<128x128xf32, #tpu.memory_space<vmem>>, vector<1x16xf32>,
      %swap3A_64 = vector.shape_cast %swap3A_63 : vector<1x16xf32> to vector<16xf32>
      %swap3A_65 = vector.shape_cast %broadcast_in_dim3A_3 : vector<16xf32> to vector<1x16xf32>
      tpu.vector_store %arg8[%swap3A_61, %swap3A_62], %swap3A_65 {strides = array<i32>} : memref<128x128xf32, #tpu.memory_space<vmem>>, vector<1x16xf32>,
      %swap3A_66 = arith.index_cast %scan3A_36 : i32 to index
      %swap3A_67 = arith.constant 96 : index
      %swap3A_68 = tpu.vector_load %arg8[%swap3A_66, %swap3A_67] {strides = array<i32>} : memref<128x128xf32, #tpu.memory_space<vmem>>, vector<1x16xf32>,
      %swap3A_69 = vector.shape_cast %swap3A_68 : vector<1x16xf32> to vector<16xf32>
      %swap3A_70 = vector.shape_cast %broadcast_in_dim3A_3 : vector<16xf32> to vector<1x16xf32>
      tpu.vector_store %arg8[%swap3A_66, %swap3A_67], %swap3A_70 {strides = array<i32>} : memref<128x128xf32, #tpu.memory_space<vmem>>, vector<1x16xf32>,
      %swap3A_71 = arith.index_cast %scan3A_36 : i32 to index
      %swap3A_72 = arith.constant 112 : index
      %swap3A_73 = tpu.vector_load %arg8[%swap3A_71, %swap3A_72] {strides = array<i32>} : memref<128x128xf32, #tpu.memory_space<vmem>>, vector<1x16xf32>,
      %swap3A_74 = vector.shape_cast %swap3A_73 : vector<1x16xf32> to vector<16xf32>
      %swap3A_75 = vector.shape_cast %broadcast_in_dim3A_3 : vector<16xf32> to vector<1x16xf32>
      tpu.vector_store %arg8[%swap3A_71, %swap3A_72], %swap3A_75 {strides = array<i32>} : memref<128x128xf32, #tpu.memory_space<vmem>>, vector<1x16xf32>,
    }
    %scan3A_8 = arith.constant 128 : i32
    %add3A_9 = arith.constant 0 : i32
    %add3A_10 = arith.addi %mul3A_2, %add3A_9 : i32
    "tpu.region"() ({
      %run_scoped3A = tpu.sem_alloc : memref<!tpu.dma_semaphore, #tpu.memory_space<semaphore_mem>>
      %dma_start3A = arith.constant 0 : i32
      %dma_start3A_36 = tpu.memref_slice %arg9[%add3A_10, %dma_start3A] : memref<10240x128xf32, #tpu.memory_space<vmem_shared>> -> memref<128x128xf32, #tpu.memory_space<vmem_shared>>
      %dma_start3A_37 = arith.constant 0 : i32
      %dma_start3A_38 = tpu.memref_slice %arg9[%add3A_10, %dma_start3A_37] : memref<10240x128xf32, #tpu.memory_space<vmem_shared>> -> memref<128x128xf32, #tpu.memory_space<vmem_shared>>
      tpu.enqueue_dma source(%arg8 : memref<128x128xf32, #tpu.memory_space<vmem>>) target(%dma_start3A_38 : memref<128x128xf32, #tpu.memory_space<vmem_shared>>) target_semaphore(%run_scoped3A : memref<!tpu.dma_semaphore, #tpu.memory_space<semaphore_mem>>)
      %dma_wait3A = arith.constant 0 : i32
      %dma_wait3A_39 = tpu.memref_slice %arg9[%add3A_10, %dma_wait3A] : memref<10240x128xf32, #tpu.memory_space<vmem_shared>> -> memref<128x128xf32, #tpu.memory_space<vmem_shared>>
      %dma_wait3A_40 = arith.constant 0 : i32
      %dma_wait3A_41 = tpu.memref_slice %arg9[%add3A_10, %dma_wait3A_40] : memref<10240x128xf32, #tpu.memory_space<vmem_shared>> -> memref<128x128xf32, #tpu.memory_space<vmem_shared>>
      tpu.wait_dma2 semaphore(%run_scoped3A : memref<!tpu.dma_semaphore, #tpu.memory_space<semaphore_mem>>) src(%arg8 : memref<128x128xf32, #tpu.memory_space<vmem>>) dst(%dma_wait3A_41 : memref<128x128xf32, #tpu.memory_space<vmem_shared>>)
      tpu.yield
    }) : () -> ()
    %add3A_11 = arith.constant 128 : i32
    %add3A_12 = arith.addi %mul3A_2, %add3A_11 : i32
    "tpu.region"() ({
      %run_scoped3A = tpu.sem_alloc : memref<!tpu.dma_semaphore, #tpu.memory_space<semaphore_mem>>
      %dma_start3A = arith.constant 0 : i32
      %dma_start3A_36 = tpu.memref_slice %arg9[%add3A_12, %dma_start3A] : memref<10240x128xf32, #tpu.memory_space<vmem_shared>> -> memref<128x128xf32, #tpu.memory_space<vmem_shared>>
      %dma_start3A_37 = arith.constant 0 : i32
      %dma_start3A_38 = tpu.memref_slice %arg9[%add3A_12, %dma_start3A_37] : memref<10240x128xf32, #tpu.memory_space<vmem_shared>> -> memref<128x128xf32, #tpu.memory_space<vmem_shared>>
      tpu.enqueue_dma source(%arg8 : memref<128x128xf32, #tpu.memory_space<vmem>>) target(%dma_start3A_38 : memref<128x128xf32, #tpu.memory_space<vmem_shared>>) target_semaphore(%run_scoped3A : memref<!tpu.dma_semaphore, #tpu.memory_space<semaphore_mem>>)
      %dma_wait3A = arith.constant 0 : i32
      %dma_wait3A_39 = tpu.memref_slice %arg9[%add3A_12, %dma_wait3A] : memref<10240x128xf32, #tpu.memory_space<vmem_shared>> -> memref<128x128xf32, #tpu.memory_space<vmem_shared>>
      %dma_wait3A_40 = arith.constant 0 : i32
      %dma_wait3A_41 = tpu.memref_slice %arg9[%add3A_12, %dma_wait3A_40] : memref<10240x128xf32, #tpu.memory_space<vmem_shared>> -> memref<128x128xf32, #tpu.memory_space<vmem_shared>>
      tpu.wait_dma2 semaphore(%run_scoped3A : memref<!tpu.dma_semaphore, #tpu.memory_space<semaphore_mem>>) src(%arg8 : memref<128x128xf32, #tpu.memory_space<vmem>>) dst(%dma_wait3A_41 : memref<128x128xf32, #tpu.memory_space<vmem_shared>>)
      tpu.yield
    }) : () -> ()
    %add3A_13 = arith.constant 256 : i32
    %add3A_14 = arith.addi %mul3A_2, %add3A_13 : i32
    "tpu.region"() ({
      %run_scoped3A = tpu.sem_alloc : memref<!tpu.dma_semaphore, #tpu.memory_space<semaphore_mem>>
      %dma_start3A = arith.constant 0 : i32
      %dma_start3A_36 = tpu.memref_slice %arg9[%add3A_14, %dma_start3A] : memref<10240x128xf32, #tpu.memory_space<vmem_shared>> -> memref<128x128xf32, #tpu.memory_space<vmem_shared>>
      %dma_start3A_37 = arith.constant 0 : i32
      %dma_start3A_38 = tpu.memref_slice %arg9[%add3A_14, %dma_start3A_37] : memref<10240x128xf32, #tpu.memory_space<vmem_shared>> -> memref<128x128xf32, #tpu.memory_space<vmem_shared>>
      tpu.enqueue_dma source(%arg8 : memref<128x128xf32, #tpu.memory_space<vmem>>) target(%dma_start3A_38 : memref<128x128xf32, #tpu.memory_space<vmem_shared>>) target_semaphore(%run_scoped3A : memref<!tpu.dma_semaphore, #tpu.memory_space<semaphore_mem>>)
      %dma_wait3A = arith.constant 0 : i32
      %dma_wait3A_39 = tpu.memref_slice %arg9[%add3A_14, %dma_wait3A] : memref<10240x128xf32, #tpu.memory_space<vmem_shared>> -> memref<128x128xf32, #tpu.memory_space<vmem_shared>>
      %dma_wait3A_40 = arith.constant 0 : i32
      %dma_wait3A_41 = tpu.memref_slice %arg9[%add3A_14, %dma_wait3A_40] : memref<10240x128xf32, #tpu.memory_space<vmem_shared>> -> memref<128x128xf32, #tpu.memory_space<vmem_shared>>
      tpu.wait_dma2 semaphore(%run_scoped3A : memref<!tpu.dma_semaphore, #tpu.memory_space<semaphore_mem>>) src(%arg8 : memref<128x128xf32, #tpu.memory_space<vmem>>) dst(%dma_wait3A_41 : memref<128x128xf32, #tpu.memory_space<vmem_shared>>)
      tpu.yield
    }) : () -> ()
    %add3A_15 = arith.constant 384 : i32
    %add3A_16 = arith.addi %mul3A_2, %add3A_15 : i32
    "tpu.region"() ({
      %run_scoped3A = tpu.sem_alloc : memref<!tpu.dma_semaphore, #tpu.memory_space<semaphore_mem>>
      %dma_start3A = arith.constant 0 : i32
      %dma_start3A_36 = tpu.memref_slice %arg9[%add3A_16, %dma_start3A] : memref<10240x128xf32, #tpu.memory_space<vmem_shared>> -> memref<128x128xf32, #tpu.memory_space<vmem_shared>>
      %dma_start3A_37 = arith.constant 0 : i32
      %dma_start3A_38 = tpu.memref_slice %arg9[%add3A_16, %dma_start3A_37] : memref<10240x128xf32, #tpu.memory_space<vmem_shared>> -> memref<128x128xf32, #tpu.memory_space<vmem_shared>>
      tpu.enqueue_dma source(%arg8 : memref<128x128xf32, #tpu.memory_space<vmem>>) target(%dma_start3A_38 : memref<128x128xf32, #tpu.memory_space<vmem_shared>>) target_semaphore(%run_scoped3A : memref<!tpu.dma_semaphore, #tpu.memory_space<semaphore_mem>>)
      %dma_wait3A = arith.constant 0 : i32
      %dma_wait3A_39 = tpu.memref_slice %arg9[%add3A_16, %dma_wait3A] : memref<10240x128xf32, #tpu.memory_space<vmem_shared>> -> memref<128x128xf32, #tpu.memory_space<vmem_shared>>
      %dma_wait3A_40 = arith.constant 0 : i32
      %dma_wait3A_41 = tpu.memref_slice %arg9[%add3A_16, %dma_wait3A_40] : memref<10240x128xf32, #tpu.memory_space<vmem_shared>> -> memref<128x128xf32, #tpu.memory_space<vmem_shared>>
      tpu.wait_dma2 semaphore(%run_scoped3A : memref<!tpu.dma_semaphore, #tpu.memory_space<semaphore_mem>>) src(%arg8 : memref<128x128xf32, #tpu.memory_space<vmem>>) dst(%dma_wait3A_41 : memref<128x128xf32, #tpu.memory_space<vmem_shared>>)
      tpu.yield
    }) : () -> ()
    %add3A_17 = arith.constant 512 : i32
    %add3A_18 = arith.addi %mul3A_2, %add3A_17 : i32
    "tpu.region"() ({
      %run_scoped3A = tpu.sem_alloc : memref<!tpu.dma_semaphore, #tpu.memory_space<semaphore_mem>>
      %dma_start3A = arith.constant 0 : i32
      %dma_start3A_36 = tpu.memref_slice %arg9[%add3A_18, %dma_start3A] : memref<10240x128xf32, #tpu.memory_space<vmem_shared>> -> memref<128x128xf32, #tpu.memory_space<vmem_shared>>
      %dma_start3A_37 = arith.constant 0 : i32
      %dma_start3A_38 = tpu.memref_slice %arg9[%add3A_18, %dma_start3A_37] : memref<10240x128xf32, #tpu.memory_space<vmem_shared>> -> memref<128x128xf32, #tpu.memory_space<vmem_shared>>
      tpu.enqueue_dma source(%arg8 : memref<128x128xf32, #tpu.memory_space<vmem>>) target(%dma_start3A_38 : memref<128x128xf32, #tpu.memory_space<vmem_shared>>) target_semaphore(%run_scoped3A : memref<!tpu.dma_semaphore, #tpu.memory_space<semaphore_mem>>)
      %dma_wait3A = arith.constant 0 : i32
      %dma_wait3A_39 = tpu.memref_slice %arg9[%add3A_18, %dma_wait3A] : memref<10240x128xf32, #tpu.memory_space<vmem_shared>> -> memref<128x128xf32, #tpu.memory_space<vmem_shared>>
      %dma_wait3A_40 = arith.constant 0 : i32
      %dma_wait3A_41 = tpu.memref_slice %arg9[%add3A_18, %dma_wait3A_40] : memref<10240x128xf32, #tpu.memory_space<vmem_shared>> -> memref<128x128xf32, #tpu.memory_space<vmem_shared>>
      tpu.wait_dma2 semaphore(%run_scoped3A : memref<!tpu.dma_semaphore, #tpu.memory_space<semaphore_mem>>) src(%arg8 : memref<128x128xf32, #tpu.memory_space<vmem>>) dst(%dma_wait3A_41 : memref<128x128xf32, #tpu.memory_space<vmem_shared>>)
      tpu.yield
    }) : () -> ()
    %barrier3A = arith.constant 0 : index
    tpu.barrier barrier_id(%barrier3A)
    "tpu.region"() ({
      %run_scoped3A = tpu.sem_alloc : memref<!tpu.dma_semaphore, #tpu.memory_space<semaphore_mem>>
      %dma_start3A = arith.constant 0 : i32
      %dma_start3A_36 = arith.constant 0 : i32
      %dma_start3A_37 = tpu.memref_slice %arg3[%add3A, %dma_start3A, %dma_start3A_36] : memref<32x79x128xi32, #tpu.memory_space<hbm>> -> memref<1x79x128xi32, #tpu.memory_space<hbm>>
      %dma_start3A_38 = tpu.memref_squeeze %dma_start3A_37 : memref<1x79x128xi32, #tpu.memory_space<hbm>> -> memref<79x128xi32, #tpu.memory_space<hbm>>
      %dma_start3A_39 = arith.constant 0 : i32
      %dma_start3A_40 = arith.constant 0 : i32
      %dma_start3A_41 = tpu.memref_slice %arg3[%add3A, %dma_start3A_39, %dma_start3A_40] : memref<32x79x128xi32, #tpu.memory_space<hbm>> -> memref<1x79x128xi32, #tpu.memory_space<hbm>>
      %dma_start3A_42 = tpu.memref_squeeze %dma_start3A_41 : memref<1x79x128xi32, #tpu.memory_space<hbm>> -> memref<79x128xi32, #tpu.memory_space<hbm>>
      tpu.enqueue_dma source(%dma_start3A_42 : memref<79x128xi32, #tpu.memory_space<hbm>>) target(%arg6 : memref<79x128xi32, #tpu.memory_space<vmem>>) target_semaphore(%run_scoped3A : memref<!tpu.dma_semaphore, #tpu.memory_space<semaphore_mem>>)
      %dma_wait3A = arith.constant 0 : i32
      %dma_wait3A_43 = arith.constant 0 : i32
      %dma_wait3A_44 = tpu.memref_slice %arg3[%add3A, %dma_wait3A, %dma_wait3A_43] : memref<32x79x128xi32, #tpu.memory_space<hbm>> -> memref<1x79x128xi32, #tpu.memory_space<hbm>>
      %dma_wait3A_45 = tpu.memref_squeeze %dma_wait3A_44 : memref<1x79x128xi32, #tpu.memory_space<hbm>> -> memref<79x128xi32, #tpu.memory_space<hbm>>
      %dma_wait3A_46 = arith.constant 0 : i32
      %dma_wait3A_47 = arith.constant 0 : i32
      %dma_wait3A_48 = tpu.memref_slice %arg3[%add3A, %dma_wait3A_46, %dma_wait3A_47] : memref<32x79x128xi32, #tpu.memory_space<hbm>> -> memref<1x79x128xi32, #tpu.memory_space<hbm>>
      %dma_wait3A_49 = tpu.memref_squeeze %dma_wait3A_48 : memref<1x79x128xi32, #tpu.memory_space<hbm>> -> memref<79x128xi32, #tpu.memory_space<hbm>>
      tpu.wait_dma2 semaphore(%run_scoped3A : memref<!tpu.dma_semaphore, #tpu.memory_space<semaphore_mem>>) src(%dma_wait3A_49 : memref<79x128xi32, #tpu.memory_space<hbm>>) dst(%arg6 : memref<79x128xi32, #tpu.memory_space<vmem>>)
      tpu.yield
    }) : () -> ()
    "tpu.region"() ({
      %run_scoped3A = tpu.sem_alloc : memref<!tpu.dma_semaphore, #tpu.memory_space<semaphore_mem>>
      %dma_start3A = arith.constant 0 : i32
      %dma_start3A_36 = arith.constant 0 : i32
      %dma_start3A_37 = tpu.memref_slice %arg4[%add3A, %dma_start3A, %dma_start3A_36] : memref<32x79x128xi32, #tpu.memory_space<hbm>> -> memref<1x79x128xi32, #tpu.memory_space<hbm>>
      %dma_start3A_38 = tpu.memref_squeeze %dma_start3A_37 : memref<1x79x128xi32, #tpu.memory_space<hbm>> -> memref<79x128xi32, #tpu.memory_space<hbm>>
      %dma_start3A_39 = arith.constant 0 : i32
      %dma_start3A_40 = arith.constant 0 : i32
      %dma_start3A_41 = tpu.memref_slice %arg4[%add3A, %dma_start3A_39, %dma_start3A_40] : memref<32x79x128xi32, #tpu.memory_space<hbm>> -> memref<1x79x128xi32, #tpu.memory_space<hbm>>
      %dma_start3A_42 = tpu.memref_squeeze %dma_start3A_41 : memref<1x79x128xi32, #tpu.memory_space<hbm>> -> memref<79x128xi32, #tpu.memory_space<hbm>>
      tpu.enqueue_dma source(%dma_start3A_42 : memref<79x128xi32, #tpu.memory_space<hbm>>) target(%arg7 : memref<79x128xi32, #tpu.memory_space<vmem>>) target_semaphore(%run_scoped3A : memref<!tpu.dma_semaphore, #tpu.memory_space<semaphore_mem>>)
      %dma_wait3A = arith.constant 0 : i32
      %dma_wait3A_43 = arith.constant 0 : i32
      %dma_wait3A_44 = tpu.memref_slice %arg4[%add3A, %dma_wait3A, %dma_wait3A_43] : memref<32x79x128xi32, #tpu.memory_space<hbm>> -> memref<1x79x128xi32, #tpu.memory_space<hbm>>
      %dma_wait3A_45 = tpu.memref_squeeze %dma_wait3A_44 : memref<1x79x128xi32, #tpu.memory_space<hbm>> -> memref<79x128xi32, #tpu.memory_space<hbm>>
      %dma_wait3A_46 = arith.constant 0 : i32
      %dma_wait3A_47 = arith.constant 0 : i32
      %dma_wait3A_48 = tpu.memref_slice %arg4[%add3A, %dma_wait3A_46, %dma_wait3A_47] : memref<32x79x128xi32, #tpu.memory_space<hbm>> -> memref<1x79x128xi32, #tpu.memory_space<hbm>>
      %dma_wait3A_49 = tpu.memref_squeeze %dma_wait3A_48 : memref<1x79x128xi32, #tpu.memory_space<hbm>> -> memref<79x128xi32, #tpu.memory_space<hbm>>
      tpu.wait_dma2 semaphore(%run_scoped3A : memref<!tpu.dma_semaphore, #tpu.memory_space<semaphore_mem>>) src(%dma_wait3A_49 : memref<79x128xi32, #tpu.memory_space<hbm>>) dst(%arg7 : memref<79x128xi32, #tpu.memory_space<vmem>>)
      tpu.yield
    }) : () -> ()
    %scan3A_19 = arith.constant 0 : i32
    %scan3A_20 = arith.constant 0 : i32
    %scan3A_21 = arith.constant 79 : i32
    %scan3A_22 = arith.addi %scan3A_20, %scan3A_21 : i32
    %scan3A_23 = arith.constant 1 : i32
    scf.for %scan3A_36 = %scan3A_20 to %scan3A_22 step %scan3A_23  : i32 {
      %dma_start3A = arith.constant 0 : i32
      %dma_start3A_37 = tpu.memref_slice %arg6[%scan3A_36, %dma_start3A] : memref<79x128xi32, #tpu.memory_space<vmem>> -> memref<1x128xi32, #tpu.memory_space<vmem>>
      %dma_start3A_38 = tpu.memref_squeeze %dma_start3A_37 : memref<1x128xi32, #tpu.memory_space<vmem>> -> memref<128xi32, #tpu.memory_space<vmem>>
      %dma_start3A_39 = arith.constant 0 : i32
      %dma_start3A_40 = arith.constant 0 : i32
      %dma_start3A_41 = tpu.memref_slice %arg2[%dma_start3A_39, %dma_start3A_40] : memref<10000x128xf32, #tpu.memory_space<hbm>> -> memref<10000x128xf32, #tpu.memory_space<hbm>>
      tpu.enqueue_indirect_dma source(%dma_start3A_41 : memref<10000x128xf32, #tpu.memory_space<hbm>>) target(%arg8 : memref<128x128xf32, #tpu.memory_space<vmem>>) offsets(%dma_start3A_38 : memref<128xi32, #tpu.memory_space<vmem>>) semaphore(%arg10 : memref<!tpu.dma_semaphore, #tpu.memory_space<semaphore_mem>>)
      %dma_wait3A = arith.constant 0 : i32
      %dma_wait3A_42 = tpu.memref_slice %arg6[%scan3A_36, %dma_wait3A] : memref<79x128xi32, #tpu.memory_space<vmem>> -> memref<1x128xi32, #tpu.memory_space<vmem>>
      %dma_wait3A_43 = tpu.memref_squeeze %dma_wait3A_42 : memref<1x128xi32, #tpu.memory_space<vmem>> -> memref<128xi32, #tpu.memory_space<vmem>>
      %dma_wait3A_44 = arith.constant 0 : i32
      %dma_wait3A_45 = arith.constant 0 : i32
      %dma_wait3A_46 = tpu.memref_slice %arg2[%dma_wait3A_44, %dma_wait3A_45] : memref<10000x128xf32, #tpu.memory_space<hbm>> -> memref<10000x128xf32, #tpu.memory_space<hbm>>
      tpu.wait_indirect_dma semaphore(%arg10 : memref<!tpu.dma_semaphore, #tpu.memory_space<semaphore_mem>>) src(%dma_wait3A_46 : memref<10000x128xf32, #tpu.memory_space<hbm>>) dst(%arg8 : memref<128x128xf32, #tpu.memory_space<vmem>>)
      "tpu.region"() ({
        %run_scoped3A = tpu.sem_alloc : memref<!tpu.dma_semaphore, #tpu.memory_space<semaphore_mem>>
        %dma_start3A_47 = arith.constant 0 : i32
        %dma_start3A_48 = tpu.memref_slice %arg7[%scan3A_36, %dma_start3A_47] : memref<79x128xi32, #tpu.memory_space<vmem>> -> memref<1x128xi32, #tpu.memory_space<vmem>>
        %dma_start3A_49 = tpu.memref_squeeze %dma_start3A_48 : memref<1x128xi32, #tpu.memory_space<vmem>> -> memref<128xi32, #tpu.memory_space<vmem>>
        %dma_start3A_50 = arith.constant 0 : i32
        %dma_start3A_51 = arith.constant 0 : i32
        %dma_start3A_52 = tpu.memref_slice %arg9[%dma_start3A_50, %dma_start3A_51] : memref<10240x128xf32, #tpu.memory_space<vmem_shared>> -> memref<10240x128xf32, #tpu.memory_space<vmem_shared>>
        tpu.enqueue_indirect_dma source(%arg8 : memref<128x128xf32, #tpu.memory_space<vmem>>) target(%dma_start3A_52 : memref<10240x128xf32, #tpu.memory_space<vmem_shared>>) offsets(%dma_start3A_49 : memref<128xi32, #tpu.memory_space<vmem>>) semaphore(%run_scoped3A : memref<!tpu.dma_semaphore, #tpu.memory_space<semaphore_mem>>) {add = true}
        %dma_wait3A_53 = arith.constant 0 : i32
        %dma_wait3A_54 = tpu.memref_slice %arg7[%scan3A_36, %dma_wait3A_53] : memref<79x128xi32, #tpu.memory_space<vmem>> -> memref<1x128xi32, #tpu.memory_space<vmem>>
        %dma_wait3A_55 = tpu.memref_squeeze %dma_wait3A_54 : memref<1x128xi32, #tpu.memory_space<vmem>> -> memref<128xi32, #tpu.memory_space<vmem>>
        %dma_wait3A_56 = arith.constant 0 : i32
        %dma_wait3A_57 = arith.constant 0 : i32
        %dma_wait3A_58 = tpu.memref_slice %arg9[%dma_wait3A_56, %dma_wait3A_57] : memref<10240x128xf32, #tpu.memory_space<vmem_shared>> -> memref<10240x128xf32, #tpu.memory_space<vmem_shared>>
        tpu.wait_indirect_dma semaphore(%run_scoped3A : memref<!tpu.dma_semaphore, #tpu.memory_space<semaphore_mem>>) src(%arg8 : memref<128x128xf32, #tpu.memory_space<vmem>>) dst(%dma_wait3A_58 : memref<10240x128xf32, #tpu.memory_space<vmem_shared>>)
        tpu.yield
      }) : () -> ()
    }
    %scan3A_24 = arith.constant 79 : i32
    %barrier3A_25 = arith.constant 0 : index
    tpu.barrier barrier_id(%barrier3A_25)
    %add3A_26 = arith.constant 0 : i32
    %add3A_27 = arith.addi %mul3A_2, %add3A_26 : i32
    "tpu.region"() ({
      %run_scoped3A = tpu.sem_alloc : memref<!tpu.dma_semaphore, #tpu.memory_space<semaphore_mem>>
      %dma_start3A = arith.constant 0 : i32
      %dma_start3A_36 = tpu.memref_slice %arg9[%add3A_27, %dma_start3A] : memref<10240x128xf32, #tpu.memory_space<vmem_shared>> -> memref<128x128xf32, #tpu.memory_space<vmem_shared>>
      %dma_start3A_37 = arith.constant 0 : i32
      %dma_start3A_38 = tpu.memref_slice %arg9[%add3A_27, %dma_start3A_37] : memref<10240x128xf32, #tpu.memory_space<vmem_shared>> -> memref<128x128xf32, #tpu.memory_space<vmem_shared>>
      tpu.enqueue_dma source(%dma_start3A_38 : memref<128x128xf32, #tpu.memory_space<vmem_shared>>) target(%arg8 : memref<128x128xf32, #tpu.memory_space<vmem>>) target_semaphore(%run_scoped3A : memref<!tpu.dma_semaphore, #tpu.memory_space<semaphore_mem>>)
      %dma_wait3A = arith.constant 0 : i32
      %dma_wait3A_39 = tpu.memref_slice %arg9[%add3A_27, %dma_wait3A] : memref<10240x128xf32, #tpu.memory_space<vmem_shared>> -> memref<128x128xf32, #tpu.memory_space<vmem_shared>>
      %dma_wait3A_40 = arith.constant 0 : i32
      %dma_wait3A_41 = tpu.memref_slice %arg9[%add3A_27, %dma_wait3A_40] : memref<10240x128xf32, #tpu.memory_space<vmem_shared>> -> memref<128x128xf32, #tpu.memory_space<vmem_shared>>
      tpu.wait_dma2 semaphore(%run_scoped3A : memref<!tpu.dma_semaphore, #tpu.memory_space<semaphore_mem>>) src(%dma_wait3A_41 : memref<128x128xf32, #tpu.memory_space<vmem_shared>>) dst(%arg8 : memref<128x128xf32, #tpu.memory_space<vmem>>)
      tpu.yield
    }) : () -> ()
    "tpu.region"() ({
      %run_scoped3A = tpu.sem_alloc : memref<!tpu.dma_semaphore, #tpu.memory_space<semaphore_mem>>
      %dma_start3A = arith.constant 0 : i32
      %dma_start3A_36 = tpu.memref_slice %arg5[%arg0, %add3A_27, %dma_start3A] : memref<2x10240x128xf32, #tpu.memory_space<hbm>> -> memref<1x128x128xf32, #tpu.memory_space<hbm>>
      %dma_start3A_37 = tpu.memref_squeeze %dma_start3A_36 : memref<1x128x128xf32, #tpu.memory_space<hbm>> -> memref<128x128xf32, #tpu.memory_space<hbm>>
      %dma_start3A_38 = arith.constant 0 : i32
      %dma_start3A_39 = tpu.memref_slice %arg5[%arg0, %add3A_27, %dma_start3A_38] : memref<2x10240x128xf32, #tpu.memory_space<hbm>> -> memref<1x128x128xf32, #tpu.memory_space<hbm>>
      %dma_start3A_40 = tpu.memref_squeeze %dma_start3A_39 : memref<1x128x128xf32, #tpu.memory_space<hbm>> -> memref<128x128xf32, #tpu.memory_space<hbm>>
      tpu.enqueue_dma source(%arg8 : memref<128x128xf32, #tpu.memory_space<vmem>>) target(%dma_start3A_40 : memref<128x128xf32, #tpu.memory_space<hbm>>) target_semaphore(%run_scoped3A : memref<!tpu.dma_semaphore, #tpu.memory_space<semaphore_mem>>)
      %dma_wait3A = arith.constant 0 : i32
      %dma_wait3A_41 = tpu.memref_slice %arg5[%arg0, %add3A_27, %dma_wait3A] : memref<2x10240x128xf32, #tpu.memory_space<hbm>> -> memref<1x128x128xf32, #tpu.memory_space<hbm>>
      %dma_wait3A_42 = tpu.memref_squeeze %dma_wait3A_41 : memref<1x128x128xf32, #tpu.memory_space<hbm>> -> memref<128x128xf32, #tpu.memory_space<hbm>>
      %dma_wait3A_43 = arith.constant 0 : i32
      %dma_wait3A_44 = tpu.memref_slice %arg5[%arg0, %add3A_27, %dma_wait3A_43] : memref<2x10240x128xf32, #tpu.memory_space<hbm>> -> memref<1x128x128xf32, #tpu.memory_space<hbm>>
      %dma_wait3A_45 = tpu.memref_squeeze %dma_wait3A_44 : memref<1x128x128xf32, #tpu.memory_space<hbm>> -> memref<128x128xf32, #tpu.memory_space<hbm>>
      tpu.wait_dma2 semaphore(%run_scoped3A : memref<!tpu.dma_semaphore, #tpu.memory_space<semaphore_mem>>) src(%arg8 : memref<128x128xf32, #tpu.memory_space<vmem>>) dst(%dma_wait3A_45 : memref<128x128xf32, #tpu.memory_space<hbm>>)
      tpu.yield
    }) : () -> ()
    %add3A_28 = arith.constant 128 : i32
    %add3A_29 = arith.addi %mul3A_2, %add3A_28 : i32
    "tpu.region"() ({
      %run_scoped3A = tpu.sem_alloc : memref<!tpu.dma_semaphore, #tpu.memory_space<semaphore_mem>>
      %dma_start3A = arith.constant 0 : i32
      %dma_start3A_36 = tpu.memref_slice %arg9[%add3A_29, %dma_start3A] : memref<10240x128xf32, #tpu.memory_space<vmem_shared>> -> memref<128x128xf32, #tpu.memory_space<vmem_shared>>
      %dma_start3A_37 = arith.constant 0 : i32
      %dma_start3A_38 = tpu.memref_slice %arg9[%add3A_29, %dma_start3A_37] : memref<10240x128xf32, #tpu.memory_space<vmem_shared>> -> memref<128x128xf32, #tpu.memory_space<vmem_shared>>
      tpu.enqueue_dma source(%dma_start3A_38 : memref<128x128xf32, #tpu.memory_space<vmem_shared>>) target(%arg8 : memref<128x128xf32, #tpu.memory_space<vmem>>) target_semaphore(%run_scoped3A : memref<!tpu.dma_semaphore, #tpu.memory_space<semaphore_mem>>)
      %dma_wait3A = arith.constant 0 : i32
      %dma_wait3A_39 = tpu.memref_slice %arg9[%add3A_29, %dma_wait3A] : memref<10240x128xf32, #tpu.memory_space<vmem_shared>> -> memref<128x128xf32, #tpu.memory_space<vmem_shared>>
      %dma_wait3A_40 = arith.constant 0 : i32
      %dma_wait3A_41 = tpu.memref_slice %arg9[%add3A_29, %dma_wait3A_40] : memref<10240x128xf32, #tpu.memory_space<vmem_shared>> -> memref<128x128xf32, #tpu.memory_space<vmem_shared>>
      tpu.wait_dma2 semaphore(%run_scoped3A : memref<!tpu.dma_semaphore, #tpu.memory_space<semaphore_mem>>) src(%dma_wait3A_41 : memref<128x128xf32, #tpu.memory_space<vmem_shared>>) dst(%arg8 : memref<128x128xf32, #tpu.memory_space<vmem>>)
      tpu.yield
    }) : () -> ()
    "tpu.region"() ({
      %run_scoped3A = tpu.sem_alloc : memref<!tpu.dma_semaphore, #tpu.memory_space<semaphore_mem>>
      %dma_start3A = arith.constant 0 : i32
      %dma_start3A_36 = tpu.memref_slice %arg5[%arg0, %add3A_29, %dma_start3A] : memref<2x10240x128xf32, #tpu.memory_space<hbm>> -> memref<1x128x128xf32, #tpu.memory_space<hbm>>
      %dma_start3A_37 = tpu.memref_squeeze %dma_start3A_36 : memref<1x128x128xf32, #tpu.memory_space<hbm>> -> memref<128x128xf32, #tpu.memory_space<hbm>>
      %dma_start3A_38 = arith.constant 0 : i32
      %dma_start3A_39 = tpu.memref_slice %arg5[%arg0, %add3A_29, %dma_start3A_38] : memref<2x10240x128xf32, #tpu.memory_space<hbm>> -> memref<1x128x128xf32, #tpu.memory_space<hbm>>
      %dma_start3A_40 = tpu.memref_squeeze %dma_start3A_39 : memref<1x128x128xf32, #tpu.memory_space<hbm>> -> memref<128x128xf32, #tpu.memory_space<hbm>>
      tpu.enqueue_dma source(%arg8 : memref<128x128xf32, #tpu.memory_space<vmem>>) target(%dma_start3A_40 : memref<128x128xf32, #tpu.memory_space<hbm>>) target_semaphore(%run_scoped3A : memref<!tpu.dma_semaphore, #tpu.memory_space<semaphore_mem>>)
      %dma_wait3A = arith.constant 0 : i32
      %dma_wait3A_41 = tpu.memref_slice %arg5[%arg0, %add3A_29, %dma_wait3A] : memref<2x10240x128xf32, #tpu.memory_space<hbm>> -> memref<1x128x128xf32, #tpu.memory_space<hbm>>
      %dma_wait3A_42 = tpu.memref_squeeze %dma_wait3A_41 : memref<1x128x128xf32, #tpu.memory_space<hbm>> -> memref<128x128xf32, #tpu.memory_space<hbm>>
      %dma_wait3A_43 = arith.constant 0 : i32
      %dma_wait3A_44 = tpu.memref_slice %arg5[%arg0, %add3A_29, %dma_wait3A_43] : memref<2x10240x128xf32, #tpu.memory_space<hbm>> -> memref<1x128x128xf32, #tpu.memory_space<hbm>>
      %dma_wait3A_45 = tpu.memref_squeeze %dma_wait3A_44 : memref<1x128x128xf32, #tpu.memory_space<hbm>> -> memref<128x128xf32, #tpu.memory_space<hbm>>
      tpu.wait_dma2 semaphore(%run_scoped3A : memref<!tpu.dma_semaphore, #tpu.memory_space<semaphore_mem>>) src(%arg8 : memref<128x128xf32, #tpu.memory_space<vmem>>) dst(%dma_wait3A_45 : memref<128x128xf32, #tpu.memory_space<hbm>>)
      tpu.yield
    }) : () -> ()
    %add3A_30 = arith.constant 256 : i32
    %add3A_31 = arith.addi %mul3A_2, %add3A_30 : i32
    "tpu.region"() ({
      %run_scoped3A = tpu.sem_alloc : memref<!tpu.dma_semaphore, #tpu.memory_space<semaphore_mem>>
      %dma_start3A = arith.constant 0 : i32
      %dma_start3A_36 = tpu.memref_slice %arg9[%add3A_31, %dma_start3A] : memref<10240x128xf32, #tpu.memory_space<vmem_shared>> -> memref<128x128xf32, #tpu.memory_space<vmem_shared>>
      %dma_start3A_37 = arith.constant 0 : i32
      %dma_start3A_38 = tpu.memref_slice %arg9[%add3A_31, %dma_start3A_37] : memref<10240x128xf32, #tpu.memory_space<vmem_shared>> -> memref<128x128xf32, #tpu.memory_space<vmem_shared>>
      tpu.enqueue_dma source(%dma_start3A_38 : memref<128x128xf32, #tpu.memory_space<vmem_shared>>) target(%arg8 : memref<128x128xf32, #tpu.memory_space<vmem>>) target_semaphore(%run_scoped3A : memref<!tpu.dma_semaphore, #tpu.memory_space<semaphore_mem>>)
      %dma_wait3A = arith.constant 0 : i32
      %dma_wait3A_39 = tpu.memref_slice %arg9[%add3A_31, %dma_wait3A] : memref<10240x128xf32, #tpu.memory_space<vmem_shared>> -> memref<128x128xf32, #tpu.memory_space<vmem_shared>>
      %dma_wait3A_40 = arith.constant 0 : i32
      %dma_wait3A_41 = tpu.memref_slice %arg9[%add3A_31, %dma_wait3A_40] : memref<10240x128xf32, #tpu.memory_space<vmem_shared>> -> memref<128x128xf32, #tpu.memory_space<vmem_shared>>
      tpu.wait_dma2 semaphore(%run_scoped3A : memref<!tpu.dma_semaphore, #tpu.memory_space<semaphore_mem>>) src(%dma_wait3A_41 : memref<128x128xf32, #tpu.memory_space<vmem_shared>>) dst(%arg8 : memref<128x128xf32, #tpu.memory_space<vmem>>)
      tpu.yield
    }) : () -> ()
    "tpu.region"() ({
      %run_scoped3A = tpu.sem_alloc : memref<!tpu.dma_semaphore, #tpu.memory_space<semaphore_mem>>
      %dma_start3A = arith.constant 0 : i32
      %dma_start3A_36 = tpu.memref_slice %arg5[%arg0, %add3A_31, %dma_start3A] : memref<2x10240x128xf32, #tpu.memory_space<hbm>> -> memref<1x128x128xf32, #tpu.memory_space<hbm>>
      %dma_start3A_37 = tpu.memref_squeeze %dma_start3A_36 : memref<1x128x128xf32, #tpu.memory_space<hbm>> -> memref<128x128xf32, #tpu.memory_space<hbm>>
      %dma_start3A_38 = arith.constant 0 : i32
      %dma_start3A_39 = tpu.memref_slice %arg5[%arg0, %add3A_31, %dma_start3A_38] : memref<2x10240x128xf32, #tpu.memory_space<hbm>> -> memref<1x128x128xf32, #tpu.memory_space<hbm>>
      %dma_start3A_40 = tpu.memref_squeeze %dma_start3A_39 : memref<1x128x128xf32, #tpu.memory_space<hbm>> -> memref<128x128xf32, #tpu.memory_space<hbm>>
      tpu.enqueue_dma source(%arg8 : memref<128x128xf32, #tpu.memory_space<vmem>>) target(%dma_start3A_40 : memref<128x128xf32, #tpu.memory_space<hbm>>) target_semaphore(%run_scoped3A : memref<!tpu.dma_semaphore, #tpu.memory_space<semaphore_mem>>)
      %dma_wait3A = arith.constant 0 : i32
      %dma_wait3A_41 = tpu.memref_slice %arg5[%arg0, %add3A_31, %dma_wait3A] : memref<2x10240x128xf32, #tpu.memory_space<hbm>> -> memref<1x128x128xf32, #tpu.memory_space<hbm>>
      %dma_wait3A_42 = tpu.memref_squeeze %dma_wait3A_41 : memref<1x128x128xf32, #tpu.memory_space<hbm>> -> memref<128x128xf32, #tpu.memory_space<hbm>>
      %dma_wait3A_43 = arith.constant 0 : i32
      %dma_wait3A_44 = tpu.memref_slice %arg5[%arg0, %add3A_31, %dma_wait3A_43] : memref<2x10240x128xf32, #tpu.memory_space<hbm>> -> memref<1x128x128xf32, #tpu.memory_space<hbm>>
      %dma_wait3A_45 = tpu.memref_squeeze %dma_wait3A_44 : memref<1x128x128xf32, #tpu.memory_space<hbm>> -> memref<128x128xf32, #tpu.memory_space<hbm>>
      tpu.wait_dma2 semaphore(%run_scoped3A : memref<!tpu.dma_semaphore, #tpu.memory_space<semaphore_mem>>) src(%arg8 : memref<128x128xf32, #tpu.memory_space<vmem>>) dst(%dma_wait3A_45 : memref<128x128xf32, #tpu.memory_space<hbm>>)
      tpu.yield
    }) : () -> ()
    %add3A_32 = arith.constant 384 : i32
    %add3A_33 = arith.addi %mul3A_2, %add3A_32 : i32
    "tpu.region"() ({
      %run_scoped3A = tpu.sem_alloc : memref<!tpu.dma_semaphore, #tpu.memory_space<semaphore_mem>>
      %dma_start3A = arith.constant 0 : i32
      %dma_start3A_36 = tpu.memref_slice %arg9[%add3A_33, %dma_start3A] : memref<10240x128xf32, #tpu.memory_space<vmem_shared>> -> memref<128x128xf32, #tpu.memory_space<vmem_shared>>
      %dma_start3A_37 = arith.constant 0 : i32
      %dma_start3A_38 = tpu.memref_slice %arg9[%add3A_33, %dma_start3A_37] : memref<10240x128xf32, #tpu.memory_space<vmem_shared>> -> memref<128x128xf32, #tpu.memory_space<vmem_shared>>
      tpu.enqueue_dma source(%dma_start3A_38 : memref<128x128xf32, #tpu.memory_space<vmem_shared>>) target(%arg8 : memref<128x128xf32, #tpu.memory_space<vmem>>) target_semaphore(%run_scoped3A : memref<!tpu.dma_semaphore, #tpu.memory_space<semaphore_mem>>)
      %dma_wait3A = arith.constant 0 : i32
      %dma_wait3A_39 = tpu.memref_slice %arg9[%add3A_33, %dma_wait3A] : memref<10240x128xf32, #tpu.memory_space<vmem_shared>> -> memref<128x128xf32, #tpu.memory_space<vmem_shared>>
      %dma_wait3A_40 = arith.constant 0 : i32
      %dma_wait3A_41 = tpu.memref_slice %arg9[%add3A_33, %dma_wait3A_40] : memref<10240x128xf32, #tpu.memory_space<vmem_shared>> -> memref<128x128xf32, #tpu.memory_space<vmem_shared>>
      tpu.wait_dma2 semaphore(%run_scoped3A : memref<!tpu.dma_semaphore, #tpu.memory_space<semaphore_mem>>) src(%dma_wait3A_41 : memref<128x128xf32, #tpu.memory_space<vmem_shared>>) dst(%arg8 : memref<128x128xf32, #tpu.memory_space<vmem>>)
      tpu.yield
    }) : () -> ()
    "tpu.region"() ({
      %run_scoped3A = tpu.sem_alloc : memref<!tpu.dma_semaphore, #tpu.memory_space<semaphore_mem>>
      %dma_start3A = arith.constant 0 : i32
      %dma_start3A_36 = tpu.memref_slice %arg5[%arg0, %add3A_33, %dma_start3A] : memref<2x10240x128xf32, #tpu.memory_space<hbm>> -> memref<1x128x128xf32, #tpu.memory_space<hbm>>
      %dma_start3A_37 = tpu.memref_squeeze %dma_start3A_36 : memref<1x128x128xf32, #tpu.memory_space<hbm>> -> memref<128x128xf32, #tpu.memory_space<hbm>>
      %dma_start3A_38 = arith.constant 0 : i32
      %dma_start3A_39 = tpu.memref_slice %arg5[%arg0, %add3A_33, %dma_start3A_38] : memref<2x10240x128xf32, #tpu.memory_space<hbm>> -> memref<1x128x128xf32, #tpu.memory_space<hbm>>
      %dma_start3A_40 = tpu.memref_squeeze %dma_start3A_39 : memref<1x128x128xf32, #tpu.memory_space<hbm>> -> memref<128x128xf32, #tpu.memory_space<hbm>>
      tpu.enqueue_dma source(%arg8 : memref<128x128xf32, #tpu.memory_space<vmem>>) target(%dma_start3A_40 : memref<128x128xf32, #tpu.memory_space<hbm>>) target_semaphore(%run_scoped3A : memref<!tpu.dma_semaphore, #tpu.memory_space<semaphore_mem>>)
      %dma_wait3A = arith.constant 0 : i32
      %dma_wait3A_41 = tpu.memref_slice %arg5[%arg0, %add3A_33, %dma_wait3A] : memref<2x10240x128xf32, #tpu.memory_space<hbm>> -> memref<1x128x128xf32, #tpu.memory_space<hbm>>
      %dma_wait3A_42 = tpu.memref_squeeze %dma_wait3A_41 : memref<1x128x128xf32, #tpu.memory_space<hbm>> -> memref<128x128xf32, #tpu.memory_space<hbm>>
      %dma_wait3A_43 = arith.constant 0 : i32
      %dma_wait3A_44 = tpu.memref_slice %arg5[%arg0, %add3A_33, %dma_wait3A_43] : memref<2x10240x128xf32, #tpu.memory_space<hbm>> -> memref<1x128x128xf32, #tpu.memory_space<hbm>>
      %dma_wait3A_45 = tpu.memref_squeeze %dma_wait3A_44 : memref<1x128x128xf32, #tpu.memory_space<hbm>> -> memref<128x128xf32, #tpu.memory_space<hbm>>
      tpu.wait_dma2 semaphore(%run_scoped3A : memref<!tpu.dma_semaphore, #tpu.memory_space<semaphore_mem>>) src(%arg8 : memref<128x128xf32, #tpu.memory_space<vmem>>) dst(%dma_wait3A_45 : memref<128x128xf32, #tpu.memory_space<hbm>>)
      tpu.yield
    }) : () -> ()
    %add3A_34 = arith.constant 512 : i32
    %add3A_35 = arith.addi %mul3A_2, %add3A_34 : i32
    "tpu.region"() ({
      %run_scoped3A = tpu.sem_alloc : memref<!tpu.dma_semaphore, #tpu.memory_space<semaphore_mem>>
      %dma_start3A = arith.constant 0 : i32
      %dma_start3A_36 = tpu.memref_slice %arg9[%add3A_35, %dma_start3A] : memref<10240x128xf32, #tpu.memory_space<vmem_shared>> -> memref<128x128xf32, #tpu.memory_space<vmem_shared>>
      %dma_start3A_37 = arith.constant 0 : i32
      %dma_start3A_38 = tpu.memref_slice %arg9[%add3A_35, %dma_start3A_37] : memref<10240x128xf32, #tpu.memory_space<vmem_shared>> -> memref<128x128xf32, #tpu.memory_space<vmem_shared>>
      tpu.enqueue_dma source(%dma_start3A_38 : memref<128x128xf32, #tpu.memory_space<vmem_shared>>) target(%arg8 : memref<128x128xf32, #tpu.memory_space<vmem>>) target_semaphore(%run_scoped3A : memref<!tpu.dma_semaphore, #tpu.memory_space<semaphore_mem>>)
      %dma_wait3A = arith.constant 0 : i32
      %dma_wait3A_39 = tpu.memref_slice %arg9[%add3A_35, %dma_wait3A] : memref<10240x128xf32, #tpu.memory_space<vmem_shared>> -> memref<128x128xf32, #tpu.memory_space<vmem_shared>>
      %dma_wait3A_40 = arith.constant 0 : i32
      %dma_wait3A_41 = tpu.memref_slice %arg9[%add3A_35, %dma_wait3A_40] : memref<10240x128xf32, #tpu.memory_space<vmem_shared>> -> memref<128x128xf32, #tpu.memory_space<vmem_shared>>
      tpu.wait_dma2 semaphore(%run_scoped3A : memref<!tpu.dma_semaphore, #tpu.memory_space<semaphore_mem>>) src(%dma_wait3A_41 : memref<128x128xf32, #tpu.memory_space<vmem_shared>>) dst(%arg8 : memref<128x128xf32, #tpu.memory_space<vmem>>)
      tpu.yield
    }) : () -> ()
    "tpu.region"() ({
      %run_scoped3A = tpu.sem_alloc : memref<!tpu.dma_semaphore, #tpu.memory_space<semaphore_mem>>
      %dma_start3A = arith.constant 0 : i32
      %dma_start3A_36 = tpu.memref_slice %arg5[%arg0, %add3A_35, %dma_start3A] : memref<2x10240x128xf32, #tpu.memory_space<hbm>> -> memref<1x128x128xf32, #tpu.memory_space<hbm>>
      %dma_start3A_37 = tpu.memref_squeeze %dma_start3A_36 : memref<1x128x128xf32, #tpu.memory_space<hbm>> -> memref<128x128xf32, #tpu.memory_space<hbm>>
      %dma_start3A_38 = arith.constant 0 : i32
      %dma_start3A_39 = tpu.memref_slice %arg5[%arg0, %add3A_35, %dma_start3A_38] : memref<2x10240x128xf32, #tpu.memory_space<hbm>> -> memref<1x128x128xf32, #tpu.memory_space<hbm>>
      %dma_start3A_40 = tpu.memref_squeeze %dma_start3A_39 : memref<1x128x128xf32, #tpu.memory_space<hbm>> -> memref<128x128xf32, #tpu.memory_space<hbm>>
      tpu.enqueue_dma source(%arg8 : memref<128x128xf32, #tpu.memory_space<vmem>>) target(%dma_start3A_40 : memref<128x128xf32, #tpu.memory_space<hbm>>) target_semaphore(%run_scoped3A : memref<!tpu.dma_semaphore, #tpu.memory_space<semaphore_mem>>)
      %dma_wait3A = arith.constant 0 : i32
      %dma_wait3A_41 = tpu.memref_slice %arg5[%arg0, %add3A_35, %dma_wait3A] : memref<2x10240x128xf32, #tpu.memory_space<hbm>> -> memref<1x128x128xf32, #tpu.memory_space<hbm>>
      %dma_wait3A_42 = tpu.memref_squeeze %dma_wait3A_41 : memref<1x128x128xf32, #tpu.memory_space<hbm>> -> memref<128x128xf32, #tpu.memory_space<hbm>>
      %dma_wait3A_43 = arith.constant 0 : i32
      %dma_wait3A_44 = tpu.memref_slice %arg5[%arg0, %add3A_35, %dma_wait3A_43] : memref<2x10240x128xf32, #tpu.memory_space<hbm>> -> memref<1x128x128xf32, #tpu.memory_space<hbm>>
      %dma_wait3A_45 = tpu.memref_squeeze %dma_wait3A_44 : memref<1x128x128xf32, #tpu.memory_space<hbm>> -> memref<128x128xf32, #tpu.memory_space<hbm>>
      tpu.wait_dma2 semaphore(%run_scoped3A : memref<!tpu.dma_semaphore, #tpu.memory_space<semaphore_mem>>) src(%arg8 : memref<128x128xf32, #tpu.memory_space<vmem>>) dst(%dma_wait3A_45 : memref<128x128xf32, #tpu.memory_space<hbm>>)
      tpu.yield
    }) : () -> ()
    return
  }
}

module attributes {stable_mosaic.version = 14 : i64} {
  func.func @body(%arg0: i32, %arg1: memref<1000x128xf32, #tpu.memory_space<vmem>>, %arg2: memref<128x128xf32, #tpu.memory_space<vmem>>, %arg3: memref<1x128xf32, #tpu.memory_space<vmem>>, %arg4: memref<1000x128xf32, #tpu.memory_space<vmem>>) attributes {dimension_semantics = [#tpu.dimension_semantics<arbitrary>], iteration_bounds = array<i64: 10>, scalar_prefetch = 0 : i64, scratch_operands = 0 : i64, tpu.core_type = #tpu.core_type<tc>, window_params = [{transform_indices = @transform_0, window_bounds = array<i64: 1000, 128>}, {pipeline_mode = #tpu.pipeline_mode<synchronous>, transform_indices = @transform_1, window_bounds = array<i64: 128, 128>}, {pipeline_mode = #tpu.pipeline_mode<synchronous>, transform_indices = @transform_2, window_bounds = array<i64: 1, 128>}, {transform_indices = @transform_3, window_bounds = array<i64: 1000, 128>}]} {
    %get3A = arith.constant 0 : index
    %get3A_0 = arith.constant 0 : index
    %get3A_1 = vector.load %arg1[%get3A, %get3A_0] : memref<1000x128xf32, #tpu.memory_space<vmem>>, vector<1000x128xf32>
    %get3A_2 = arith.constant 0 : index
    %get3A_3 = arith.constant 0 : index
    %get3A_4 = vector.load %arg2[%get3A_2, %get3A_3] : memref<128x128xf32, #tpu.memory_space<vmem>>, vector<128x128xf32>
    %dot_general3A = arith.constant dense<0.000000e+00> : vector<1000x128xf32>
    %dot_general3A_5 = tpu.matmul %get3A_1, %get3A_4, %dot_general3A {dimension_numbers = #tpu.dot_dimension_numbers<[1], [0], [0], [1], [0, 0, 1, 1], [], []>, transpose_lhs_hint = false} : vector<1000x128xf32>, vector<128x128xf32>, vector<1000x128xf32> -> vector<1000x128xf32>
    %get3A_6 = arith.constant 0 : index
    %get3A_7 = arith.constant 0 : index
    %get3A_8 = vector.load %arg3[%get3A_6, %get3A_7] : memref<1x128xf32, #tpu.memory_space<vmem>>, vector<1x128xf32>
    %add3A = vector.broadcast %get3A_8 : vector<1x128xf32> to vector<1000x128xf32>
    %add3A_9 = arith.addf %dot_general3A_5, %add3A : vector<1000x128xf32>
    %swap3A = arith.constant 0 : index
    %swap3A_10 = arith.constant 0 : index
    %swap3A_11 = vector.load %arg4[%swap3A, %swap3A_10] : memref<1000x128xf32, #tpu.memory_space<vmem>>, vector<1000x128xf32>
    tpu.vector_store %arg4[%swap3A, %swap3A_10], %add3A_9 {strides = array<i32>} : memref<1000x128xf32, #tpu.memory_space<vmem>>, vector<1000x128xf32>,
    return
  }
  func.func @transform_0(%arg0: i32) -> (i32, i32) {
    %c0_i32 = arith.constant 0 : i32
    %c0_i32_0 = arith.constant 0 : i32
    return %arg0, %c0_i32 : i32, i32
  }
  func.func @transform_1(%arg0: i32) -> (i32, i32) {
    %c0_i32 = arith.constant 0 : i32
    %c0_i32_0 = arith.constant 0 : i32
    %c0_i32_1 = arith.constant 0 : i32
    return %c0_i32, %c0_i32_0 : i32, i32
  }
  func.func @transform_2(%arg0: i32) -> (i32, i32) {
    %c0_i32 = arith.constant 0 : i32
    %c0_i32_0 = arith.constant 0 : i32
    %c0_i32_1 = arith.constant 0 : i32
    return %c0_i32, %c0_i32_0 : i32, i32
  }
  func.func @transform_3(%arg0: i32) -> (i32, i32) {
    %c0_i32 = arith.constant 0 : i32
    %c0_i32_0 = arith.constant 0 : i32
    return %arg0, %c0_i32 : i32, i32
  }
}

module attributes {stable_mosaic.version = 14 : i64} {
  func.func @body(%arg0: i32, %arg1: memref<1000x128xf32, #tpu.memory_space<vmem>>, %arg2: memref<2x1000x128xf32, #tpu.memory_space<vmem>>, %arg3: memref<128x128xf32, #tpu.memory_space<vmem>>, %arg4: memref<1x128xf32, #tpu.memory_space<vmem>>, %arg5: memref<1000x128xf32, #tpu.memory_space<vmem>>) attributes {dimension_semantics = [#tpu.dimension_semantics<arbitrary>], iteration_bounds = array<i64: 10>, scalar_prefetch = 0 : i64, scratch_operands = 0 : i64, tpu.core_type = #tpu.core_type<tc>, window_params = [{transform_indices = @transform_0, window_bounds = array<i64: 1000, 128>}, {transform_indices = @transform_1, window_bounds = array<i64: 2, 1000, 128>}, {pipeline_mode = #tpu.pipeline_mode<synchronous>, transform_indices = @transform_2, window_bounds = array<i64: 128, 128>}, {pipeline_mode = #tpu.pipeline_mode<synchronous>, transform_indices = @transform_3, window_bounds = array<i64: 1, 128>}, {transform_indices = @transform_4, window_bounds = array<i64: 1000, 128>}]} {
    %get3A = arith.constant 0 : index
    %get3A_0 = arith.constant 0 : index
    %get3A_1 = vector.load %arg1[%get3A, %get3A_0] : memref<1000x128xf32, #tpu.memory_space<vmem>>, vector<1000x128xf32>
    %get3A_2 = arith.constant 0 : index
    %get3A_3 = arith.constant 0 : index
    %get3A_4 = arith.constant 0 : index
    %get3A_5 = vector.load %arg2[%get3A_2, %get3A_3, %get3A_4] : memref<2x1000x128xf32, #tpu.memory_space<vmem>>, vector<1x1000x128xf32>
    %get3A_6 = vector.shape_cast %get3A_5 : vector<1x1000x128xf32> to vector<1000x128xf32>
    %add3A = arith.addf %get3A_1, %get3A_6 : vector<1000x128xf32>
    %get3A_7 = arith.constant 1 : index
    %get3A_8 = arith.constant 0 : index
    %get3A_9 = arith.constant 0 : index
    %get3A_10 = vector.load %arg2[%get3A_7, %get3A_8, %get3A_9] : memref<2x1000x128xf32, #tpu.memory_space<vmem>>, vector<1x1000x128xf32>
    %get3A_11 = vector.shape_cast %get3A_10 : vector<1x1000x128xf32> to vector<1000x128xf32>
    %add3A_12 = arith.addf %add3A, %get3A_11 : vector<1000x128xf32>
    %get3A_13 = arith.constant 0 : index
    %get3A_14 = arith.constant 0 : index
    %get3A_15 = vector.load %arg3[%get3A_13, %get3A_14] : memref<128x128xf32, #tpu.memory_space<vmem>>, vector<128x128xf32>
    %dot_general3A = arith.constant dense<0.000000e+00> : vector<1000x128xf32>
    %dot_general3A_16 = tpu.matmul %add3A_12, %get3A_15, %dot_general3A {dimension_numbers = #tpu.dot_dimension_numbers<[1], [0], [0], [1], [0, 0, 1, 1], [], []>, transpose_lhs_hint = false} : vector<1000x128xf32>, vector<128x128xf32>, vector<1000x128xf32> -> vector<1000x128xf32>
    %get3A_17 = arith.constant 0 : index
    %get3A_18 = arith.constant 0 : index
    %get3A_19 = vector.load %arg4[%get3A_17, %get3A_18] : memref<1x128xf32, #tpu.memory_space<vmem>>, vector<1x128xf32>
    %add3A_20 = vector.broadcast %get3A_19 : vector<1x128xf32> to vector<1000x128xf32>
    %add3A_21 = arith.addf %dot_general3A_16, %add3A_20 : vector<1000x128xf32>
    %swap3A = arith.constant 0 : index
    %swap3A_22 = arith.constant 0 : index
    %swap3A_23 = vector.load %arg5[%swap3A, %swap3A_22] : memref<1000x128xf32, #tpu.memory_space<vmem>>, vector<1000x128xf32>
    tpu.vector_store %arg5[%swap3A, %swap3A_22], %add3A_21 {strides = array<i32>} : memref<1000x128xf32, #tpu.memory_space<vmem>>, vector<1000x128xf32>,
    return
  }
  func.func @transform_0(%arg0: i32) -> (i32, i32) {
    %c0_i32 = arith.constant 0 : i32
    %c0_i32_0 = arith.constant 0 : i32
    return %arg0, %c0_i32 : i32, i32
  }
  func.func @transform_1(%arg0: i32) -> (i32, i32, i32) {
    %c0_i32 = arith.constant 0 : i32
    %c0_i32_0 = arith.constant 0 : i32
    %c0_i32_1 = arith.constant 0 : i32
    return %c0_i32, %arg0, %c0_i32_0 : i32, i32, i32
  }
  func.func @transform_2(%arg0: i32) -> (i32, i32) {
    %c0_i32 = arith.constant 0 : i32
    %c0_i32_0 = arith.constant 0 : i32
    %c0_i32_1 = arith.constant 0 : i32
    return %c0_i32, %c0_i32_0 : i32, i32
  }
  func.func @transform_3(%arg0: i32) -> (i32, i32) {
    %c0_i32 = arith.constant 0 : i32
    %c0_i32_0 = arith.constant 0 : i32
    %c0_i32_1 = arith.constant 0 : i32
    return %c0_i32, %c0_i32_0 : i32, i32
  }
  func.func @transform_4(%arg0: i32) -> (i32, i32) {
    %c0_i32 = arith.constant 0 : i32
    %c0_i32_0 = arith.constant 0 : i32
    return %arg0, %c0_i32 : i32, i32
  }
}

module attributes {stable_mosaic.version = 14 : i64} {
  func.func @body(%arg0: i32, %arg1: memref<1000x128xf32, #tpu.memory_space<vmem>>, %arg2: memref<2x1000x128xf32, #tpu.memory_space<vmem>>, %arg3: memref<128x128xf32, #tpu.memory_space<vmem>>, %arg4: memref<1x128xf32, #tpu.memory_space<vmem>>, %arg5: memref<1000x128xf32, #tpu.memory_space<vmem>>) attributes {dimension_semantics = [#tpu.dimension_semantics<arbitrary>], iteration_bounds = array<i64: 10>, scalar_prefetch = 0 : i64, scratch_operands = 0 : i64, tpu.core_type = #tpu.core_type<tc>, window_params = [{transform_indices = @transform_0, window_bounds = array<i64: 1000, 128>}, {transform_indices = @transform_1, window_bounds = array<i64: 2, 1000, 128>}, {pipeline_mode = #tpu.pipeline_mode<synchronous>, transform_indices = @transform_2, window_bounds = array<i64: 128, 128>}, {pipeline_mode = #tpu.pipeline_mode<synchronous>, transform_indices = @transform_3, window_bounds = array<i64: 1, 128>}, {transform_indices = @transform_4, window_bounds = array<i64: 1000, 128>}]} {
    %get3A = arith.constant 0 : index
    %get3A_0 = arith.constant 0 : index
    %get3A_1 = vector.load %arg1[%get3A, %get3A_0] : memref<1000x128xf32, #tpu.memory_space<vmem>>, vector<1000x128xf32>
    %get3A_2 = arith.constant 0 : index
    %get3A_3 = arith.constant 0 : index
    %get3A_4 = arith.constant 0 : index
    %get3A_5 = vector.load %arg2[%get3A_2, %get3A_3, %get3A_4] : memref<2x1000x128xf32, #tpu.memory_space<vmem>>, vector<1x1000x128xf32>
    %get3A_6 = vector.shape_cast %get3A_5 : vector<1x1000x128xf32> to vector<1000x128xf32>
    %add3A = arith.addf %get3A_1, %get3A_6 : vector<1000x128xf32>
    %get3A_7 = arith.constant 1 : index
    %get3A_8 = arith.constant 0 : index
    %get3A_9 = arith.constant 0 : index
    %get3A_10 = vector.load %arg2[%get3A_7, %get3A_8, %get3A_9] : memref<2x1000x128xf32, #tpu.memory_space<vmem>>, vector<1x1000x128xf32>
    %get3A_11 = vector.shape_cast %get3A_10 : vector<1x1000x128xf32> to vector<1000x128xf32>
    %add3A_12 = arith.addf %add3A, %get3A_11 : vector<1000x128xf32>
    %get3A_13 = arith.constant 0 : index
    %get3A_14 = arith.constant 0 : index
    %get3A_15 = vector.load %arg3[%get3A_13, %get3A_14] : memref<128x128xf32, #tpu.memory_space<vmem>>, vector<128x128xf32>
    %dot_general3A = arith.constant dense<0.000000e+00> : vector<1000x128xf32>
    %dot_general3A_16 = tpu.matmul %add3A_12, %get3A_15, %dot_general3A {dimension_numbers = #tpu.dot_dimension_numbers<[1], [0], [0], [1], [0, 0, 1, 1], [], []>, transpose_lhs_hint = false} : vector<1000x128xf32>, vector<128x128xf32>, vector<1000x128xf32> -> vector<1000x128xf32>
    %get3A_17 = arith.constant 0 : index
    %get3A_18 = arith.constant 0 : index
    %get3A_19 = vector.load %arg4[%get3A_17, %get3A_18] : memref<1x128xf32, #tpu.memory_space<vmem>>, vector<1x128xf32>
    %add3A_20 = vector.broadcast %get3A_19 : vector<1x128xf32> to vector<1000x128xf32>
    %add3A_21 = arith.addf %dot_general3A_16, %add3A_20 : vector<1000x128xf32>
    %swap3A = arith.constant 0 : index
    %swap3A_22 = arith.constant 0 : index
    %swap3A_23 = vector.load %arg5[%swap3A, %swap3A_22] : memref<1000x128xf32, #tpu.memory_space<vmem>>, vector<1000x128xf32>
    tpu.vector_store %arg5[%swap3A, %swap3A_22], %add3A_21 {strides = array<i32>} : memref<1000x128xf32, #tpu.memory_space<vmem>>, vector<1000x128xf32>,
    return
  }
  func.func @transform_0(%arg0: i32) -> (i32, i32) {
    %c0_i32 = arith.constant 0 : i32
    %c0_i32_0 = arith.constant 0 : i32
    return %arg0, %c0_i32 : i32, i32
  }
  func.func @transform_1(%arg0: i32) -> (i32, i32, i32) {
    %c0_i32 = arith.constant 0 : i32
    %c0_i32_0 = arith.constant 0 : i32
    %c0_i32_1 = arith.constant 0 : i32
    return %c0_i32, %arg0, %c0_i32_0 : i32, i32, i32
  }
  func.func @transform_2(%arg0: i32) -> (i32, i32) {
    %c0_i32 = arith.constant 0 : i32
    %c0_i32_0 = arith.constant 0 : i32
    %c0_i32_1 = arith.constant 0 : i32
    return %c0_i32, %c0_i32_0 : i32, i32
  }
  func.func @transform_3(%arg0: i32) -> (i32, i32) {
    %c0_i32 = arith.constant 0 : i32
    %c0_i32_0 = arith.constant 0 : i32
    %c0_i32_1 = arith.constant 0 : i32
    return %c0_i32, %c0_i32_0 : i32, i32
  }
  func.func @transform_4(%arg0: i32) -> (i32, i32) {
    %c0_i32 = arith.constant 0 : i32
    %c0_i32_0 = arith.constant 0 : i32
    return %arg0, %c0_i32 : i32, i32
  }
}

</mosaic_0001>

<sc_bundles>
// kernel: kernel.12.cloned.1.call-start
scs
__scs_entry_jumppad:
0x0: {  	(pc) =	sbr.rel $0x88, $3  }
0x1: {  	(tag) =	ssettag $0x0;
	lr =	simm.s32 $0x1  }
0x2: {  	[smem:$0x3F9B] =	sst lr;
	_ =	strace $0xD0000000  }
0x3: {  	_ = 	snop  }
0x4: {  	_ = 	snop  }
0x5: {  	_ = 	snop  }
0x6: {  	_ = 	snop  }
0x7: {  	_ = 	snop  }
__scs_overlays_trampoline_lowered:
0x8: {  	[smem:$0x3FAA] =	sst s0  }
0x9: {  	[smem:$0x3FAB] =	sst s1  }
0xa: {  	[smem:$0x3FAC] =	sst s2  }
0xb: {  	[smem:$0x3FAD] =	sst s3  }
0xc: {  	[smem:$0x3FAE] =	sst s4  }
0xd: {  	[smem:$0x3FAF] =	sst s5  }
0xe: {  	[smem:$0x3FB0] =	sst s6  }
0xf: {  	[smem:$0x3FB1] =	sst s7  }
0x10: {  	[smem:$0x3FB2] =	sst s8  }
0x11: {  	[smem:$0x3FB3] =	sst s9;
	s0 =	simm.s32 @!p0 $0x0  }
0x12: {  	s1 =	sld [smem:$0x3F99];
	s0 =	simm.s32 @p0 $0x1  }
0x13: {  	[smem:$0x3FB4] =	sst s0;
	s0 =	simm.s32 @!p1 $0x0  }
0x14: {  	s2 =	sld [smem:$0x3F98];
	s0 =	simm.s32 @p1 $0x1  }
0x15: {  	[smem:$0x3FB5] =	sst s0;
	s0 =	simm.s32 @!p2 $0x0  }
0x16: {  	s3 =	sld [smem:$0x3FDB];
	s0 =	simm.s32 @p2 $0x1  }
0x17: {  	s4 =	simm.s32 $0x1BF5;
	[smem:$0x3FB7] =	sst s0  }
0x18: {  	s0 =	sld [smem:$0x3F9A];
	_ =	swait.ge [sflag:s4], $0x0  }
0x19: {  	s7 =	sld [smem:$0x3F9B]  }
0x1a: {  	s8 =	sadd.s32 $0xFFFFE003, lr  }
0x1b: {  	s9 =	sadd.s32 $0xFFFFFEF7, lr;
	s5 =	simm.s32 $0xFFFFFFFF;
	p2 =	slt.u32 s8, $0xFFFFF086  }
0x1c: {  	p1 =	slt.u32 s9, $0xF7A;
	s5 =	simm.s32 @!p2 $0x0  }
0x1d: {  	s5 =	simm.s32 @p1 $0x1;
	p0 =	seq.s32 s7, s2  }
0x1e: {  	s7 =	smul.u32 @!p0 $0xF7A, s2;
	p2 =	seq.s32 @!p0 s5, $0x0  }
0x1f: {  	s9 =	smul.u32 $0xF7A, s1;
	s8 =	simm.s32 @!p0 $0x1BF5;
	p2 =	por !p2, p0  }
0x20: {  	[sflag:s8] =	ssyncset.s32 @!p0 $0xFFFFF086;
	s6 =	sadd.s32 @!p0 s3, s7;
	s7 =	simm.s32 @!p0 $0x108  }
0x21: {  	s3 =	sadd.s32 s3, s9;
	s6 =	sadd.s32 @!p0 $0x88, s6;
	s7 =	simm.s32 @p2 $0x1082  }
0x22: {  	[simem:s7], [sflag:s8] =	dma.local @!p0 [hbm:s6], $0xF7A  }
0x23: {  	s9 =	sor.u32 $0xD0000000, s2;
	s6 =	simm.s32 $0x108;
	_ =	swait.ge @!p0 [sflag:s8], $0x0  }
0x24: {  	s3 =	sadd.s32 $0x88, s3;
	s6 =	simm.s32 @!p1 $0x1082;
	[sflag:s4] =	ssyncset.s32 $0xFFFFF086  }
0x25: {  	[simem:s6], [sflag:s4] =	dma.local [hbm:s3], $0xF7A  }
0x26: {  	[smem:$0x3F9B] =	sst s1;
	(tag) =	ssettag s2;
	_ =	strace s9  }
0x27: {  	s1 =	sld [smem:$0x3FAB]  }
0x28: {  	s2 =	sld [smem:$0x3FAC]  }
0x29: {  	s4 =	sld [smem:$0x3FAE]  }
0x2a: {  	p0 =	seq.s32 s5, $0x0;
	s5 =	sld [smem:$0x3FAF]  }
0x2b: {  	s6 =	sld [smem:$0x3FB0]  }
0x2c: {  	s7 =	sld [smem:$0x3FB1]  }
0x2d: {  	s3 =	simm.s32 $0x108;
	s8 =	sld [smem:$0x3FB2]  }
0x2e: {  	s3 =	simm.s32 @!p0 $0x1082;
	s9 =	sld [smem:$0x3FB3]  }
0x2f: {  	lr =	sadd.s32 s0, s3;
	s0 =	sld [smem:$0x3FAA]  }
0x30: {  	s3 =	sld [smem:$0x3FAD]  }
0x31: {  	[smem:$0x3FB6] =	sst s10  }
0x32: {  	s10 =	sld [smem:$0x3FB4];
	_ =	sdelay $0x3  }
0x33: {  	p0 =	seq.s32 s10, $0x1;
	s10 =	sld [smem:$0x3FB6];
	_ =	sdelay $0x3  }
0x34: {  	[smem:$0x3FB6] =	sst s10  }
0x35: {  	s10 =	sld [smem:$0x3FB5];
	_ =	sdelay $0x3  }
0x36: {  	p1 =	seq.s32 s10, $0x1;
	s10 =	sld [smem:$0x3FB6];
	_ =	sdelay $0x3  }
0x37: {  	[smem:$0x3FB6] =	sst s10  }
0x38: {  	s10 =	sld [smem:$0x3FB7]  }
0x39: {  	_ = 	snop;
	(pc) =	sbr.ind lr, $3  }
0x3a: {  	_ = 	snop  }
0x3b: {  	_ = 	snop  }
0x3c: {  	p2 =	seq.s32 s10, $0x1;
	s10 =	sld [smem:$0x3FB6]  }
0x3d: {  	_ =	shalt  }
0x3e: {  	_ =	shalt  }
0x3f: {  	_ =	shalt  }
0x40: {  	_ =	shalt  }
0x41: {  	_ =	shalt  }
0x42: {  	_ =	shalt  }
0x43: {  	_ =	shalt  }
0x44: {  	_ =	shalt  }
0x45: {  	_ =	shalt  }
0x46: {  	_ =	shalt  }
0x47: {  	_ =	shalt  }
0x48: {  	_ =	shalt  }
0x49: {  	_ =	shalt  }
0x4a: {  	_ =	shalt  }
0x4b: {  	_ =	shalt  }
0x4c: {  	_ =	shalt  }
0x4d: {  	_ =	shalt  }
0x4e: {  	_ =	shalt  }
0x4f: {  	_ =	shalt  }
0x50: {  	_ =	shalt  }
0x51: {  	_ =	shalt  }
0x52: {  	_ =	shalt  }
0x53: {  	_ =	shalt  }
0x54: {  	_ =	shalt  }
0x55: {  	_ =	shalt  }
0x56: {  	_ =	shalt  }
0x57: {  	_ =	shalt  }
0x58: {  	_ =	shalt  }
0x59: {  	_ =	shalt  }
0x5a: {  	_ =	shalt  }
0x5b: {  	_ =	shalt  }
0x5c: {  	_ =	shalt  }
0x5d: {  	_ =	shalt  }
0x5e: {  	_ =	shalt  }
0x5f: {  	_ =	shalt  }
0x60: {  	_ =	shalt  }
0x61: {  	_ =	shalt  }
0x62: {  	_ =	shalt  }
0x63: {  	_ =	shalt  }
0x64: {  	_ =	shalt  }
0x65: {  	_ =	shalt  }
0x66: {  	_ =	shalt  }
0x67: {  	_ =	shalt  }
0x68: {  	_ =	shalt  }
0x69: {  	_ =	shalt  }
0x6a: {  	_ =	shalt  }
0x6b: {  	_ =	shalt  }
0x6c: {  	_ =	shalt  }
0x6d: {  	_ =	shalt  }
0x6e: {  	_ =	shalt  }
0x6f: {  	_ =	shalt  }
0x70: {  	_ =	shalt  }
0x71: {  	_ =	shalt  }
0x72: {  	_ =	shalt  }
0x73: {  	_ =	shalt  }
0x74: {  	_ =	shalt  }
0x75: {  	_ =	shalt  }
0x76: {  	_ =	shalt  }
0x77: {  	_ =	shalt  }
0x78: {  	_ =	shalt  }
0x79: {  	_ =	shalt  }
0x7a: {  	_ =	shalt  }
0x7b: {  	_ =	shalt  }
0x7c: {  	_ =	shalt  }
0x7d: {  	_ =	shalt  }
0x7e: {  	_ =	shalt  }
0x7f: {  	_ =	shalt  }
0x80: {  	_ =	shalt  }
0x81: {  	_ =	shalt  }
0x82: {  	_ =	shalt  }
0x83: {  	_ =	shalt  }
0x84: {  	_ =	shalt  }
0x85: {  	_ =	shalt  }
0x86: {  	_ =	shalt  }
0x87: {  	_ =	shalt  }
.Lfunc_end0:
.L_simem_size_0:
called_computation.1_lowered:
.L_overlay_start_0:
0x88: {  	s2 =	sld [smem:$0x3FD9]  }
0x89: {  	s3 =	sld [smem:$0x3FFE];
	_ =	sdelay $0x1  }
0x8a: {  	s1 =	srdreg.scid  }
0x8b: {  	s0 =	sand.u32 $0x1, s1  }
0x8c: {  	s17 =	sshll.u32 s0, $0xA;
	s2 =	sadd.s32 s3, s2  }
0x8d: {  	s2 =	sadd.s32 s2, s17  }
0x8e: {  	[smem:$0x3FC2] =	sst s2  }
0x8f: {  	_ = 	snop  }
0x90: {  	s2 =	sld [smem:$0x3FD0];
	(tm) =	ssettm $0x1  }
0x91: {  	s18 =	sld [smem:$0x3FFB];
	_ =	sdelay $0x3  }
0x92: {  	_ =	strace s18  }
0x93: {  	s3 =	sld [smem:$0x3FFC];
	_ =	sdelay $0x3  }
0x94: {  	_ =	strace s3  }
0x95: {  	s3 =	sld [smem:$0x3FFD];
	_ =	sdelay $0x3  }
0x96: {  	_ =	strace s3  }
0x97: {  	_ =	strace $0x8FFFFFFF  }
0x98: {  	s19 =	sld [smem:$0x3FDB];
	_ =	sdelay $0x1  }
0x99: {  	s4 =	simm.s32 $_scs_section_size  }
0x9a: {  	s5 =	simm.s32 $_size__tile_overlayer_lowered;
	s6 =	simm.s32 $_tile_overlayer_lowered  }
0x9b: {  	s22 =	simm.s32 $0x1BFF;
	s21 =	sshll.u32 s6, $0x1;
	s3 =	sadd.s32 s4, s19  }
0x9c: {  	s7 =	simm.s32 $0x0;
	s20 =	sshll.u32 s5, $0x1;
	s5 =	sadd.s32 s21, s3  }
0x9d: {  	[timem:s7], [sflag:s22] =	dma.local [hbm:s5], s20  }
0x9e: {  	_ =	swait.ge [sflag:s22], s20  }
0x9f: {  	s4 =	ssub.s32 $0x0, s20;
	[sflag:s22] =	ssyncset.done $0x0  }
0xa0: {  	[sflag:s22] =	ssyncadd.s32 s4;
	_ =	sdelay $0x1  }
0xa1: {  	s23 =	simm.s32 $0x1B8B  }
0xa2: {  	_ =	swait.ge [sflag:s23], $0x1  }
0xa3: {  	[sflag:s23] =	ssyncset.done $0x0  }
0xa4: {  	s25 =	simm.s32 $0x1B8E;
	s24 =	sld [smem:$0x3FFE];
	[sflag:s23] =	ssyncadd.s32 $0xFFFFFFFF  }
0xa5: {  	s26 =	simm.s32 $execute0_lowered;
	[smem:$0x3FD2] =	sst s25  }
0xa6: {  	s5 =	sshll.u32 s26, $0x1;
	_ =	strace $0x80000049;
	[dreg:$0x1] =	wrdreg $0xFFFFFFFF  }
0xa7: {  	s28 =	simm.s32 $_size_execute0_lowered;
	s3 =	sadd.s32 s3, s5;
	[dreg:$0x0] =	wrdreg $0x0  }
0xa8: {  	s5 =	sshll.u32 s28, $0x1;
	[dreg:$0x2] =	wrdreg s3  }
0xa9: {  	[dreg:$0x3] =	wrdreg s5  }
0xaa: {  	[dreg:$0x4] =	wrdreg $0xC0  }
0xab: {  	_ =	task [dreg:s7], $0x5FFFF  }
0xac: {  	[dreg:$0x1] =	wrdreg $0xFFFFFFFF  }
0xad: {  	[dreg:$0x0] =	wrdreg $0x60  }
0xae: {  	[dreg:$0x2] =	wrdreg s2  }
0xaf: {  	[dreg:$0x3] =	wrdreg s24  }
0xb0: {  	[dreg:$0x4] =	wrdreg $0x90000  }
0xb1: {  	[dreg:$0x5] =	wrdreg $0x9  }
0xb2: {  	_ =	task.clear_ibuf [dreg:s7], $0x6FFFF;
	_ =	strace $0x90000049  }
0xb3: {  	s29 =	simm.s32 $0x9;
	_ =	strace $0x8000004B  }
0xb4: {  	_ =	swait.ge [sflag:s29], $0x1  }
0xb5: {  	[sflag:s29] =	ssyncadd.s32 $0xFFFFFFFF  }
0xb6: {  	_ =	strace $0x9000004B  }
0xb7: {  	_ =	sfence  }
0xb8: {  	s30 =	sld [smem:$0x0];
	_ =	sdelay $0x2  }
0xb9: {  	s31 =	sshll.u32 s1, $0xD;
	s1 =	sshrl.u32 s1, $0x2  }
0xba: {  	s3 =	sand.u32 $0x4000, s31;
	s1 =	sadd.s32 s1, s30  }
0xbb: {  	s0 =	sor.u32 s3, s0;
	s1 =	sshll.u32 s1, $0x11  }
0xbc: {  	s0 =	sor.u32 s1, s0  }
0xbd: {  	s0 =	sadd.s32 $0x8F2B, s0  }
0xbe: {  	[sflag:s0] =	ssyncadd.remote.s32 $0x1  }
0xbf: {  	_ =	sfence.sel $0xFFFF  }
0xc0: {  	[dreg:$0x0] =	wrdreg $0xFFFFFFFF;
	(pc) =	sbr.abs _section_cstart, $3  }
0xc1: {  	[dreg:$0x1] =	wrdreg $0xFFFFFFFF  }
0xc2: {  	_ =	task.clear_ibuf [dreg:s7], $0x2FFFF;
	_ =	strace $0x9FFFFFFF  }
0xc3: {  	(tm) =	ssettm $0x7FFFFFFF  }
tec
execute0_lowered:
.L_overlay_start_1:
0x0: {  	(tag) =	ssettag $0x1  }
0x1: {  	s1 =	rddreg [dreg:$0x0]  }
0x2: {  	s5 =	rddreg [dreg:$0x1]  }
0x3: {  	s0 =	srdreg.scid;
	s3 =	rddreg [dreg:$0x2]  }
0x4: {  	s4 =	simm.s32 $0x0;
	s21 =	simm.s32 $0x80;
	s22 =	simm.s32 $0x1  }
0x5: {  	s23 =	simm.s32 $0x0;
	s7 =	sand.u32 $0x1, s0;
	s0 =	stileid.u32  }
0x6: {  	[smem:$0x7FF] =	sst s4;
	s16 =	sadd.s32 $0x16A00, s5;
	s8 =	smul.u32 $0x50000, s0  }
0x7: {  	s2 =	sshll.u32 s7, $0x4;
	s9 =	ssub.s32 $0x2, s7;
	s11 =	smul.u32 $0x14000, s0  }
0x8: {  	s19 =	smul.u32 $0x140000, s7;
	s6 =	sor.u32 s0, s2;
	s2 =	rddreg [dreg:$0x3]  }
0x9: {  	_ =	strace $0x8000004A;
	s29 =	sshrl.u32 s9, $0x1;
	s6 =	smul.u32 $0x500, s6  }
0xa: {  	s17 =	ssub.s32 s9, s29;
	s30 =	sshrl.u32 s8, $0x2;
	s13 =	sadd.s32 $0x4000, s11  }
0xb: {  	s14 =	sadd.s32 $0x8000, s11;
	s15 =	sadd.s32 $0xC000, s11;
	s18 =	sadd.s32 $0x10000, s11  }
0xc: {  	s20 =	sadd.s32 s11, s19;
	s7 =	sadd.s32 s14, s3;
	s8 =	sadd.s32 s15, s3  }
0xd: {  	s9 =	sadd.s32 s18, s3;
	s31 =	sshrl.u32 s20, $0x3;
	s14 =	sadd.s32 s19, s14  }
0xe: {  	s15 =	sadd.s32 s19, s15;
	s18 =	sadd.s32 s19, s18;
	s17 =	smax.u32 s17, $0x1  }
0xf: {  	s20 =	simm.s32 $0x2800;
	s12 =	sadd.s32 s6, s5;
	s5 =	sadd.s32 s30, s3  }
0x10: {  	s6 =	sadd.s32 s13, s3;
	s13 =	sadd.s32 s19, s13;
	s14 =	sshrl.u32 s14, $0x3  }
0x11: {  	s15 =	sshrl.u32 s15, $0x3;
	s18 =	sshrl.u32 s18, $0x3;
	s19 =	simm.s32 $0x2  }
0x12: {  	s10 =	sadd.s32 $0xCA00, s12;
	s11 =	sadd.s32 $0x2A00, s12;
	s13 =	sshrl.u32 s13, $0x3  }
0x13: {  	s12 =	sadd.s32 s16, s31;
	s14 =	sadd.s32 s16, s14;
	s15 =	sadd.s32 s16, s15  }
0x14: {  	v0 =	vimm.f32 $0.0e+00;
	s13 =	sadd.s32 s16, s13;
	s16 =	sadd.s32 s16, s18;
	s18 =	simm.s32 $0x5000  }
.LBB2_1:
0x15: {  	s24 =	simm.s32 $0x0;
	s25 =	simm.s32 $0x200  }
.LBB2_2:
0x16: {  	p0 =	sne.s32 s25, $0xFE00;
	[tilespmem:s24+$0x5070] =	vst v0  }
0x17: {  	[tilespmem:s24+$0x5000] =	vst v0  }
0x18: {  	[tilespmem:s24+$0x5010] =	vst v0  }
.Ltmp0:
0x19: {  	[tilespmem:s24+$0x5020] =	vst v0;
	(pc) =	sbr.rel @p0 .LBB2_2-.Ltmp0, $4  }
0x1a: {  	[tilespmem:s24+$0x5030] =	vst v0  }
0x1b: {  	[tilespmem:s24+$0x5040] =	vst v0  }
0x1c: {  	[tilespmem:s24+$0x5050] =	vst v0  }
0x1d: {  	[tilespmem:s24+$0x5060] =	vst v0;
	s24 =	sshra.s32 s25, $0x2;
	s25 =	sadd.s32 $0x200, s25  }
0x1e: {  	[tilespmem:s24+$0x5070] =	vst v0  }
0x1f: {  	[tilespmem:s24+$0x5000] =	vst v0  }
0x20: {  	[tilespmem:s24+$0x5010] =	vst v0  }
0x21: {  	[tilespmem:s24+$0x5020] =	vst v0  }
0x22: {  	[tilespmem:s24+$0x5030] =	vst v0  }
0x23: {  	[tilespmem:s24+$0x5040] =	vst v0  }
0x24: {  	[tilespmem:s24+$0x5050] =	vst v0  }
0x25: {  	[tilespmem:s24+$0x5060] =	vst v0  }
0x26: {  	[spmem:s5] =	stream.linear.scatter [tilespmem:s18], [sflag:$0x2], $0x4000, $0x38;
	[tilespmem:$0x1D000] =	vst v63  }
0x27: {  	_ =	swait.ge [sflag:s19], $0x4000  }
0x28: {  	[sflag:s19] =	ssyncset.done $0x0  }
0x29: {  	[sflag:s19] =	ssyncadd.s32 $0xFFFFC000  }
0x2a: {  	[spmem:s6] =	stream.linear.scatter [tilespmem:s18], [sflag:$0x2], $0x4000, $0x38;
	[tilespmem:$0x1D000] =	vst v63  }
0x2b: {  	_ =	swait.ge [sflag:s19], $0x4000  }
0x2c: {  	[sflag:s19] =	ssyncset.done $0x0  }
0x2d: {  	[sflag:s19] =	ssyncadd.s32 $0xFFFFC000  }
0x2e: {  	[spmem:s7] =	stream.linear.scatter [tilespmem:s18], [sflag:$0x2], $0x4000, $0x38;
	[tilespmem:$0x1D000] =	vst v63  }
0x2f: {  	_ =	swait.ge [sflag:s19], $0x4000  }
0x30: {  	[sflag:s19] =	ssyncset.done $0x0  }
0x31: {  	[sflag:s19] =	ssyncadd.s32 $0xFFFFC000  }
0x32: {  	[spmem:s8] =	stream.linear.scatter [tilespmem:s18], [sflag:$0x2], $0x4000, $0x38;
	[tilespmem:$0x1D000] =	vst v63  }
0x33: {  	_ =	swait.ge [sflag:s19], $0x4000  }
0x34: {  	[sflag:s19] =	ssyncset.done $0x0  }
0x35: {  	[sflag:s19] =	ssyncadd.s32 $0xFFFFC000  }
0x36: {  	[spmem:s9] =	stream.linear.scatter [tilespmem:s18], [sflag:$0x2], $0x4000, $0x38;
	[tilespmem:$0x1D000] =	vst v63  }
0x37: {  	_ =	swait.ge [sflag:s19], $0x4000  }
0x38: {  	[sflag:s19] =	ssyncset.done $0x0  }
0x39: {  	[sflag:s19] =	ssyncadd.s32 $0xFFFFC000  }
0x3a: {  	s29 =	simm.s32 $0x0;
	[bflag:$0x0] =	sbarrier.arrive $0xFFFF  }
0x3b: {  	[tilespmem:s29], [sflag:$0x2] =	stream.linear.gather [hbm4b:s10+s29], $0x2780, $0x38;
	[tilespmem:$0x1D000] =	vst v63  }
0x3c: {  	_ =	swait.ge [sflag:s19], $0x2780  }
0x3d: {  	[sflag:s19] =	ssyncset.done $0x0  }
0x3e: {  	[sflag:s19] =	ssyncadd.s32 $0xFFFFD880  }
0x3f: {  	[tilespmem:s20], [sflag:$0x2] =	stream.linear.gather [hbm4b:s11+s29], $0x2780, $0x38;
	[tilespmem:$0x1D000] =	vst v63  }
0x40: {  	_ =	swait.ge [sflag:s19], $0x2780  }
0x41: {  	[sflag:s19] =	ssyncset.done $0x0  }
0x42: {  	s30 =	simm.s32 $0x0;
	[sflag:s19] =	ssyncadd.s32 $0xFFFFD880  }
0x43: {  	[tilespmem:s18], [sflag:$0x1] =	stream.indirect.gather [hbm4b:s1+s21], $0x80, s30, s21, $0xb8;
	[tilespmem:$0x1D000] =	vst v63  }
0x44: {  	_ =	swait.ge [sflag:s22], $0x4000  }
0x45: {  	[sflag:s22] =	ssyncset.done $0x0  }
0x46: {  	s31 =	simm.s32 $0x2800;
	[sflag:s22] =	ssyncadd.s32 $0xFFFFC000  }
0x47: {  	[spmem:s3] =	stream.indirect.scatter.add.f32 [tilespmem:s18], [sflag:$0x2], $0x80, s31, s21, $0xb8;
	[tilespmem:$0x1D000] =	vst v63  }
0x48: {  	_ =	swait.ge [sflag:s19], $0x4000  }
0x49: {  	s24 =	simm.s32 $0x200;
	s25 =	simm.s32 $0x400;
	[sflag:s19] =	ssyncset.done $0x0  }
.LBB2_4:
0x4a: {  	s26 =	sshra.s32 s24, $0x2  }
0x4b: {  	[sflag:s19] =	ssyncadd.s32 $0xFFFFC000;
	s24 =	smov.u32 s25;
	s28 =	sadd.s32 $0x200, s25  }
0x4c: {  	[tilespmem:s18], [sflag:$0x1] =	stream.indirect.gather [hbm4b:s1+s21], $0x80, s26, s21, $0xb8;
	[tilespmem:$0x1D000] =	vst v63  }
0x4d: {  	p0 =	sne.s32 s25, $0x9C00;
	_ =	swait.ge [sflag:s22], $0x4000  }
.Ltmp1:
0x4e: {  	[sflag:s22] =	ssyncset.done $0x0;
	(pc) =	sbr.rel @p0 .LBB2_4-.Ltmp1, $4  }
0x4f: {  	s25 =	sadd.s32 $0x2800, s26;
	[sflag:s22] =	ssyncadd.s32 $0xFFFFC000  }
0x50: {  	[spmem:s3] =	stream.indirect.scatter.add.f32 [tilespmem:s18], [sflag:$0x2], $0x80, s25, s21, $0xb8;
	[tilespmem:$0x1D000] =	vst v63  }
0x51: {  	_ =	swait.ge [sflag:s19], $0x4000  }
0x52: {  	s25 =	smov.u32 s28;
	[sflag:s19] =	ssyncset.done $0x0  }
0x53: {  	s24 =	sshra.s32 s24, $0x2;
	[sflag:s19] =	ssyncadd.s32 $0xFFFFC000  }
0x54: {  	[tilespmem:s18], [sflag:$0x1] =	stream.indirect.gather [hbm4b:s1+s21], $0x80, s24, s21, $0xb8;
	[tilespmem:$0x1D000] =	vst v63  }
0x55: {  	_ =	swait.ge [sflag:s22], $0x4000  }
0x56: {  	[sflag:s22] =	ssyncset.done $0x0  }
0x57: {  	s24 =	sadd.s32 $0x2800, s24;
	[sflag:s22] =	ssyncadd.s32 $0xFFFFC000  }
0x58: {  	[spmem:s3] =	stream.indirect.scatter.add.f32 [tilespmem:s18], [sflag:$0x2], $0x80, s24, s21, $0xb8;
	[tilespmem:$0x1D000] =	vst v63  }
0x59: {  	_ =	swait.ge [sflag:s19], $0x4000  }
0x5a: {  	[sflag:s19] =	ssyncset.done $0x0  }
0x5b: {  	[sflag:s19] =	ssyncadd.s32 $0xFFFFC000  }
0x5c: {  	[bflag:$0x0] =	sbarrier.arrive $0xFFFF  }
0x5d: {  	[tilespmem:s18], [sflag:$0x2] =	stream.linear.gather [spmem:s5], $0x4000, $0x38;
	[tilespmem:$0x1D000] =	vst v63  }
0x5e: {  	_ =	swait.ge [sflag:s19], $0x4000  }
0x5f: {  	[sflag:s19] =	ssyncset.done $0x0  }
0x60: {  	[sflag:s19] =	ssyncadd.s32 $0xFFFFC000  }
0x61: {  	[hbm4b:s12+s4] =	stream.linear.scatter [tilespmem:s18], [sflag:$0x2], $0x4000, $0x38;
	[tilespmem:$0x1D000] =	vst v63  }
0x62: {  	_ =	swait.ge [sflag:s19], $0x4000  }
0x63: {  	[sflag:s19] =	ssyncset.done $0x0  }
0x64: {  	[sflag:s19] =	ssyncadd.s32 $0xFFFFC000  }
0x65: {  	[tilespmem:s18], [sflag:$0x2] =	stream.linear.gather [spmem:s6], $0x4000, $0x38;
	[tilespmem:$0x1D000] =	vst v63  }
0x66: {  	_ =	swait.ge [sflag:s19], $0x4000  }
0x67: {  	[sflag:s19] =	ssyncset.done $0x0  }
0x68: {  	[sflag:s19] =	ssyncadd.s32 $0xFFFFC000  }
0x69: {  	[hbm4b:s13+s4] =	stream.linear.scatter [tilespmem:s18], [sflag:$0x2], $0x4000, $0x38;
	[tilespmem:$0x1D000] =	vst v63  }
0x6a: {  	_ =	swait.ge [sflag:s19], $0x4000  }
0x6b: {  	[sflag:s19] =	ssyncset.done $0x0  }
0x6c: {  	[sflag:s19] =	ssyncadd.s32 $0xFFFFC000  }
0x6d: {  	[tilespmem:s18], [sflag:$0x2] =	stream.linear.gather [spmem:s7], $0x4000, $0x38;
	[tilespmem:$0x1D000] =	vst v63  }
0x6e: {  	_ =	swait.ge [sflag:s19], $0x4000  }
0x6f: {  	[sflag:s19] =	ssyncset.done $0x0  }
0x70: {  	[sflag:s19] =	ssyncadd.s32 $0xFFFFC000  }
0x71: {  	[hbm4b:s14+s4] =	stream.linear.scatter [tilespmem:s18], [sflag:$0x2], $0x4000, $0x38;
	[tilespmem:$0x1D000] =	vst v63  }
0x72: {  	_ =	swait.ge [sflag:s19], $0x4000  }
0x73: {  	[sflag:s19] =	ssyncset.done $0x0  }
0x74: {  	[sflag:s19] =	ssyncadd.s32 $0xFFFFC000  }
0x75: {  	[tilespmem:s18], [sflag:$0x2] =	stream.linear.gather [spmem:s8], $0x4000, $0x38;
	[tilespmem:$0x1D000] =	vst v63  }
0x76: {  	_ =	swait.ge [sflag:s19], $0x4000  }
0x77: {  	[sflag:s19] =	ssyncset.done $0x0  }
0x78: {  	[sflag:s19] =	ssyncadd.s32 $0xFFFFC000  }
0x79: {  	[hbm4b:s15+s4] =	stream.linear.scatter [tilespmem:s18], [sflag:$0x2], $0x4000, $0x38;
	[tilespmem:$0x1D000] =	vst v63  }
0x7a: {  	_ =	swait.ge [sflag:s19], $0x4000  }
0x7b: {  	[sflag:s19] =	ssyncset.done $0x0  }
0x7c: {  	[sflag:s19] =	ssyncadd.s32 $0xFFFFC000  }
0x7d: {  	[tilespmem:s18], [sflag:$0x2] =	stream.linear.gather [spmem:s9], $0x4000, $0x38;
	[tilespmem:$0x1D000] =	vst v63  }
0x7e: {  	s23 =	sadd.s32 $0x1, s23;
	_ =	swait.ge [sflag:s19], $0x4000  }
0x7f: {  	p0 =	sne.s32 s23, s17;
	[sflag:s19] =	ssyncset.done $0x0  }
.Ltmp2:
0x80: {  	[sflag:s19] =	ssyncadd.s32 $0xFFFFC000;
	(pc) =	sbr.rel @p0 .LBB2_1-.Ltmp2, $4  }
0x81: {  	[hbm4b:s16+s4] =	stream.linear.scatter [tilespmem:s18], [sflag:$0x2], $0x4000, $0x38;
	[tilespmem:$0x1D000] =	vst v63  }
0x82: {  	_ =	swait.ge [sflag:s19], $0x4000  }
0x83: {  	[sflag:s19] =	ssyncset.done $0x0  }
0x84: {  	[sflag:s19] =	ssyncadd.s32 $0xFFFFC000  }
0x85: {  	_ =	sfence.sel $0x180000  }
0x86: {  	[bflag:$0x0] =	sbarrier.arrive $0xFFFF  }
0x87: {  	p0 =	sne.s32 s0, $0x0;
	_ =	strace $0x9000004A  }
0x88: {  	s0 =	sadd.s32 @!p0 $0x100000, s2;
	[bflag:$0x2] =	sbarrier.arrive $0xFFFF  }
0x89: {  	[sflag:s0] =	ssyncadd.tile.s32 @!p0 $0x1;
	_ =	shalt  }
.Lfunc_end2:
_tile_overlayer_lowered:
.L_overlay_start_2:
0x8a: {  	(tag) =	ssettag $0x2  }
0x8b: {  	s0 =	rddreg [dreg:$0x0];
	s2 =	stileid.u32  }
0x8c: {  	s1 =	rddreg [dreg:$0x1];
	p0 =	sne.s32 s2, $0x0  }
0x8d: {  	s3 =	rddreg [dreg:$0x2];
	[bflag:$0x3] =	sbarrier.arrive $0xFFFF;
	s2 =	simm.s32 @!p0 $0x1C02  }
0x8e: {  	[timem:s3], [sflag:s2] =	dma.local @!p0 [hbm:s0], s1  }
0x8f: {  	s0 =	simm.s32 @!p0 $0x2  }
0x90: {  	_ =	swait.ge @!p0 [sflag:s0], s1  }
0x91: {  	s1 =	ssub.s32 @!p0 $0x0, s1;
	[sflag:s0] =	ssyncset.done @!p0 $0x0  }
0x92: {  	[sflag:s0] =	ssyncadd.s32 @!p0 s1  }
0x93: {  	[bflag:$0x3] =	sbarrier.arrive $0xFFFF  }
0x94: {  	_ =	shalt  }

// kernel: kernel.15.cloned.1.call-start
scs
__scs_entry_jumppad:
0x0: {  	(pc) =	sbr.rel $0x88, $3  }
0x1: {  	(tag) =	ssettag $0x0;
	lr =	simm.s32 $0x1  }
0x2: {  	[smem:$0x3F9B] =	sst lr;
	_ =	strace $0xD0000000  }
0x3: {  	_ = 	snop  }
0x4: {  	_ = 	snop  }
0x5: {  	_ = 	snop  }
0x6: {  	_ = 	snop  }
0x7: {  	_ = 	snop  }
__scs_overlays_trampoline_lowered:
0x8: {  	[smem:$0x3FAA] =	sst s0  }
0x9: {  	[smem:$0x3FAB] =	sst s1  }
0xa: {  	[smem:$0x3FAC] =	sst s2  }
0xb: {  	[smem:$0x3FAD] =	sst s3  }
0xc: {  	[smem:$0x3FAE] =	sst s4  }
0xd: {  	[smem:$0x3FAF] =	sst s5  }
0xe: {  	[smem:$0x3FB0] =	sst s6  }
0xf: {  	[smem:$0x3FB1] =	sst s7  }
0x10: {  	[smem:$0x3FB2] =	sst s8  }
0x11: {  	[smem:$0x3FB3] =	sst s9;
	s0 =	simm.s32 @!p0 $0x0  }
0x12: {  	s1 =	sld [smem:$0x3F99];
	s0 =	simm.s32 @p0 $0x1  }
0x13: {  	[smem:$0x3FB4] =	sst s0;
	s0 =	simm.s32 @!p1 $0x0  }
0x14: {  	s2 =	sld [smem:$0x3F98];
	s0 =	simm.s32 @p1 $0x1  }
0x15: {  	[smem:$0x3FB5] =	sst s0;
	s0 =	simm.s32 @!p2 $0x0  }
0x16: {  	s3 =	sld [smem:$0x3FDB];
	s0 =	simm.s32 @p2 $0x1  }
0x17: {  	s4 =	simm.s32 $0x1BF5;
	[smem:$0x3FB7] =	sst s0  }
0x18: {  	s0 =	sld [smem:$0x3F9A];
	_ =	swait.ge [sflag:s4], $0x0  }
0x19: {  	s7 =	sld [smem:$0x3F9B]  }
0x1a: {  	s8 =	sadd.s32 $0xFFFFE003, lr  }
0x1b: {  	s9 =	sadd.s32 $0xFFFFFEF7, lr;
	s5 =	simm.s32 $0xFFFFFFFF;
	p2 =	slt.u32 s8, $0xFFFFF086  }
0x1c: {  	p1 =	slt.u32 s9, $0xF7A;
	s5 =	simm.s32 @!p2 $0x0  }
0x1d: {  	s5 =	simm.s32 @p1 $0x1;
	p0 =	seq.s32 s7, s2  }
0x1e: {  	s7 =	smul.u32 @!p0 $0xF7A, s2;
	p2 =	seq.s32 @!p0 s5, $0x0  }
0x1f: {  	s9 =	smul.u32 $0xF7A, s1;
	s8 =	simm.s32 @!p0 $0x1BF5;
	p2 =	por !p2, p0  }
0x20: {  	[sflag:s8] =	ssyncset.s32 @!p0 $0xFFFFF086;
	s6 =	sadd.s32 @!p0 s3, s7;
	s7 =	simm.s32 @!p0 $0x108  }
0x21: {  	s3 =	sadd.s32 s3, s9;
	s6 =	sadd.s32 @!p0 $0x88, s6;
	s7 =	simm.s32 @p2 $0x1082  }
0x22: {  	[simem:s7], [sflag:s8] =	dma.local @!p0 [hbm:s6], $0xF7A  }
0x23: {  	s9 =	sor.u32 $0xD0000000, s2;
	s6 =	simm.s32 $0x108;
	_ =	swait.ge @!p0 [sflag:s8], $0x0  }
0x24: {  	s3 =	sadd.s32 $0x88, s3;
	s6 =	simm.s32 @!p1 $0x1082;
	[sflag:s4] =	ssyncset.s32 $0xFFFFF086  }
0x25: {  	[simem:s6], [sflag:s4] =	dma.local [hbm:s3], $0xF7A  }
0x26: {  	[smem:$0x3F9B] =	sst s1;
	(tag) =	ssettag s2;
	_ =	strace s9  }
0x27: {  	s1 =	sld [smem:$0x3FAB]  }
0x28: {  	s2 =	sld [smem:$0x3FAC]  }
0x29: {  	s4 =	sld [smem:$0x3FAE]  }
0x2a: {  	p0 =	seq.s32 s5, $0x0;
	s5 =	sld [smem:$0x3FAF]  }
0x2b: {  	s6 =	sld [smem:$0x3FB0]  }
0x2c: {  	s7 =	sld [smem:$0x3FB1]  }
0x2d: {  	s3 =	simm.s32 $0x108;
	s8 =	sld [smem:$0x3FB2]  }
0x2e: {  	s3 =	simm.s32 @!p0 $0x1082;
	s9 =	sld [smem:$0x3FB3]  }
0x2f: {  	lr =	sadd.s32 s0, s3;
	s0 =	sld [smem:$0x3FAA]  }
0x30: {  	s3 =	sld [smem:$0x3FAD]  }
0x31: {  	[smem:$0x3FB6] =	sst s10  }
0x32: {  	s10 =	sld [smem:$0x3FB4];
	_ =	sdelay $0x3  }
0x33: {  	p0 =	seq.s32 s10, $0x1;
	s10 =	sld [smem:$0x3FB6];
	_ =	sdelay $0x3  }
0x34: {  	[smem:$0x3FB6] =	sst s10  }
0x35: {  	s10 =	sld [smem:$0x3FB5];
	_ =	sdelay $0x3  }
0x36: {  	p1 =	seq.s32 s10, $0x1;
	s10 =	sld [smem:$0x3FB6];
	_ =	sdelay $0x3  }
0x37: {  	[smem:$0x3FB6] =	sst s10  }
0x38: {  	s10 =	sld [smem:$0x3FB7]  }
0x39: {  	_ = 	snop;
	(pc) =	sbr.ind lr, $3  }
0x3a: {  	_ = 	snop  }
0x3b: {  	_ = 	snop  }
0x3c: {  	p2 =	seq.s32 s10, $0x1;
	s10 =	sld [smem:$0x3FB6]  }
0x3d: {  	_ =	shalt  }
0x3e: {  	_ =	shalt  }
0x3f: {  	_ =	shalt  }
0x40: {  	_ =	shalt  }
0x41: {  	_ =	shalt  }
0x42: {  	_ =	shalt  }
0x43: {  	_ =	shalt  }
0x44: {  	_ =	shalt  }
0x45: {  	_ =	shalt  }
0x46: {  	_ =	shalt  }
0x47: {  	_ =	shalt  }
0x48: {  	_ =	shalt  }
0x49: {  	_ =	shalt  }
0x4a: {  	_ =	shalt  }
0x4b: {  	_ =	shalt  }
0x4c: {  	_ =	shalt  }
0x4d: {  	_ =	shalt  }
0x4e: {  	_ =	shalt  }
0x4f: {  	_ =	shalt  }
0x50: {  	_ =	shalt  }
0x51: {  	_ =	shalt  }
0x52: {  	_ =	shalt  }
0x53: {  	_ =	shalt  }
0x54: {  	_ =	shalt  }
0x55: {  	_ =	shalt  }
0x56: {  	_ =	shalt  }
0x57: {  	_ =	shalt  }
0x58: {  	_ =	shalt  }
0x59: {  	_ =	shalt  }
0x5a: {  	_ =	shalt  }
0x5b: {  	_ =	shalt  }
0x5c: {  	_ =	shalt  }
0x5d: {  	_ =	shalt  }
0x5e: {  	_ =	shalt  }
0x5f: {  	_ =	shalt  }
0x60: {  	_ =	shalt  }
0x61: {  	_ =	shalt  }
0x62: {  	_ =	shalt  }
0x63: {  	_ =	shalt  }
0x64: {  	_ =	shalt  }
0x65: {  	_ =	shalt  }
0x66: {  	_ =	shalt  }
0x67: {  	_ =	shalt  }
0x68: {  	_ =	shalt  }
0x69: {  	_ =	shalt  }
0x6a: {  	_ =	shalt  }
0x6b: {  	_ =	shalt  }
0x6c: {  	_ =	shalt  }
0x6d: {  	_ =	shalt  }
0x6e: {  	_ =	shalt  }
0x6f: {  	_ =	shalt  }
0x70: {  	_ =	shalt  }
0x71: {  	_ =	shalt  }
0x72: {  	_ =	shalt  }
0x73: {  	_ =	shalt  }
0x74: {  	_ =	shalt  }
0x75: {  	_ =	shalt  }
0x76: {  	_ =	shalt  }
0x77: {  	_ =	shalt  }
0x78: {  	_ =	shalt  }
0x79: {  	_ =	shalt  }
0x7a: {  	_ =	shalt  }
0x7b: {  	_ =	shalt  }
0x7c: {  	_ =	shalt  }
0x7d: {  	_ =	shalt  }
0x7e: {  	_ =	shalt  }
0x7f: {  	_ =	shalt  }
0x80: {  	_ =	shalt  }
0x81: {  	_ =	shalt  }
0x82: {  	_ =	shalt  }
0x83: {  	_ =	shalt  }
0x84: {  	_ =	shalt  }
0x85: {  	_ =	shalt  }
0x86: {  	_ =	shalt  }
0x87: {  	_ =	shalt  }
.Lfunc_end0:
.L_simem_size_0:
called_computation.2_lowered:
.L_overlay_start_0:
0x88: {  	s2 =	sld [smem:$0x3FD9]  }
0x89: {  	s3 =	sld [smem:$0x3FFE];
	_ =	sdelay $0x1  }
0x8a: {  	s1 =	srdreg.scid  }
0x8b: {  	s0 =	sand.u32 $0x1, s1  }
0x8c: {  	s17 =	sshll.u32 s0, $0xA;
	s2 =	sadd.s32 s3, s2  }
0x8d: {  	s2 =	sadd.s32 s2, s17  }
0x8e: {  	[smem:$0x3FC2] =	sst s2  }
0x8f: {  	_ = 	snop  }
0x90: {  	s2 =	sld [smem:$0x3FD0];
	(tm) =	ssettm $0x1  }
0x91: {  	s18 =	sld [smem:$0x3FFB];
	_ =	sdelay $0x3  }
0x92: {  	_ =	strace s18  }
0x93: {  	s3 =	sld [smem:$0x3FFC];
	_ =	sdelay $0x3  }
0x94: {  	_ =	strace s3  }
0x95: {  	s3 =	sld [smem:$0x3FFD];
	_ =	sdelay $0x3  }
0x96: {  	_ =	strace s3  }
0x97: {  	_ =	strace $0x8FFFFFFF  }
0x98: {  	s19 =	sld [smem:$0x3FDB];
	_ =	sdelay $0x1  }
0x99: {  	s4 =	simm.s32 $_scs_section_size  }
0x9a: {  	s5 =	simm.s32 $_size__tile_overlayer_lowered;
	s6 =	simm.s32 $_tile_overlayer_lowered  }
0x9b: {  	s22 =	simm.s32 $0x1BFF;
	s21 =	sshll.u32 s6, $0x1;
	s3 =	sadd.s32 s4, s19  }
0x9c: {  	s7 =	simm.s32 $0x0;
	s20 =	sshll.u32 s5, $0x1;
	s5 =	sadd.s32 s21, s3  }
0x9d: {  	[timem:s7], [sflag:s22] =	dma.local [hbm:s5], s20  }
0x9e: {  	_ =	swait.ge [sflag:s22], s20  }
0x9f: {  	s4 =	ssub.s32 $0x0, s20;
	[sflag:s22] =	ssyncset.done $0x0  }
0xa0: {  	[sflag:s22] =	ssyncadd.s32 s4;
	_ =	sdelay $0x1  }
0xa1: {  	s23 =	simm.s32 $0x1B8B  }
0xa2: {  	_ =	swait.ge [sflag:s23], $0x1  }
0xa3: {  	[sflag:s23] =	ssyncset.done $0x0  }
0xa4: {  	s25 =	simm.s32 $0x1B8E;
	s24 =	sld [smem:$0x3FFE];
	[sflag:s23] =	ssyncadd.s32 $0xFFFFFFFF  }
0xa5: {  	s26 =	simm.s32 $execute0_lowered;
	[smem:$0x3FD2] =	sst s25  }
0xa6: {  	s5 =	sshll.u32 s26, $0x1;
	_ =	strace $0x8000004C;
	[dreg:$0x1] =	wrdreg $0xFFFFFFFF  }
0xa7: {  	s28 =	simm.s32 $_size_execute0_lowered;
	s3 =	sadd.s32 s3, s5;
	[dreg:$0x0] =	wrdreg $0x0  }
0xa8: {  	s5 =	sshll.u32 s28, $0x1;
	[dreg:$0x2] =	wrdreg s3  }
0xa9: {  	[dreg:$0x3] =	wrdreg s5  }
0xaa: {  	[dreg:$0x4] =	wrdreg $0xC0  }
0xab: {  	_ =	task [dreg:s7], $0x5FFFF  }
0xac: {  	[dreg:$0x1] =	wrdreg $0xFFFFFFFF  }
0xad: {  	[dreg:$0x0] =	wrdreg $0x60  }
0xae: {  	[dreg:$0x2] =	wrdreg s2  }
0xaf: {  	[dreg:$0x3] =	wrdreg s24  }
0xb0: {  	[dreg:$0x4] =	wrdreg $0x90000  }
0xb1: {  	[dreg:$0x5] =	wrdreg $0x9  }
0xb2: {  	_ =	task.clear_ibuf [dreg:s7], $0x6FFFF;
	_ =	strace $0x9000004C  }
0xb3: {  	s29 =	simm.s32 $0x9;
	_ =	strace $0x8000004E  }
0xb4: {  	_ =	swait.ge [sflag:s29], $0x1  }
0xb5: {  	[sflag:s29] =	ssyncadd.s32 $0xFFFFFFFF  }
0xb6: {  	_ =	strace $0x9000004E  }
0xb7: {  	_ =	sfence  }
0xb8: {  	s30 =	sld [smem:$0x0];
	_ =	sdelay $0x2  }
0xb9: {  	s31 =	sshll.u32 s1, $0xD;
	s1 =	sshrl.u32 s1, $0x2  }
0xba: {  	s3 =	sand.u32 $0x4000, s31;
	s1 =	sadd.s32 s1, s30  }
0xbb: {  	s0 =	sor.u32 s3, s0;
	s1 =	sshll.u32 s1, $0x11  }
0xbc: {  	s0 =	sor.u32 s1, s0  }
0xbd: {  	s0 =	sadd.s32 $0x8F2B, s0  }
0xbe: {  	[sflag:s0] =	ssyncadd.remote.s32 $0x1  }
0xbf: {  	_ =	sfence.sel $0xFFFF  }
0xc0: {  	[dreg:$0x0] =	wrdreg $0xFFFFFFFF;
	(pc) =	sbr.abs _section_cstart, $3  }
0xc1: {  	[dreg:$0x1] =	wrdreg $0xFFFFFFFF  }
0xc2: {  	_ =	task.clear_ibuf [dreg:s7], $0x2FFFF;
	_ =	strace $0x9FFFFFFF  }
0xc3: {  	(tm) =	ssettm $0x7FFFFFFF  }
tec
execute0_lowered:
.L_overlay_start_1:
0x0: {  	(tag) =	ssettag $0x1  }
0x1: {  	s1 =	rddreg [dreg:$0x0]  }
0x2: {  	s5 =	rddreg [dreg:$0x1]  }
0x3: {  	s0 =	srdreg.scid;
	s3 =	rddreg [dreg:$0x2]  }
0x4: {  	s4 =	simm.s32 $0x0;
	s21 =	simm.s32 $0x80;
	s22 =	simm.s32 $0x1  }
0x5: {  	s23 =	simm.s32 $0x0;
	s7 =	sand.u32 $0x1, s0;
	s0 =	stileid.u32  }
0x6: {  	[smem:$0x7FF] =	sst s4;
	s16 =	sadd.s32 $0x16A00, s5;
	s8 =	smul.u32 $0x50000, s0  }
0x7: {  	s2 =	sshll.u32 s7, $0x4;
	s9 =	ssub.s32 $0x2, s7;
	s11 =	smul.u32 $0x14000, s0  }
0x8: {  	s19 =	smul.u32 $0x140000, s7;
	s6 =	sor.u32 s0, s2;
	s2 =	rddreg [dreg:$0x3]  }
0x9: {  	_ =	strace $0x8000004D;
	s29 =	sshrl.u32 s9, $0x1;
	s6 =	smul.u32 $0x500, s6  }
0xa: {  	s17 =	ssub.s32 s9, s29;
	s30 =	sshrl.u32 s8, $0x2;
	s13 =	sadd.s32 $0x4000, s11  }
0xb: {  	s14 =	sadd.s32 $0x8000, s11;
	s15 =	sadd.s32 $0xC000, s11;
	s18 =	sadd.s32 $0x10000, s11  }
0xc: {  	s20 =	sadd.s32 s11, s19;
	s7 =	sadd.s32 s14, s3;
	s8 =	sadd.s32 s15, s3  }
0xd: {  	s9 =	sadd.s32 s18, s3;
	s31 =	sshrl.u32 s20, $0x3;
	s14 =	sadd.s32 s19, s14  }
0xe: {  	s15 =	sadd.s32 s19, s15;
	s18 =	sadd.s32 s19, s18;
	s17 =	smax.u32 s17, $0x1  }
0xf: {  	s20 =	simm.s32 $0x2800;
	s12 =	sadd.s32 s6, s5;
	s5 =	sadd.s32 s30, s3  }
0x10: {  	s6 =	sadd.s32 s13, s3;
	s13 =	sadd.s32 s19, s13;
	s14 =	sshrl.u32 s14, $0x3  }
0x11: {  	s15 =	sshrl.u32 s15, $0x3;
	s18 =	sshrl.u32 s18, $0x3;
	s19 =	simm.s32 $0x2  }
0x12: {  	s10 =	sadd.s32 $0xCA00, s12;
	s11 =	sadd.s32 $0x2A00, s12;
	s13 =	sshrl.u32 s13, $0x3  }
0x13: {  	s12 =	sadd.s32 s16, s31;
	s14 =	sadd.s32 s16, s14;
	s15 =	sadd.s32 s16, s15  }
0x14: {  	v0 =	vimm.f32 $0.0e+00;
	s13 =	sadd.s32 s16, s13;
	s16 =	sadd.s32 s16, s18;
	s18 =	simm.s32 $0x5000  }
.LBB2_1:
0x15: {  	s24 =	simm.s32 $0x0;
	s25 =	simm.s32 $0x200  }
.LBB2_2:
0x16: {  	p0 =	sne.s32 s25, $0xFE00;
	[tilespmem:s24+$0x5070] =	vst v0  }
0x17: {  	[tilespmem:s24+$0x5000] =	vst v0  }
0x18: {  	[tilespmem:s24+$0x5010] =	vst v0  }
.Ltmp0:
0x19: {  	[tilespmem:s24+$0x5020] =	vst v0;
	(pc) =	sbr.rel @p0 .LBB2_2-.Ltmp0, $4  }
0x1a: {  	[tilespmem:s24+$0x5030] =	vst v0  }
0x1b: {  	[tilespmem:s24+$0x5040] =	vst v0  }
0x1c: {  	[tilespmem:s24+$0x5050] =	vst v0  }
0x1d: {  	[tilespmem:s24+$0x5060] =	vst v0;
	s24 =	sshra.s32 s25, $0x2;
	s25 =	sadd.s32 $0x200, s25  }
0x1e: {  	[tilespmem:s24+$0x5070] =	vst v0  }
0x1f: {  	[tilespmem:s24+$0x5000] =	vst v0  }
0x20: {  	[tilespmem:s24+$0x5010] =	vst v0  }
0x21: {  	[tilespmem:s24+$0x5020] =	vst v0  }
0x22: {  	[tilespmem:s24+$0x5030] =	vst v0  }
0x23: {  	[tilespmem:s24+$0x5040] =	vst v0  }
0x24: {  	[tilespmem:s24+$0x5050] =	vst v0  }
0x25: {  	[tilespmem:s24+$0x5060] =	vst v0  }
0x26: {  	[spmem:s5] =	stream.linear.scatter [tilespmem:s18], [sflag:$0x2], $0x4000, $0x38;
	[tilespmem:$0x1D000] =	vst v63  }
0x27: {  	_ =	swait.ge [sflag:s19], $0x4000  }
0x28: {  	[sflag:s19] =	ssyncset.done $0x0  }
0x29: {  	[sflag:s19] =	ssyncadd.s32 $0xFFFFC000  }
0x2a: {  	[spmem:s6] =	stream.linear.scatter [tilespmem:s18], [sflag:$0x2], $0x4000, $0x38;
	[tilespmem:$0x1D000] =	vst v63  }
0x2b: {  	_ =	swait.ge [sflag:s19], $0x4000  }
0x2c: {  	[sflag:s19] =	ssyncset.done $0x0  }
0x2d: {  	[sflag:s19] =	ssyncadd.s32 $0xFFFFC000  }
0x2e: {  	[spmem:s7] =	stream.linear.scatter [tilespmem:s18], [sflag:$0x2], $0x4000, $0x38;
	[tilespmem:$0x1D000] =	vst v63  }
0x2f: {  	_ =	swait.ge [sflag:s19], $0x4000  }
0x30: {  	[sflag:s19] =	ssyncset.done $0x0  }
0x31: {  	[sflag:s19] =	ssyncadd.s32 $0xFFFFC000  }
0x32: {  	[spmem:s8] =	stream.linear.scatter [tilespmem:s18], [sflag:$0x2], $0x4000, $0x38;
	[tilespmem:$0x1D000] =	vst v63  }
0x33: {  	_ =	swait.ge [sflag:s19], $0x4000  }
0x34: {  	[sflag:s19] =	ssyncset.done $0x0  }
0x35: {  	[sflag:s19] =	ssyncadd.s32 $0xFFFFC000  }
0x36: {  	[spmem:s9] =	stream.linear.scatter [tilespmem:s18], [sflag:$0x2], $0x4000, $0x38;
	[tilespmem:$0x1D000] =	vst v63  }
0x37: {  	_ =	swait.ge [sflag:s19], $0x4000  }
0x38: {  	[sflag:s19] =	ssyncset.done $0x0  }
0x39: {  	[sflag:s19] =	ssyncadd.s32 $0xFFFFC000  }
0x3a: {  	s29 =	simm.s32 $0x0;
	[bflag:$0x0] =	sbarrier.arrive $0xFFFF  }
0x3b: {  	[tilespmem:s29], [sflag:$0x2] =	stream.linear.gather [hbm4b:s10+s29], $0x2780, $0x38;
	[tilespmem:$0x1D000] =	vst v63  }
0x3c: {  	_ =	swait.ge [sflag:s19], $0x2780  }
0x3d: {  	[sflag:s19] =	ssyncset.done $0x0  }
0x3e: {  	[sflag:s19] =	ssyncadd.s32 $0xFFFFD880  }
0x3f: {  	[tilespmem:s20], [sflag:$0x2] =	stream.linear.gather [hbm4b:s11+s29], $0x2780, $0x38;
	[tilespmem:$0x1D000] =	vst v63  }
0x40: {  	_ =	swait.ge [sflag:s19], $0x2780  }
0x41: {  	[sflag:s19] =	ssyncset.done $0x0  }
0x42: {  	s30 =	simm.s32 $0x0;
	[sflag:s19] =	ssyncadd.s32 $0xFFFFD880  }
0x43: {  	[tilespmem:s18], [sflag:$0x1] =	stream.indirect.gather [hbm4b:s1+s21], $0x80, s30, s21, $0xb8;
	[tilespmem:$0x1D000] =	vst v63  }
0x44: {  	_ =	swait.ge [sflag:s22], $0x4000  }
0x45: {  	[sflag:s22] =	ssyncset.done $0x0  }
0x46: {  	s31 =	simm.s32 $0x2800;
	[sflag:s22] =	ssyncadd.s32 $0xFFFFC000  }
0x47: {  	[spmem:s3] =	stream.indirect.scatter.add.f32 [tilespmem:s18], [sflag:$0x2], $0x80, s31, s21, $0xb8;
	[tilespmem:$0x1D000] =	vst v63  }
0x48: {  	_ =	swait.ge [sflag:s19], $0x4000  }
0x49: {  	s24 =	simm.s32 $0x200;
	s25 =	simm.s32 $0x400;
	[sflag:s19] =	ssyncset.done $0x0  }
.LBB2_4:
0x4a: {  	s26 =	sshra.s32 s24, $0x2  }
0x4b: {  	[sflag:s19] =	ssyncadd.s32 $0xFFFFC000;
	s24 =	smov.u32 s25;
	s28 =	sadd.s32 $0x200, s25  }
0x4c: {  	[tilespmem:s18], [sflag:$0x1] =	stream.indirect.gather [hbm4b:s1+s21], $0x80, s26, s21, $0xb8;
	[tilespmem:$0x1D000] =	vst v63  }
0x4d: {  	p0 =	sne.s32 s25, $0x9C00;
	_ =	swait.ge [sflag:s22], $0x4000  }
.Ltmp1:
0x4e: {  	[sflag:s22] =	ssyncset.done $0x0;
	(pc) =	sbr.rel @p0 .LBB2_4-.Ltmp1, $4  }
0x4f: {  	s25 =	sadd.s32 $0x2800, s26;
	[sflag:s22] =	ssyncadd.s32 $0xFFFFC000  }
0x50: {  	[spmem:s3] =	stream.indirect.scatter.add.f32 [tilespmem:s18], [sflag:$0x2], $0x80, s25, s21, $0xb8;
	[tilespmem:$0x1D000] =	vst v63  }
0x51: {  	_ =	swait.ge [sflag:s19], $0x4000  }
0x52: {  	s25 =	smov.u32 s28;
	[sflag:s19] =	ssyncset.done $0x0  }
0x53: {  	s24 =	sshra.s32 s24, $0x2;
	[sflag:s19] =	ssyncadd.s32 $0xFFFFC000  }
0x54: {  	[tilespmem:s18], [sflag:$0x1] =	stream.indirect.gather [hbm4b:s1+s21], $0x80, s24, s21, $0xb8;
	[tilespmem:$0x1D000] =	vst v63  }
0x55: {  	_ =	swait.ge [sflag:s22], $0x4000  }
0x56: {  	[sflag:s22] =	ssyncset.done $0x0  }
0x57: {  	s24 =	sadd.s32 $0x2800, s24;
	[sflag:s22] =	ssyncadd.s32 $0xFFFFC000  }
0x58: {  	[spmem:s3] =	stream.indirect.scatter.add.f32 [tilespmem:s18], [sflag:$0x2], $0x80, s24, s21, $0xb8;
	[tilespmem:$0x1D000] =	vst v63  }
0x59: {  	_ =	swait.ge [sflag:s19], $0x4000  }
0x5a: {  	[sflag:s19] =	ssyncset.done $0x0  }
0x5b: {  	[sflag:s19] =	ssyncadd.s32 $0xFFFFC000  }
0x5c: {  	[bflag:$0x0] =	sbarrier.arrive $0xFFFF  }
0x5d: {  	[tilespmem:s18], [sflag:$0x2] =	stream.linear.gather [spmem:s5], $0x4000, $0x38;
	[tilespmem:$0x1D000] =	vst v63  }
0x5e: {  	_ =	swait.ge [sflag:s19], $0x4000  }
0x5f: {  	[sflag:s19] =	ssyncset.done $0x0  }
0x60: {  	[sflag:s19] =	ssyncadd.s32 $0xFFFFC000  }
0x61: {  	[hbm4b:s12+s4] =	stream.linear.scatter [tilespmem:s18], [sflag:$0x2], $0x4000, $0x38;
	[tilespmem:$0x1D000] =	vst v63  }
0x62: {  	_ =	swait.ge [sflag:s19], $0x4000  }
0x63: {  	[sflag:s19] =	ssyncset.done $0x0  }
0x64: {  	[sflag:s19] =	ssyncadd.s32 $0xFFFFC000  }
0x65: {  	[tilespmem:s18], [sflag:$0x2] =	stream.linear.gather [spmem:s6], $0x4000, $0x38;
	[tilespmem:$0x1D000] =	vst v63  }
0x66: {  	_ =	swait.ge [sflag:s19], $0x4000  }
0x67: {  	[sflag:s19] =	ssyncset.done $0x0  }
0x68: {  	[sflag:s19] =	ssyncadd.s32 $0xFFFFC000  }
0x69: {  	[hbm4b:s13+s4] =	stream.linear.scatter [tilespmem:s18], [sflag:$0x2], $0x4000, $0x38;
	[tilespmem:$0x1D000] =	vst v63  }
0x6a: {  	_ =	swait.ge [sflag:s19], $0x4000  }
0x6b: {  	[sflag:s19] =	ssyncset.done $0x0  }
0x6c: {  	[sflag:s19] =	ssyncadd.s32 $0xFFFFC000  }
0x6d: {  	[tilespmem:s18], [sflag:$0x2] =	stream.linear.gather [spmem:s7], $0x4000, $0x38;
	[tilespmem:$0x1D000] =	vst v63  }
0x6e: {  	_ =	swait.ge [sflag:s19], $0x4000  }
0x6f: {  	[sflag:s19] =	ssyncset.done $0x0  }
0x70: {  	[sflag:s19] =	ssyncadd.s32 $0xFFFFC000  }
0x71: {  	[hbm4b:s14+s4] =	stream.linear.scatter [tilespmem:s18], [sflag:$0x2], $0x4000, $0x38;
	[tilespmem:$0x1D000] =	vst v63  }
0x72: {  	_ =	swait.ge [sflag:s19], $0x4000  }
0x73: {  	[sflag:s19] =	ssyncset.done $0x0  }
0x74: {  	[sflag:s19] =	ssyncadd.s32 $0xFFFFC000  }
0x75: {  	[tilespmem:s18], [sflag:$0x2] =	stream.linear.gather [spmem:s8], $0x4000, $0x38;
	[tilespmem:$0x1D000] =	vst v63  }
0x76: {  	_ =	swait.ge [sflag:s19], $0x4000  }
0x77: {  	[sflag:s19] =	ssyncset.done $0x0  }
0x78: {  	[sflag:s19] =	ssyncadd.s32 $0xFFFFC000  }
0x79: {  	[hbm4b:s15+s4] =	stream.linear.scatter [tilespmem:s18], [sflag:$0x2], $0x4000, $0x38;
	[tilespmem:$0x1D000] =	vst v63  }
0x7a: {  	_ =	swait.ge [sflag:s19], $0x4000  }
0x7b: {  	[sflag:s19] =	ssyncset.done $0x0  }
0x7c: {  	[sflag:s19] =	ssyncadd.s32 $0xFFFFC000  }
0x7d: {  	[tilespmem:s18], [sflag:$0x2] =	stream.linear.gather [spmem:s9], $0x4000, $0x38;
	[tilespmem:$0x1D000] =	vst v63  }
0x7e: {  	s23 =	sadd.s32 $0x1, s23;
	_ =	swait.ge [sflag:s19], $0x4000  }
0x7f: {  	p0 =	sne.s32 s23, s17;
	[sflag:s19] =	ssyncset.done $0x0  }
.Ltmp2:
0x80: {  	[sflag:s19] =	ssyncadd.s32 $0xFFFFC000;
	(pc) =	sbr.rel @p0 .LBB2_1-.Ltmp2, $4  }
0x81: {  	[hbm4b:s16+s4] =	stream.linear.scatter [tilespmem:s18], [sflag:$0x2], $0x4000, $0x38;
	[tilespmem:$0x1D000] =	vst v63  }
0x82: {  	_ =	swait.ge [sflag:s19], $0x4000  }
0x83: {  	[sflag:s19] =	ssyncset.done $0x0  }
0x84: {  	[sflag:s19] =	ssyncadd.s32 $0xFFFFC000  }
0x85: {  	_ =	sfence.sel $0x180000  }
0x86: {  	[bflag:$0x0] =	sbarrier.arrive $0xFFFF  }
0x87: {  	p0 =	sne.s32 s0, $0x0;
	_ =	strace $0x9000004D  }
0x88: {  	s0 =	sadd.s32 @!p0 $0x100000, s2;
	[bflag:$0x2] =	sbarrier.arrive $0xFFFF  }
0x89: {  	[sflag:s0] =	ssyncadd.tile.s32 @!p0 $0x1;
	_ =	shalt  }
.Lfunc_end2:
_tile_overlayer_lowered:
.L_overlay_start_2:
0x8a: {  	(tag) =	ssettag $0x2  }
0x8b: {  	s0 =	rddreg [dreg:$0x0];
	s2 =	stileid.u32  }
0x8c: {  	s1 =	rddreg [dreg:$0x1];
	p0 =	sne.s32 s2, $0x0  }
0x8d: {  	s3 =	rddreg [dreg:$0x2];
	[bflag:$0x3] =	sbarrier.arrive $0xFFFF;
	s2 =	simm.s32 @!p0 $0x1C02  }
0x8e: {  	[timem:s3], [sflag:s2] =	dma.local @!p0 [hbm:s0], s1  }
0x8f: {  	s0 =	simm.s32 @!p0 $0x2  }
0x90: {  	_ =	swait.ge @!p0 [sflag:s0], s1  }
0x91: {  	s1 =	ssub.s32 @!p0 $0x0, s1;
	[sflag:s0] =	ssyncset.done @!p0 $0x0  }
0x92: {  	[sflag:s0] =	ssyncadd.s32 @!p0 s1  }
0x93: {  	[bflag:$0x3] =	sbarrier.arrive $0xFFFF  }
0x94: {  	_ =	shalt  }

// kernel: kernel.9.cloned.1.call-start
scs
__scs_entry_jumppad:
0x0: {  	(pc) =	sbr.rel $0x88, $3  }
0x1: {  	(tag) =	ssettag $0x0;
	lr =	simm.s32 $0x1  }
0x2: {  	[smem:$0x3F9B] =	sst lr;
	_ =	strace $0xD0000000  }
0x3: {  	_ = 	snop  }
0x4: {  	_ = 	snop  }
0x5: {  	_ = 	snop  }
0x6: {  	_ = 	snop  }
0x7: {  	_ = 	snop  }
__scs_overlays_trampoline_lowered:
0x8: {  	[smem:$0x3FAA] =	sst s0  }
0x9: {  	[smem:$0x3FAB] =	sst s1  }
0xa: {  	[smem:$0x3FAC] =	sst s2  }
0xb: {  	[smem:$0x3FAD] =	sst s3  }
0xc: {  	[smem:$0x3FAE] =	sst s4  }
0xd: {  	[smem:$0x3FAF] =	sst s5  }
0xe: {  	[smem:$0x3FB0] =	sst s6  }
0xf: {  	[smem:$0x3FB1] =	sst s7  }
0x10: {  	[smem:$0x3FB2] =	sst s8  }
0x11: {  	[smem:$0x3FB3] =	sst s9;
	s0 =	simm.s32 @!p0 $0x0  }
0x12: {  	s1 =	sld [smem:$0x3F99];
	s0 =	simm.s32 @p0 $0x1  }
0x13: {  	[smem:$0x3FB4] =	sst s0;
	s0 =	simm.s32 @!p1 $0x0  }
0x14: {  	s2 =	sld [smem:$0x3F98];
	s0 =	simm.s32 @p1 $0x1  }
0x15: {  	[smem:$0x3FB5] =	sst s0;
	s0 =	simm.s32 @!p2 $0x0  }
0x16: {  	s3 =	sld [smem:$0x3FDB];
	s0 =	simm.s32 @p2 $0x1  }
0x17: {  	s4 =	simm.s32 $0x1BF5;
	[smem:$0x3FB7] =	sst s0  }
0x18: {  	s0 =	sld [smem:$0x3F9A];
	_ =	swait.ge [sflag:s4], $0x0  }
0x19: {  	s7 =	sld [smem:$0x3F9B]  }
0x1a: {  	s8 =	sadd.s32 $0xFFFFE003, lr  }
0x1b: {  	s9 =	sadd.s32 $0xFFFFFEF7, lr;
	s5 =	simm.s32 $0xFFFFFFFF;
	p2 =	slt.u32 s8, $0xFFFFF086  }
0x1c: {  	p1 =	slt.u32 s9, $0xF7A;
	s5 =	simm.s32 @!p2 $0x0  }
0x1d: {  	s5 =	simm.s32 @p1 $0x1;
	p0 =	seq.s32 s7, s2  }
0x1e: {  	s7 =	smul.u32 @!p0 $0xF7A, s2;
	p2 =	seq.s32 @!p0 s5, $0x0  }
0x1f: {  	s9 =	smul.u32 $0xF7A, s1;
	s8 =	simm.s32 @!p0 $0x1BF5;
	p2 =	por !p2, p0  }
0x20: {  	[sflag:s8] =	ssyncset.s32 @!p0 $0xFFFFF086;
	s6 =	sadd.s32 @!p0 s3, s7;
	s7 =	simm.s32 @!p0 $0x108  }
0x21: {  	s3 =	sadd.s32 s3, s9;
	s6 =	sadd.s32 @!p0 $0x88, s6;
	s7 =	simm.s32 @p2 $0x1082  }
0x22: {  	[simem:s7], [sflag:s8] =	dma.local @!p0 [hbm:s6], $0xF7A  }
0x23: {  	s9 =	sor.u32 $0xD0000000, s2;
	s6 =	simm.s32 $0x108;
	_ =	swait.ge @!p0 [sflag:s8], $0x0  }
0x24: {  	s3 =	sadd.s32 $0x88, s3;
	s6 =	simm.s32 @!p1 $0x1082;
	[sflag:s4] =	ssyncset.s32 $0xFFFFF086  }
0x25: {  	[simem:s6], [sflag:s4] =	dma.local [hbm:s3], $0xF7A  }
0x26: {  	[smem:$0x3F9B] =	sst s1;
	(tag) =	ssettag s2;
	_ =	strace s9  }
0x27: {  	s1 =	sld [smem:$0x3FAB]  }
0x28: {  	s2 =	sld [smem:$0x3FAC]  }
0x29: {  	s4 =	sld [smem:$0x3FAE]  }
0x2a: {  	p0 =	seq.s32 s5, $0x0;
	s5 =	sld [smem:$0x3FAF]  }
0x2b: {  	s6 =	sld [smem:$0x3FB0]  }
0x2c: {  	s7 =	sld [smem:$0x3FB1]  }
0x2d: {  	s3 =	simm.s32 $0x108;
	s8 =	sld [smem:$0x3FB2]  }
0x2e: {  	s3 =	simm.s32 @!p0 $0x1082;
	s9 =	sld [smem:$0x3FB3]  }
0x2f: {  	lr =	sadd.s32 s0, s3;
	s0 =	sld [smem:$0x3FAA]  }
0x30: {  	s3 =	sld [smem:$0x3FAD]  }
0x31: {  	[smem:$0x3FB6] =	sst s10  }
0x32: {  	s10 =	sld [smem:$0x3FB4];
	_ =	sdelay $0x3  }
0x33: {  	p0 =	seq.s32 s10, $0x1;
	s10 =	sld [smem:$0x3FB6];
	_ =	sdelay $0x3  }
0x34: {  	[smem:$0x3FB6] =	sst s10  }
0x35: {  	s10 =	sld [smem:$0x3FB5];
	_ =	sdelay $0x3  }
0x36: {  	p1 =	seq.s32 s10, $0x1;
	s10 =	sld [smem:$0x3FB6];
	_ =	sdelay $0x3  }
0x37: {  	[smem:$0x3FB6] =	sst s10  }
0x38: {  	s10 =	sld [smem:$0x3FB7]  }
0x39: {  	_ = 	snop;
	(pc) =	sbr.ind lr, $3  }
0x3a: {  	_ = 	snop  }
0x3b: {  	_ = 	snop  }
0x3c: {  	p2 =	seq.s32 s10, $0x1;
	s10 =	sld [smem:$0x3FB6]  }
0x3d: {  	_ =	shalt  }
0x3e: {  	_ =	shalt  }
0x3f: {  	_ =	shalt  }
0x40: {  	_ =	shalt  }
0x41: {  	_ =	shalt  }
0x42: {  	_ =	shalt  }
0x43: {  	_ =	shalt  }
0x44: {  	_ =	shalt  }
0x45: {  	_ =	shalt  }
0x46: {  	_ =	shalt  }
0x47: {  	_ =	shalt  }
0x48: {  	_ =	shalt  }
0x49: {  	_ =	shalt  }
0x4a: {  	_ =	shalt  }
0x4b: {  	_ =	shalt  }
0x4c: {  	_ =	shalt  }
0x4d: {  	_ =	shalt  }
0x4e: {  	_ =	shalt  }
0x4f: {  	_ =	shalt  }
0x50: {  	_ =	shalt  }
0x51: {  	_ =	shalt  }
0x52: {  	_ =	shalt  }
0x53: {  	_ =	shalt  }
0x54: {  	_ =	shalt  }
0x55: {  	_ =	shalt  }
0x56: {  	_ =	shalt  }
0x57: {  	_ =	shalt  }
0x58: {  	_ =	shalt  }
0x59: {  	_ =	shalt  }
0x5a: {  	_ =	shalt  }
0x5b: {  	_ =	shalt  }
0x5c: {  	_ =	shalt  }
0x5d: {  	_ =	shalt  }
0x5e: {  	_ =	shalt  }
0x5f: {  	_ =	shalt  }
0x60: {  	_ =	shalt  }
0x61: {  	_ =	shalt  }
0x62: {  	_ =	shalt  }
0x63: {  	_ =	shalt  }
0x64: {  	_ =	shalt  }
0x65: {  	_ =	shalt  }
0x66: {  	_ =	shalt  }
0x67: {  	_ =	shalt  }
0x68: {  	_ =	shalt  }
0x69: {  	_ =	shalt  }
0x6a: {  	_ =	shalt  }
0x6b: {  	_ =	shalt  }
0x6c: {  	_ =	shalt  }
0x6d: {  	_ =	shalt  }
0x6e: {  	_ =	shalt  }
0x6f: {  	_ =	shalt  }
0x70: {  	_ =	shalt  }
0x71: {  	_ =	shalt  }
0x72: {  	_ =	shalt  }
0x73: {  	_ =	shalt  }
0x74: {  	_ =	shalt  }
0x75: {  	_ =	shalt  }
0x76: {  	_ =	shalt  }
0x77: {  	_ =	shalt  }
0x78: {  	_ =	shalt  }
0x79: {  	_ =	shalt  }
0x7a: {  	_ =	shalt  }
0x7b: {  	_ =	shalt  }
0x7c: {  	_ =	shalt  }
0x7d: {  	_ =	shalt  }
0x7e: {  	_ =	shalt  }
0x7f: {  	_ =	shalt  }
0x80: {  	_ =	shalt  }
0x81: {  	_ =	shalt  }
0x82: {  	_ =	shalt  }
0x83: {  	_ =	shalt  }
0x84: {  	_ =	shalt  }
0x85: {  	_ =	shalt  }
0x86: {  	_ =	shalt  }
0x87: {  	_ =	shalt  }
.Lfunc_end0:
.L_simem_size_0:
called_computation_lowered:
.L_overlay_start_0:
0x88: {  	s2 =	sld [smem:$0x3FD9]  }
0x89: {  	s3 =	sld [smem:$0x3FFE];
	_ =	sdelay $0x1  }
0x8a: {  	s1 =	srdreg.scid  }
0x8b: {  	s0 =	sand.u32 $0x1, s1  }
0x8c: {  	s17 =	sshll.u32 s0, $0xA;
	s2 =	sadd.s32 s3, s2  }
0x8d: {  	s2 =	sadd.s32 s2, s17  }
0x8e: {  	[smem:$0x3FC2] =	sst s2  }
0x8f: {  	_ = 	snop  }
0x90: {  	s2 =	sld [smem:$0x3FD0];
	(tm) =	ssettm $0x1  }
0x91: {  	s18 =	sld [smem:$0x3FFB];
	_ =	sdelay $0x3  }
0x92: {  	_ =	strace s18  }
0x93: {  	s3 =	sld [smem:$0x3FFC];
	_ =	sdelay $0x3  }
0x94: {  	_ =	strace s3  }
0x95: {  	s3 =	sld [smem:$0x3FFD];
	_ =	sdelay $0x3  }
0x96: {  	_ =	strace s3  }
0x97: {  	_ =	strace $0x8FFFFFFF  }
0x98: {  	s19 =	sld [smem:$0x3FDB];
	_ =	sdelay $0x1  }
0x99: {  	s4 =	simm.s32 $_scs_section_size  }
0x9a: {  	s5 =	simm.s32 $_size__tile_overlayer_lowered;
	s6 =	simm.s32 $_tile_overlayer_lowered  }
0x9b: {  	s22 =	simm.s32 $0x1BFF;
	s21 =	sshll.u32 s6, $0x1;
	s3 =	sadd.s32 s4, s19  }
0x9c: {  	s7 =	simm.s32 $0x0;
	s20 =	sshll.u32 s5, $0x1;
	s5 =	sadd.s32 s21, s3  }
0x9d: {  	[timem:s7], [sflag:s22] =	dma.local [hbm:s5], s20  }
0x9e: {  	_ =	swait.ge [sflag:s22], s20  }
0x9f: {  	s4 =	ssub.s32 $0x0, s20;
	[sflag:s22] =	ssyncset.done $0x0  }
0xa0: {  	[sflag:s22] =	ssyncadd.s32 s4;
	_ =	sdelay $0x1  }
0xa1: {  	s23 =	simm.s32 $0x1B8B  }
0xa2: {  	_ =	swait.ge [sflag:s23], $0x1  }
0xa3: {  	[sflag:s23] =	ssyncset.done $0x0  }
0xa4: {  	s25 =	simm.s32 $0x1B8E;
	s24 =	sld [smem:$0x3FFE];
	[sflag:s23] =	ssyncadd.s32 $0xFFFFFFFF  }
0xa5: {  	s26 =	simm.s32 $execute0_lowered;
	[smem:$0x3FD2] =	sst s25  }
0xa6: {  	s5 =	sshll.u32 s26, $0x1;
	_ =	strace $0x80000046;
	[dreg:$0x1] =	wrdreg $0xFFFFFFFF  }
0xa7: {  	s28 =	simm.s32 $_size_execute0_lowered;
	s3 =	sadd.s32 s3, s5;
	[dreg:$0x0] =	wrdreg $0x0  }
0xa8: {  	s5 =	sshll.u32 s28, $0x1;
	[dreg:$0x2] =	wrdreg s3  }
0xa9: {  	[dreg:$0x3] =	wrdreg s5  }
0xaa: {  	[dreg:$0x4] =	wrdreg $0xC0  }
0xab: {  	_ =	task [dreg:s7], $0x5FFFF  }
0xac: {  	[dreg:$0x1] =	wrdreg $0xFFFFFFFF  }
0xad: {  	[dreg:$0x0] =	wrdreg $0x60  }
0xae: {  	[dreg:$0x2] =	wrdreg s2  }
0xaf: {  	[dreg:$0x3] =	wrdreg s24  }
0xb0: {  	[dreg:$0x4] =	wrdreg $0x90000  }
0xb1: {  	[dreg:$0x5] =	wrdreg $0x9  }
0xb2: {  	_ =	task.clear_ibuf [dreg:s7], $0x6FFFF;
	_ =	strace $0x90000046  }
0xb3: {  	s29 =	simm.s32 $0x9;
	_ =	strace $0x80000048  }
0xb4: {  	_ =	swait.ge [sflag:s29], $0x1  }
0xb5: {  	[sflag:s29] =	ssyncadd.s32 $0xFFFFFFFF  }
0xb6: {  	_ =	strace $0x90000048  }
0xb7: {  	_ =	sfence  }
0xb8: {  	s30 =	sld [smem:$0x0];
	_ =	sdelay $0x2  }
0xb9: {  	s31 =	sshll.u32 s1, $0xD;
	s1 =	sshrl.u32 s1, $0x2  }
0xba: {  	s3 =	sand.u32 $0x4000, s31;
	s1 =	sadd.s32 s1, s30  }
0xbb: {  	s0 =	sor.u32 s3, s0;
	s1 =	sshll.u32 s1, $0x11  }
0xbc: {  	s0 =	sor.u32 s1, s0  }
0xbd: {  	s0 =	sadd.s32 $0x8F2B, s0  }
0xbe: {  	[sflag:s0] =	ssyncadd.remote.s32 $0x1  }
0xbf: {  	_ =	sfence.sel $0xFFFF  }
0xc0: {  	[dreg:$0x0] =	wrdreg $0xFFFFFFFF;
	(pc) =	sbr.abs _section_cstart, $3  }
0xc1: {  	[dreg:$0x1] =	wrdreg $0xFFFFFFFF  }
0xc2: {  	_ =	task.clear_ibuf [dreg:s7], $0x2FFFF;
	_ =	strace $0x9FFFFFFF  }
0xc3: {  	(tm) =	ssettm $0x7FFFFFFF  }
tec
execute0_lowered:
.L_overlay_start_1:
0x0: {  	(tag) =	ssettag $0x1  }
0x1: {  	s1 =	rddreg [dreg:$0x0]  }
0x2: {  	s5 =	rddreg [dreg:$0x1]  }
0x3: {  	s0 =	srdreg.scid;
	s3 =	rddreg [dreg:$0x2]  }
0x4: {  	s4 =	simm.s32 $0x0;
	s21 =	simm.s32 $0x80;
	s22 =	simm.s32 $0x1  }
0x5: {  	s23 =	simm.s32 $0x0;
	s7 =	sand.u32 $0x1, s0;
	s0 =	stileid.u32  }
0x6: {  	[smem:$0x7FF] =	sst s4;
	s16 =	sadd.s32 $0x16A00, s5;
	s8 =	smul.u32 $0x50000, s0  }
0x7: {  	s2 =	sshll.u32 s7, $0x4;
	s9 =	ssub.s32 $0x2, s7;
	s11 =	smul.u32 $0x14000, s0  }
0x8: {  	s19 =	smul.u32 $0x140000, s7;
	s6 =	sor.u32 s0, s2;
	s2 =	rddreg [dreg:$0x3]  }
0x9: {  	_ =	strace $0x80000047;
	s29 =	sshrl.u32 s9, $0x1;
	s6 =	smul.u32 $0x500, s6  }
0xa: {  	s17 =	ssub.s32 s9, s29;
	s30 =	sshrl.u32 s8, $0x2;
	s13 =	sadd.s32 $0x4000, s11  }
0xb: {  	s14 =	sadd.s32 $0x8000, s11;
	s15 =	sadd.s32 $0xC000, s11;
	s18 =	sadd.s32 $0x10000, s11  }
0xc: {  	s20 =	sadd.s32 s11, s19;
	s7 =	sadd.s32 s14, s3;
	s8 =	sadd.s32 s15, s3  }
0xd: {  	s9 =	sadd.s32 s18, s3;
	s31 =	sshrl.u32 s20, $0x3;
	s14 =	sadd.s32 s19, s14  }
0xe: {  	s15 =	sadd.s32 s19, s15;
	s18 =	sadd.s32 s19, s18;
	s17 =	smax.u32 s17, $0x1  }
0xf: {  	s20 =	simm.s32 $0x2800;
	s12 =	sadd.s32 s6, s5;
	s5 =	sadd.s32 s30, s3  }
0x10: {  	s6 =	sadd.s32 s13, s3;
	s13 =	sadd.s32 s19, s13;
	s14 =	sshrl.u32 s14, $0x3  }
0x11: {  	s15 =	sshrl.u32 s15, $0x3;
	s18 =	sshrl.u32 s18, $0x3;
	s19 =	simm.s32 $0x2  }
0x12: {  	s10 =	sadd.s32 $0xCA00, s12;
	s11 =	sadd.s32 $0x2A00, s12;
	s13 =	sshrl.u32 s13, $0x3  }
0x13: {  	s12 =	sadd.s32 s16, s31;
	s14 =	sadd.s32 s16, s14;
	s15 =	sadd.s32 s16, s15  }
0x14: {  	v0 =	vimm.f32 $0.0e+00;
	s13 =	sadd.s32 s16, s13;
	s16 =	sadd.s32 s16, s18;
	s18 =	simm.s32 $0x5000  }
.LBB2_1:
0x15: {  	s24 =	simm.s32 $0x0;
	s25 =	simm.s32 $0x200  }
.LBB2_2:
0x16: {  	p0 =	sne.s32 s25, $0xFE00;
	[tilespmem:s24+$0x5070] =	vst v0  }
0x17: {  	[tilespmem:s24+$0x5000] =	vst v0  }
0x18: {  	[tilespmem:s24+$0x5010] =	vst v0  }
.Ltmp0:
0x19: {  	[tilespmem:s24+$0x5020] =	vst v0;
	(pc) =	sbr.rel @p0 .LBB2_2-.Ltmp0, $4  }
0x1a: {  	[tilespmem:s24+$0x5030] =	vst v0  }
0x1b: {  	[tilespmem:s24+$0x5040] =	vst v0  }
0x1c: {  	[tilespmem:s24+$0x5050] =	vst v0  }
0x1d: {  	[tilespmem:s24+$0x5060] =	vst v0;
	s24 =	sshra.s32 s25, $0x2;
	s25 =	sadd.s32 $0x200, s25  }
0x1e: {  	[tilespmem:s24+$0x5070] =	vst v0  }
0x1f: {  	[tilespmem:s24+$0x5000] =	vst v0  }
0x20: {  	[tilespmem:s24+$0x5010] =	vst v0  }
0x21: {  	[tilespmem:s24+$0x5020] =	vst v0  }
0x22: {  	[tilespmem:s24+$0x5030] =	vst v0  }
0x23: {  	[tilespmem:s24+$0x5040] =	vst v0  }
0x24: {  	[tilespmem:s24+$0x5050] =	vst v0  }
0x25: {  	[tilespmem:s24+$0x5060] =	vst v0  }
0x26: {  	[spmem:s5] =	stream.linear.scatter [tilespmem:s18], [sflag:$0x2], $0x4000, $0x38;
	[tilespmem:$0x1D000] =	vst v63  }
0x27: {  	_ =	swait.ge [sflag:s19], $0x4000  }
0x28: {  	[sflag:s19] =	ssyncset.done $0x0  }
0x29: {  	[sflag:s19] =	ssyncadd.s32 $0xFFFFC000  }
0x2a: {  	[spmem:s6] =	stream.linear.scatter [tilespmem:s18], [sflag:$0x2], $0x4000, $0x38;
	[tilespmem:$0x1D000] =	vst v63  }
0x2b: {  	_ =	swait.ge [sflag:s19], $0x4000  }
0x2c: {  	[sflag:s19] =	ssyncset.done $0x0  }
0x2d: {  	[sflag:s19] =	ssyncadd.s32 $0xFFFFC000  }
0x2e: {  	[spmem:s7] =	stream.linear.scatter [tilespmem:s18], [sflag:$0x2], $0x4000, $0x38;
	[tilespmem:$0x1D000] =	vst v63  }
0x2f: {  	_ =	swait.ge [sflag:s19], $0x4000  }
0x30: {  	[sflag:s19] =	ssyncset.done $0x0  }
0x31: {  	[sflag:s19] =	ssyncadd.s32 $0xFFFFC000  }
0x32: {  	[spmem:s8] =	stream.linear.scatter [tilespmem:s18], [sflag:$0x2], $0x4000, $0x38;
	[tilespmem:$0x1D000] =	vst v63  }
0x33: {  	_ =	swait.ge [sflag:s19], $0x4000  }
0x34: {  	[sflag:s19] =	ssyncset.done $0x0  }
0x35: {  	[sflag:s19] =	ssyncadd.s32 $0xFFFFC000  }
0x36: {  	[spmem:s9] =	stream.linear.scatter [tilespmem:s18], [sflag:$0x2], $0x4000, $0x38;
	[tilespmem:$0x1D000] =	vst v63  }
0x37: {  	_ =	swait.ge [sflag:s19], $0x4000  }
0x38: {  	[sflag:s19] =	ssyncset.done $0x0  }
0x39: {  	[sflag:s19] =	ssyncadd.s32 $0xFFFFC000  }
0x3a: {  	s29 =	simm.s32 $0x0;
	[bflag:$0x0] =	sbarrier.arrive $0xFFFF  }
0x3b: {  	[tilespmem:s29], [sflag:$0x2] =	stream.linear.gather [hbm4b:s10+s29], $0x2780, $0x38;
	[tilespmem:$0x1D000] =	vst v63  }
0x3c: {  	_ =	swait.ge [sflag:s19], $0x2780  }
0x3d: {  	[sflag:s19] =	ssyncset.done $0x0  }
0x3e: {  	[sflag:s19] =	ssyncadd.s32 $0xFFFFD880  }
0x3f: {  	[tilespmem:s20], [sflag:$0x2] =	stream.linear.gather [hbm4b:s11+s29], $0x2780, $0x38;
	[tilespmem:$0x1D000] =	vst v63  }
0x40: {  	_ =	swait.ge [sflag:s19], $0x2780  }
0x41: {  	[sflag:s19] =	ssyncset.done $0x0  }
0x42: {  	s30 =	simm.s32 $0x0;
	[sflag:s19] =	ssyncadd.s32 $0xFFFFD880  }
0x43: {  	[tilespmem:s18], [sflag:$0x1] =	stream.indirect.gather [hbm4b:s1+s21], $0x80, s30, s21, $0xb8;
	[tilespmem:$0x1D000] =	vst v63  }
0x44: {  	_ =	swait.ge [sflag:s22], $0x4000  }
0x45: {  	[sflag:s22] =	ssyncset.done $0x0  }
0x46: {  	s31 =	simm.s32 $0x2800;
	[sflag:s22] =	ssyncadd.s32 $0xFFFFC000  }
0x47: {  	[spmem:s3] =	stream.indirect.scatter.add.f32 [tilespmem:s18], [sflag:$0x2], $0x80, s31, s21, $0xb8;
	[tilespmem:$0x1D000] =	vst v63  }
0x48: {  	_ =	swait.ge [sflag:s19], $0x4000  }
0x49: {  	s24 =	simm.s32 $0x200;
	s25 =	simm.s32 $0x400;
	[sflag:s19] =	ssyncset.done $0x0  }
.LBB2_4:
0x4a: {  	s26 =	sshra.s32 s24, $0x2  }
0x4b: {  	[sflag:s19] =	ssyncadd.s32 $0xFFFFC000;
	s24 =	smov.u32 s25;
	s28 =	sadd.s32 $0x200, s25  }
0x4c: {  	[tilespmem:s18], [sflag:$0x1] =	stream.indirect.gather [hbm4b:s1+s21], $0x80, s26, s21, $0xb8;
	[tilespmem:$0x1D000] =	vst v63  }
0x4d: {  	p0 =	sne.s32 s25, $0x9C00;
	_ =	swait.ge [sflag:s22], $0x4000  }
.Ltmp1:
0x4e: {  	[sflag:s22] =	ssyncset.done $0x0;
	(pc) =	sbr.rel @p0 .LBB2_4-.Ltmp1, $4  }
0x4f: {  	s25 =	sadd.s32 $0x2800, s26;
	[sflag:s22] =	ssyncadd.s32 $0xFFFFC000  }
0x50: {  	[spmem:s3] =	stream.indirect.scatter.add.f32 [tilespmem:s18], [sflag:$0x2], $0x80, s25, s21, $0xb8;
	[tilespmem:$0x1D000] =	vst v63  }
0x51: {  	_ =	swait.ge [sflag:s19], $0x4000  }
0x52: {  	s25 =	smov.u32 s28;
	[sflag:s19] =	ssyncset.done $0x0  }
0x53: {  	s24 =	sshra.s32 s24, $0x2;
	[sflag:s19] =	ssyncadd.s32 $0xFFFFC000  }
0x54: {  	[tilespmem:s18], [sflag:$0x1] =	stream.indirect.gather [hbm4b:s1+s21], $0x80, s24, s21, $0xb8;
	[tilespmem:$0x1D000] =	vst v63  }
0x55: {  	_ =	swait.ge [sflag:s22], $0x4000  }
0x56: {  	[sflag:s22] =	ssyncset.done $0x0  }
0x57: {  	s24 =	sadd.s32 $0x2800, s24;
	[sflag:s22] =	ssyncadd.s32 $0xFFFFC000  }
0x58: {  	[spmem:s3] =	stream.indirect.scatter.add.f32 [tilespmem:s18], [sflag:$0x2], $0x80, s24, s21, $0xb8;
	[tilespmem:$0x1D000] =	vst v63  }
0x59: {  	_ =	swait.ge [sflag:s19], $0x4000  }
0x5a: {  	[sflag:s19] =	ssyncset.done $0x0  }
0x5b: {  	[sflag:s19] =	ssyncadd.s32 $0xFFFFC000  }
0x5c: {  	[bflag:$0x0] =	sbarrier.arrive $0xFFFF  }
0x5d: {  	[tilespmem:s18], [sflag:$0x2] =	stream.linear.gather [spmem:s5], $0x4000, $0x38;
	[tilespmem:$0x1D000] =	vst v63  }
0x5e: {  	_ =	swait.ge [sflag:s19], $0x4000  }
0x5f: {  	[sflag:s19] =	ssyncset.done $0x0  }
0x60: {  	[sflag:s19] =	ssyncadd.s32 $0xFFFFC000  }
0x61: {  	[hbm4b:s12+s4] =	stream.linear.scatter [tilespmem:s18], [sflag:$0x2], $0x4000, $0x38;
	[tilespmem:$0x1D000] =	vst v63  }
0x62: {  	_ =	swait.ge [sflag:s19], $0x4000  }
0x63: {  	[sflag:s19] =	ssyncset.done $0x0  }
0x64: {  	[sflag:s19] =	ssyncadd.s32 $0xFFFFC000  }
0x65: {  	[tilespmem:s18], [sflag:$0x2] =	stream.linear.gather [spmem:s6], $0x4000, $0x38;
	[tilespmem:$0x1D000] =	vst v63  }
0x66: {  	_ =	swait.ge [sflag:s19], $0x4000  }
0x67: {  	[sflag:s19] =	ssyncset.done $0x0  }
0x68: {  	[sflag:s19] =	ssyncadd.s32 $0xFFFFC000  }
0x69: {  	[hbm4b:s13+s4] =	stream.linear.scatter [tilespmem:s18], [sflag:$0x2], $0x4000, $0x38;
	[tilespmem:$0x1D000] =	vst v63  }
0x6a: {  	_ =	swait.ge [sflag:s19], $0x4000  }
0x6b: {  	[sflag:s19] =	ssyncset.done $0x0  }
0x6c: {  	[sflag:s19] =	ssyncadd.s32 $0xFFFFC000  }
0x6d: {  	[tilespmem:s18], [sflag:$0x2] =	stream.linear.gather [spmem:s7], $0x4000, $0x38;
	[tilespmem:$0x1D000] =	vst v63  }
0x6e: {  	_ =	swait.ge [sflag:s19], $0x4000  }
0x6f: {  	[sflag:s19] =	ssyncset.done $0x0  }
0x70: {  	[sflag:s19] =	ssyncadd.s32 $0xFFFFC000  }
0x71: {  	[hbm4b:s14+s4] =	stream.linear.scatter [tilespmem:s18], [sflag:$0x2], $0x4000, $0x38;
	[tilespmem:$0x1D000] =	vst v63  }
0x72: {  	_ =	swait.ge [sflag:s19], $0x4000  }
0x73: {  	[sflag:s19] =	ssyncset.done $0x0  }
0x74: {  	[sflag:s19] =	ssyncadd.s32 $0xFFFFC000  }
0x75: {  	[tilespmem:s18], [sflag:$0x2] =	stream.linear.gather [spmem:s8], $0x4000, $0x38;
	[tilespmem:$0x1D000] =	vst v63  }
0x76: {  	_ =	swait.ge [sflag:s19], $0x4000  }
0x77: {  	[sflag:s19] =	ssyncset.done $0x0  }
0x78: {  	[sflag:s19] =	ssyncadd.s32 $0xFFFFC000  }
0x79: {  	[hbm4b:s15+s4] =	stream.linear.scatter [tilespmem:s18], [sflag:$0x2], $0x4000, $0x38;
	[tilespmem:$0x1D000] =	vst v63  }
0x7a: {  	_ =	swait.ge [sflag:s19], $0x4000  }
0x7b: {  	[sflag:s19] =	ssyncset.done $0x0  }
0x7c: {  	[sflag:s19] =	ssyncadd.s32 $0xFFFFC000  }
0x7d: {  	[tilespmem:s18], [sflag:$0x2] =	stream.linear.gather [spmem:s9], $0x4000, $0x38;
	[tilespmem:$0x1D000] =	vst v63  }
0x7e: {  	s23 =	sadd.s32 $0x1, s23;
	_ =	swait.ge [sflag:s19], $0x4000  }
0x7f: {  	p0 =	sne.s32 s23, s17;
	[sflag:s19] =	ssyncset.done $0x0  }
.Ltmp2:
0x80: {  	[sflag:s19] =	ssyncadd.s32 $0xFFFFC000;
	(pc) =	sbr.rel @p0 .LBB2_1-.Ltmp2, $4  }
0x81: {  	[hbm4b:s16+s4] =	stream.linear.scatter [tilespmem:s18], [sflag:$0x2], $0x4000, $0x38;
	[tilespmem:$0x1D000] =	vst v63  }
0x82: {  	_ =	swait.ge [sflag:s19], $0x4000  }
0x83: {  	[sflag:s19] =	ssyncset.done $0x0  }
0x84: {  	[sflag:s19] =	ssyncadd.s32 $0xFFFFC000  }
0x85: {  	_ =	sfence.sel $0x180000  }
0x86: {  	[bflag:$0x0] =	sbarrier.arrive $0xFFFF  }
0x87: {  	p0 =	sne.s32 s0, $0x0;
	_ =	strace $0x90000047  }
0x88: {  	s0 =	sadd.s32 @!p0 $0x100000, s2;
	[bflag:$0x2] =	sbarrier.arrive $0xFFFF  }
0x89: {  	[sflag:s0] =	ssyncadd.tile.s32 @!p0 $0x1;
	_ =	shalt  }
.Lfunc_end2:
_tile_overlayer_lowered:
.L_overlay_start_2:
0x8a: {  	(tag) =	ssettag $0x2  }
0x8b: {  	s0 =	rddreg [dreg:$0x0];
	s2 =	stileid.u32  }
0x8c: {  	s1 =	rddreg [dreg:$0x1];
	p0 =	sne.s32 s2, $0x0  }
0x8d: {  	s3 =	rddreg [dreg:$0x2];
	[bflag:$0x3] =	sbarrier.arrive $0xFFFF;
	s2 =	simm.s32 @!p0 $0x1C02  }
0x8e: {  	[timem:s3], [sflag:s2] =	dma.local @!p0 [hbm:s0], s1  }
0x8f: {  	s0 =	simm.s32 @!p0 $0x2  }
0x90: {  	_ =	swait.ge @!p0 [sflag:s0], s1  }
0x91: {  	s1 =	ssub.s32 @!p0 $0x0, s1;
	[sflag:s0] =	ssyncset.done @!p0 $0x0  }
0x92: {  	[sflag:s0] =	ssyncadd.s32 @!p0 s1  }
0x93: {  	[bflag:$0x3] =	sbarrier.arrive $0xFFFF  }
0x94: {  	_ =	shalt  }

</sc_bundles>
